<compile_context>
chip_gen: v7x
topology: tpu7x:2x2x1
jax: 0.10.2.dev20260603
libtpu: 0.0.44.dev20260713+nightly
codegen_flags: <defaults>
</compile_context>

<pallas_src>
import functools

import jax
import jax.numpy as jnp
from jax import lax
from jax.experimental import pallas as pl
from jax.experimental.pallas import tpu as pltpu
from jax.experimental.pallas import tpu_sc as plsc



def _sc_gather(features, idx_flat):
    n_rows = idx_flat.shape[0]
    feat_dim = features.shape[1]
    info = plsc.get_sparse_core_info()
    n_workers = info.num_cores * info.num_subcores
    assert n_rows % n_workers == 0
    per_worker = n_rows // n_workers
    chunk = 128
    while per_worker % chunk:
        chunk //= 2
    n_chunks = per_worker // chunk
    num_cores = info.num_cores

    mesh = plsc.VectorSubcoreMesh(core_axis_name="c", subcore_axis_name="s")

    @functools.partial(
        pl.kernel,
        out_type=jax.ShapeDtypeStruct((n_rows, feat_dim), features.dtype),
        mesh=mesh,
        scratch_types=[
            pltpu.VMEM((2, chunk), jnp.int32),
            pltpu.VMEM((2, chunk, feat_dim), jnp.float32),
            pltpu.SemaphoreType.DMA,
            pltpu.SemaphoreType.DMA,
        ],
    )
    def gather_kernel(table_hbm, idx_hbm, out_hbm, idx_v, rows_v, sem0, sem1):
        wid = lax.axis_index("s") * num_cores + lax.axis_index("c")
        base = wid * per_worker
        sems = [sem0, sem1]

        def start(c):
            buf = c % 2
            off = base + c * chunk
            pltpu.sync_copy(idx_hbm.at[pl.ds(off, chunk)], idx_v.at[buf])
            return pltpu.async_copy(
                table_hbm.at[idx_v.at[buf]], rows_v.at[buf], sems[buf])

        pending = start(0)
        for c in range(n_chunks):
            nxt = start(c + 1) if c + 1 < n_chunks else None
            pending.wait()
            pltpu.sync_copy(rows_v.at[c % 2],
                            out_hbm.at[pl.ds(base + c * chunk, chunk)])
            pending = nxt

    return gather_kernel(features, idx_flat)



def _attn_body(emb_ref, w11_ref, w12_ref, w21_ref, w22_ref, w31_ref,
               w32_ref, out_ref):
    x = emb_ref[...]
    k_fan, b_blk, f_dim = x.shape
    xT = jnp.transpose(x.reshape(k_fan * b_blk, f_dim))

    def matT(w_ref, rhs):
        return jax.lax.dot_general(w_ref[...], rhs, (((0,), (0,)), ((), ())))

    u2T = jnp.tanh(matT(w11_ref, xT))
    g = jax.lax.dot_general(
        w22_ref[...], w12_ref[...], (((1,), (1,)), ((), ())))
    t2T = g @ u2T
    t3T = jnp.tanh(matT(w21_ref, xT))
    t4T = matT(w32_ref, jnp.tanh(matT(w31_ref, xT)))

    t2s = [t2T[:, k * b_blk:(k + 1) * b_blk] for k in range(k_fan)]
    t3s = [t3T[:, k * b_blk:(k + 1) * b_blk] for k in range(k_fan)]
    t4s = [t4T[:, k * b_blk:(k + 1) * b_blk] for k in range(k_fan)]

    w = [jnp.zeros((b_blk,), jnp.float32) for _ in range(k_fan)]
    for k in range(k_fan):
        s = [jnp.sum(t2s[k] * t3s[j], axis=0) for j in range(k_fan)]
        m = s[0]
        for j in range(1, k_fan):
            m = jnp.maximum(m, s[j])
        e = [jnp.exp(s[j] - m) for j in range(k_fan)]
        tot = e[0]
        for j in range(1, k_fan):
            tot = tot + e[j]
        inv = 1.0 / tot
        for j in range(k_fan):
            w[j] = w[j] + e[j] * inv

    outT = w[0][None, :] * t4s[0]
    for j in range(1, k_fan):
        outT = outT + w[j][None, :] * t4s[j]
    out_ref[...] = jnp.transpose(outT)


def _attn_call(emb_t, W11, W12, W21, W22, W31, W32, b_blk=512):
    k_fan, batch, f_dim = emb_t.shape
    h_dim = W12.shape[1]
    grid = (batch // b_blk,)
    wspec = pl.BlockSpec((f_dim, h_dim), lambda i: (0, 0))
    return pl.pallas_call(
        _attn_body,
        grid=grid,
        in_specs=[
            pl.BlockSpec((k_fan, b_blk, f_dim), lambda i: (0, i, 0)),
            wspec, wspec, wspec, wspec, wspec, wspec,
        ],
        out_specs=pl.BlockSpec((b_blk, h_dim), lambda i: (i, 0)),
        out_shape=jax.ShapeDtypeStruct((batch, h_dim), jnp.float32),
    )(emb_t, W11, W12, W21, W22, W31, W32)


def kernel(nodes, to_neighs, features, W11, W12, W21, W22, W31, W32):
    del nodes
    batch, k_fan = to_neighs.shape
    f_dim = features.shape[1]
    n_split = 2
    b_part = batch // n_split
    embs = []
    for p in range(n_split):
        idx = to_neighs[p * b_part:(p + 1) * b_part].T.reshape(-1)
        embs.append(_sc_gather(features, idx).reshape(k_fan, b_part, f_dim))
    outs = [_attn_call(e, W11, W12, W21, W22, W31, W32) for e in embs]
    return jnp.concatenate(outs, axis=0)

# --- scband reference (transcript-rebuilt; emitter-appended) ---
"""Pipeline reference for scband-attention-aggregator-33698313404804 (READ-ONLY COPY).

The authoritative reference and input builder live on the scoring server;
editing this copy changes nothing except your own understanding.
"""

import jax, jax.numpy as jnp
import numpy as np

B, K, N, F, H = 4096, 10, 100000, 256, 256


def setup_inputs(seed: int = 0) -> dict:
    key = jax.random.key(seed)
    ks = jax.random.split(key, 9)
    nodes = jax.random.randint(ks[0], (B,), 0, N, dtype=jnp.int32)
    to_neighs = jax.random.randint(ks[1], (B, K), 0, N, dtype=jnp.int32)
    features = jax.random.normal(ks[2], (N, F), dtype=jnp.float32)
    # att1/att2/att3 are each Sequential(Linear(F->H, bias=False), Tanh, Linear(H->H, bias=False)).
    # Store weights in (in, out) layout so forward is x @ W.
    s1 = 1.0 / np.sqrt(F)
    s2 = 1.0 / np.sqrt(H)
    W11 = jax.random.uniform(ks[3], (F, H), jnp.float32, -s1, s1)
    W12 = jax.random.uniform(ks[4], (H, H), jnp.float32, -s2, s2)
    W21 = jax.random.uniform(ks[5], (F, H), jnp.float32, -s1, s1)
    W22 = jax.random.uniform(ks[6], (H, H), jnp.float32, -s2, s2)
    W31 = jax.random.uniform(ks[7], (F, H), jnp.float32, -s1, s1)
    W32 = jax.random.uniform(ks[8], (H, H), jnp.float32, -s2, s2)
    return {"nodes": nodes, "to_neighs": to_neighs, "features": features,
            "W11": W11, "W12": W12, "W21": W21, "W22": W22, "W31": W31, "W32": W32}


def reference(nodes, to_neighs, features, W11, W12, W21, W22, W31, W32):
    # Tensorized equivalent of AttentionAggregator.forward with fixed fan-out K=num_sample.
    # Gather neighbor embeddings (the mask + unique-node machinery in the torch code
    # just reconstructs, per batch row, the [K, F] matrix of neighbor embeddings).
    emb = jnp.take(features, to_neighs, axis=0)  # [B, K, F]

    def att(x, Wa, Wb):
        return jnp.tanh(x @ Wa) @ Wb

    t2 = att(emb, W11, W12)  # [B, K, H]
    t3 = att(emb, W21, W22)  # [B, K, H]
    t4 = att(emb, W31, W32)  # [B, K, H]
    scores = jnp.einsum('bkh,bjh->bkj', t2, t3)      # temp2 @ temp3.T per node
    neib_att = jax.nn.softmax(scores, axis=-1)        # softmax over last dim
    agg = jnp.sum(jnp.einsum('bkj,bjh->bkh', neib_att, t4), axis=1)  # sum over dim 0 per node
    return agg  # [B, H]

if __name__ == "__main__":
    import jax
    _d = setup_inputs()
    print(jax.jit(kernel)(*tuple(_d.values())))

</pallas_src>

<mosaic_0001>
#map = affine_map<(d0, d1) -> (0, 0)>
#map1 = affine_map<(d0, d1) -> (0)>
module attributes {stable_mosaic.version = 14 : i64} {
  func.func @gather_kernel(%arg0: i32, %arg1: i32, %arg2: memref<100000x256xf32, #tpu.memory_space<hbm>>, %arg3: memref<20480xi32, #tpu.memory_space<hbm>>, %arg4: memref<20480x256xf32, #tpu.memory_space<hbm>>, %arg5: memref<2x128xi32, #tpu.memory_space<vmem>>, %arg6: memref<2x128x256xf32, #tpu.memory_space<vmem>>, %arg7: memref<!tpu.dma_semaphore, #tpu.memory_space<semaphore_mem>>, %arg8: memref<!tpu.dma_semaphore, #tpu.memory_space<semaphore_mem>>) attributes {dimension_semantics = [#tpu.dimension_semantics<core_parallel>, #tpu.dimension_semantics<subcore_parallel>], iteration_bounds = array<i64: 2, 16>, scalar_prefetch = 0 : i64, scratch_operands = 4 : i64, tpu.core_type = #tpu.core_type<sc_vector_subcore>, window_params = [{transform_indices = #map}, {transform_indices = #map1}, {transform_indices = #map}]} {
    %mul3A = arith.constant 2 : i32
    %mul3A_0 = arith.muli %arg1, %mul3A : i32
    %add3A = arith.addi %mul3A_0, %arg0 : i32
    %mul3A_1 = arith.constant 640 : i32
    %mul3A_2 = arith.muli %add3A, %mul3A_1 : i32
    %add3A_3 = arith.constant 0 : i32
    %add3A_4 = arith.addi %mul3A_2, %add3A_3 : i32
    %run_scoped3A = arith.constant 0 : i32
    "tpu.region"() ({
      %run_scoped3A_150 = tpu.sem_alloc : memref<!tpu.dma_semaphore, #tpu.memory_space<semaphore_mem>>
      %dma_start3A_151 = arith.constant 0 : i32
      %dma_start3A_152 = tpu.memref_slice %arg5[%run_scoped3A, %dma_start3A_151] : memref<2x128xi32, #tpu.memory_space<vmem>> -> memref<1x128xi32, #tpu.memory_space<vmem>>
      %dma_start3A_153 = tpu.memref_squeeze %dma_start3A_152 : memref<1x128xi32, #tpu.memory_space<vmem>> -> memref<128xi32, #tpu.memory_space<vmem>>
      %dma_start3A_154 = tpu.memref_slice %arg3[%add3A_4] : memref<20480xi32, #tpu.memory_space<hbm>> -> memref<128xi32, #tpu.memory_space<hbm>>
      %dma_start3A_155 = arith.constant 0 : i32
      %dma_start3A_156 = tpu.memref_slice %arg5[%run_scoped3A, %dma_start3A_155] : memref<2x128xi32, #tpu.memory_space<vmem>> -> memref<1x128xi32, #tpu.memory_space<vmem>>
      %dma_start3A_157 = tpu.memref_squeeze %dma_start3A_156 : memref<1x128xi32, #tpu.memory_space<vmem>> -> memref<128xi32, #tpu.memory_space<vmem>>
      %dma_start3A_158 = tpu.memref_slice %arg3[%add3A_4] : memref<20480xi32, #tpu.memory_space<hbm>> -> memref<128xi32, #tpu.memory_space<hbm>>
      tpu.enqueue_dma source(%dma_start3A_158 : memref<128xi32, #tpu.memory_space<hbm>>) target(%dma_start3A_157 : memref<128xi32, #tpu.memory_space<vmem>>) target_semaphore(%run_scoped3A_150 : memref<!tpu.dma_semaphore, #tpu.memory_space<semaphore_mem>>)
      %dma_wait3A_159 = arith.constant 0 : i32
      %dma_wait3A_160 = tpu.memref_slice %arg5[%run_scoped3A, %dma_wait3A_159] : memref<2x128xi32, #tpu.memory_space<vmem>> -> memref<1x128xi32, #tpu.memory_space<vmem>>
      %dma_wait3A_161 = tpu.memref_squeeze %dma_wait3A_160 : memref<1x128xi32, #tpu.memory_space<vmem>> -> memref<128xi32, #tpu.memory_space<vmem>>
      %dma_wait3A_162 = tpu.memref_slice %arg3[%add3A_4] : memref<20480xi32, #tpu.memory_space<hbm>> -> memref<128xi32, #tpu.memory_space<hbm>>
      %dma_wait3A_163 = arith.constant 0 : i32
      %dma_wait3A_164 = tpu.memref_slice %arg5[%run_scoped3A, %dma_wait3A_163] : memref<2x128xi32, #tpu.memory_space<vmem>> -> memref<1x128xi32, #tpu.memory_space<vmem>>
      %dma_wait3A_165 = tpu.memref_squeeze %dma_wait3A_164 : memref<1x128xi32, #tpu.memory_space<vmem>> -> memref<128xi32, #tpu.memory_space<vmem>>
      %dma_wait3A_166 = tpu.memref_slice %arg3[%add3A_4] : memref<20480xi32, #tpu.memory_space<hbm>> -> memref<128xi32, #tpu.memory_space<hbm>>
      tpu.wait_dma2 semaphore(%run_scoped3A_150 : memref<!tpu.dma_semaphore, #tpu.memory_space<semaphore_mem>>) src(%dma_wait3A_166 : memref<128xi32, #tpu.memory_space<hbm>>) dst(%dma_wait3A_165 : memref<128xi32, #tpu.memory_space<vmem>>)
      tpu.yield
    }) : () -> ()
    %dma_start3A = arith.constant 0 : i32
    %dma_start3A_5 = arith.constant 0 : i32
    %dma_start3A_6 = arith.constant 0 : i32
    %dma_start3A_7 = arith.constant 0 : i32
    %dma_start3A_8 = tpu.memref_slice %arg6[%dma_start3A_5, %dma_start3A_6, %dma_start3A_7] : memref<2x128x256xf32, #tpu.memory_space<vmem>> -> memref<1x128x256xf32, #tpu.memory_space<vmem>>
    %dma_start3A_9 = tpu.memref_squeeze %dma_start3A_8 : memref<1x128x256xf32, #tpu.memory_space<vmem>> -> memref<128x256xf32, #tpu.memory_space<vmem>>
    %dma_start3A_10 = arith.constant 0 : i32
    %dma_start3A_11 = tpu.memref_slice %arg5[%dma_start3A, %dma_start3A_10] : memref<2x128xi32, #tpu.memory_space<vmem>> -> memref<1x128xi32, #tpu.memory_space<vmem>>
    %dma_start3A_12 = tpu.memref_squeeze %dma_start3A_11 : memref<1x128xi32, #tpu.memory_space<vmem>> -> memref<128xi32, #tpu.memory_space<vmem>>
    %dma_start3A_13 = arith.constant 0 : i32
    %dma_start3A_14 = arith.constant 0 : i32
    %dma_start3A_15 = tpu.memref_slice %arg2[%dma_start3A_13, %dma_start3A_14] : memref<100000x256xf32, #tpu.memory_space<hbm>> -> memref<100000x256xf32, #tpu.memory_space<hbm>>
    tpu.enqueue_indirect_dma source(%dma_start3A_15 : memref<100000x256xf32, #tpu.memory_space<hbm>>) target(%dma_start3A_9 : memref<128x256xf32, #tpu.memory_space<vmem>>) offsets(%dma_start3A_12 : memref<128xi32, #tpu.memory_space<vmem>>) semaphore(%arg7 : memref<!tpu.dma_semaphore, #tpu.memory_space<semaphore_mem>>)
    %add3A_16 = arith.constant 128 : i32
    %add3A_17 = arith.addi %mul3A_2, %add3A_16 : i32
    %run_scoped3A_18 = arith.constant 1 : i32
    "tpu.region"() ({
      %run_scoped3A_150 = tpu.sem_alloc : memref<!tpu.dma_semaphore, #tpu.memory_space<semaphore_mem>>
      %dma_start3A_151 = arith.constant 0 : i32
      %dma_start3A_152 = tpu.memref_slice %arg5[%run_scoped3A_18, %dma_start3A_151] : memref<2x128xi32, #tpu.memory_space<vmem>> -> memref<1x128xi32, #tpu.memory_space<vmem>>
      %dma_start3A_153 = tpu.memref_squeeze %dma_start3A_152 : memref<1x128xi32, #tpu.memory_space<vmem>> -> memref<128xi32, #tpu.memory_space<vmem>>
      %dma_start3A_154 = tpu.memref_slice %arg3[%add3A_17] : memref<20480xi32, #tpu.memory_space<hbm>> -> memref<128xi32, #tpu.memory_space<hbm>>
      %dma_start3A_155 = arith.constant 0 : i32
      %dma_start3A_156 = tpu.memref_slice %arg5[%run_scoped3A_18, %dma_start3A_155] : memref<2x128xi32, #tpu.memory_space<vmem>> -> memref<1x128xi32, #tpu.memory_space<vmem>>
      %dma_start3A_157 = tpu.memref_squeeze %dma_start3A_156 : memref<1x128xi32, #tpu.memory_space<vmem>> -> memref<128xi32, #tpu.memory_space<vmem>>
      %dma_start3A_158 = tpu.memref_slice %arg3[%add3A_17] : memref<20480xi32, #tpu.memory_space<hbm>> -> memref<128xi32, #tpu.memory_space<hbm>>
      tpu.enqueue_dma source(%dma_start3A_158 : memref<128xi32, #tpu.memory_space<hbm>>) target(%dma_start3A_157 : memref<128xi32, #tpu.memory_space<vmem>>) target_semaphore(%run_scoped3A_150 : memref<!tpu.dma_semaphore, #tpu.memory_space<semaphore_mem>>)
      %dma_wait3A_159 = arith.constant 0 : i32
      %dma_wait3A_160 = tpu.memref_slice %arg5[%run_scoped3A_18, %dma_wait3A_159] : memref<2x128xi32, #tpu.memory_space<vmem>> -> memref<1x128xi32, #tpu.memory_space<vmem>>
      %dma_wait3A_161 = tpu.memref_squeeze %dma_wait3A_160 : memref<1x128xi32, #tpu.memory_space<vmem>> -> memref<128xi32, #tpu.memory_space<vmem>>
      %dma_wait3A_162 = tpu.memref_slice %arg3[%add3A_17] : memref<20480xi32, #tpu.memory_space<hbm>> -> memref<128xi32, #tpu.memory_space<hbm>>
      %dma_wait3A_163 = arith.constant 0 : i32
      %dma_wait3A_164 = tpu.memref_slice %arg5[%run_scoped3A_18, %dma_wait3A_163] : memref<2x128xi32, #tpu.memory_space<vmem>> -> memref<1x128xi32, #tpu.memory_space<vmem>>
      %dma_wait3A_165 = tpu.memref_squeeze %dma_wait3A_164 : memref<1x128xi32, #tpu.memory_space<vmem>> -> memref<128xi32, #tpu.memory_space<vmem>>
      %dma_wait3A_166 = tpu.memref_slice %arg3[%add3A_17] : memref<20480xi32, #tpu.memory_space<hbm>> -> memref<128xi32, #tpu.memory_space<hbm>>
      tpu.wait_dma2 semaphore(%run_scoped3A_150 : memref<!tpu.dma_semaphore, #tpu.memory_space<semaphore_mem>>) src(%dma_wait3A_166 : memref<128xi32, #tpu.memory_space<hbm>>) dst(%dma_wait3A_165 : memref<128xi32, #tpu.memory_space<vmem>>)
      tpu.yield
    }) : () -> ()
    %dma_start3A_19 = arith.constant 1 : i32
    %dma_start3A_20 = arith.constant 1 : i32
    %dma_start3A_21 = arith.constant 0 : i32
    %dma_start3A_22 = arith.constant 0 : i32
    %dma_start3A_23 = tpu.memref_slice %arg6[%dma_start3A_20, %dma_start3A_21, %dma_start3A_22] : memref<2x128x256xf32, #tpu.memory_space<vmem>> -> memref<1x128x256xf32, #tpu.memory_space<vmem>>
    %dma_start3A_24 = tpu.memref_squeeze %dma_start3A_23 : memref<1x128x256xf32, #tpu.memory_space<vmem>> -> memref<128x256xf32, #tpu.memory_space<vmem>>
    %dma_start3A_25 = arith.constant 0 : i32
    %dma_start3A_26 = tpu.memref_slice %arg5[%dma_start3A_19, %dma_start3A_25] : memref<2x128xi32, #tpu.memory_space<vmem>> -> memref<1x128xi32, #tpu.memory_space<vmem>>
    %dma_start3A_27 = tpu.memref_squeeze %dma_start3A_26 : memref<1x128xi32, #tpu.memory_space<vmem>> -> memref<128xi32, #tpu.memory_space<vmem>>
    %dma_start3A_28 = arith.constant 0 : i32
    %dma_start3A_29 = arith.constant 0 : i32
    %dma_start3A_30 = tpu.memref_slice %arg2[%dma_start3A_28, %dma_start3A_29] : memref<100000x256xf32, #tpu.memory_space<hbm>> -> memref<100000x256xf32, #tpu.memory_space<hbm>>
    tpu.enqueue_indirect_dma source(%dma_start3A_30 : memref<100000x256xf32, #tpu.memory_space<hbm>>) target(%dma_start3A_24 : memref<128x256xf32, #tpu.memory_space<vmem>>) offsets(%dma_start3A_27 : memref<128xi32, #tpu.memory_space<vmem>>) semaphore(%arg8 : memref<!tpu.dma_semaphore, #tpu.memory_space<semaphore_mem>>)
    %dma_wait3A = arith.constant 0 : i32
    %dma_wait3A_31 = arith.constant 0 : i32
    %dma_wait3A_32 = arith.constant 0 : i32
    %dma_wait3A_33 = arith.constant 0 : i32
    %dma_wait3A_34 = tpu.memref_slice %arg6[%dma_wait3A_31, %dma_wait3A_32, %dma_wait3A_33] : memref<2x128x256xf32, #tpu.memory_space<vmem>> -> memref<1x128x256xf32, #tpu.memory_space<vmem>>
    %dma_wait3A_35 = tpu.memref_squeeze %dma_wait3A_34 : memref<1x128x256xf32, #tpu.memory_space<vmem>> -> memref<128x256xf32, #tpu.memory_space<vmem>>
    %dma_wait3A_36 = arith.constant 0 : i32
    %dma_wait3A_37 = tpu.memref_slice %arg5[%dma_wait3A, %dma_wait3A_36] : memref<2x128xi32, #tpu.memory_space<vmem>> -> memref<1x128xi32, #tpu.memory_space<vmem>>
    %dma_wait3A_38 = tpu.memref_squeeze %dma_wait3A_37 : memref<1x128xi32, #tpu.memory_space<vmem>> -> memref<128xi32, #tpu.memory_space<vmem>>
    %dma_wait3A_39 = arith.constant 0 : i32
    %dma_wait3A_40 = arith.constant 0 : i32
    %dma_wait3A_41 = tpu.memref_slice %arg2[%dma_wait3A_39, %dma_wait3A_40] : memref<100000x256xf32, #tpu.memory_space<hbm>> -> memref<100000x256xf32, #tpu.memory_space<hbm>>
    tpu.wait_indirect_dma semaphore(%arg7 : memref<!tpu.dma_semaphore, #tpu.memory_space<semaphore_mem>>) src(%dma_wait3A_41 : memref<100000x256xf32, #tpu.memory_space<hbm>>) dst(%dma_wait3A_35 : memref<128x256xf32, #tpu.memory_space<vmem>>)
    %add3A_42 = arith.constant 0 : i32
    %add3A_43 = arith.addi %mul3A_2, %add3A_42 : i32
    %run_scoped3A_44 = arith.constant 0 : i32
    "tpu.region"() ({
      %run_scoped3A_150 = tpu.sem_alloc : memref<!tpu.dma_semaphore, #tpu.memory_space<semaphore_mem>>
      %dma_start3A_151 = arith.constant 0 : i32
      %dma_start3A_152 = arith.constant 0 : i32
      %dma_start3A_153 = tpu.memref_slice %arg6[%run_scoped3A_44, %dma_start3A_151, %dma_start3A_152] : memref<2x128x256xf32, #tpu.memory_space<vmem>> -> memref<1x128x256xf32, #tpu.memory_space<vmem>>
      %dma_start3A_154 = tpu.memref_squeeze %dma_start3A_153 : memref<1x128x256xf32, #tpu.memory_space<vmem>> -> memref<128x256xf32, #tpu.memory_space<vmem>>
      %dma_start3A_155 = arith.constant 0 : i32
      %dma_start3A_156 = tpu.memref_slice %arg4[%add3A_43, %dma_start3A_155] : memref<20480x256xf32, #tpu.memory_space<hbm>> -> memref<128x256xf32, #tpu.memory_space<hbm>>
      %dma_start3A_157 = arith.constant 0 : i32
      %dma_start3A_158 = tpu.memref_slice %arg4[%add3A_43, %dma_start3A_157] : memref<20480x256xf32, #tpu.memory_space<hbm>> -> memref<128x256xf32, #tpu.memory_space<hbm>>
      %dma_start3A_159 = arith.constant 0 : i32
      %dma_start3A_160 = arith.constant 0 : i32
      %dma_start3A_161 = tpu.memref_slice %arg6[%run_scoped3A_44, %dma_start3A_159, %dma_start3A_160] : memref<2x128x256xf32, #tpu.memory_space<vmem>> -> memref<1x128x256xf32, #tpu.memory_space<vmem>>
      %dma_start3A_162 = tpu.memref_squeeze %dma_start3A_161 : memref<1x128x256xf32, #tpu.memory_space<vmem>> -> memref<128x256xf32, #tpu.memory_space<vmem>>
      tpu.enqueue_dma source(%dma_start3A_162 : memref<128x256xf32, #tpu.memory_space<vmem>>) target(%dma_start3A_158 : memref<128x256xf32, #tpu.memory_space<hbm>>) target_semaphore(%run_scoped3A_150 : memref<!tpu.dma_semaphore, #tpu.memory_space<semaphore_mem>>)
      %dma_wait3A_163 = arith.constant 0 : i32
      %dma_wait3A_164 = arith.constant 0 : i32
      %dma_wait3A_165 = tpu.memref_slice %arg6[%run_scoped3A_44, %dma_wait3A_163, %dma_wait3A_164] : memref<2x128x256xf32, #tpu.memory_space<vmem>> -> memref<1x128x256xf32, #tpu.memory_space<vmem>>
      %dma_wait3A_166 = tpu.memref_squeeze %dma_wait3A_165 : memref<1x128x256xf32, #tpu.memory_space<vmem>> -> memref<128x256xf32, #tpu.memory_space<vmem>>
      %dma_wait3A_167 = arith.constant 0 : i32
      %dma_wait3A_168 = tpu.memref_slice %arg4[%add3A_43, %dma_wait3A_167] : memref<20480x256xf32, #tpu.memory_space<hbm>> -> memref<128x256xf32, #tpu.memory_space<hbm>>
      %dma_wait3A_169 = arith.constant 0 : i32
      %dma_wait3A_170 = tpu.memref_slice %arg4[%add3A_43, %dma_wait3A_169] : memref<20480x256xf32, #tpu.memory_space<hbm>> -> memref<128x256xf32, #tpu.memory_space<hbm>>
      %dma_wait3A_171 = arith.constant 0 : i32
      %dma_wait3A_172 = arith.constant 0 : i32
      %dma_wait3A_173 = tpu.memref_slice %arg6[%run_scoped3A_44, %dma_wait3A_171, %dma_wait3A_172] : memref<2x128x256xf32, #tpu.memory_space<vmem>> -> memref<1x128x256xf32, #tpu.memory_space<vmem>>
      %dma_wait3A_174 = tpu.memref_squeeze %dma_wait3A_173 : memref<1x128x256xf32, #tpu.memory_space<vmem>> -> memref<128x256xf32, #tpu.memory_space<vmem>>
      tpu.wait_dma2 semaphore(%run_scoped3A_150 : memref<!tpu.dma_semaphore, #tpu.memory_space<semaphore_mem>>) src(%dma_wait3A_174 : memref<128x256xf32, #tpu.memory_space<vmem>>) dst(%dma_wait3A_170 : memref<128x256xf32, #tpu.memory_space<hbm>>)
      tpu.yield
    }) : () -> ()
    %add3A_45 = arith.constant 256 : i32
    %add3A_46 = arith.addi %mul3A_2, %add3A_45 : i32
    %run_scoped3A_47 = arith.constant 0 : i32
    "tpu.region"() ({
      %run_scoped3A_150 = tpu.sem_alloc : memref<!tpu.dma_semaphore, #tpu.memory_space<semaphore_mem>>
      %dma_start3A_151 = arith.constant 0 : i32
      %dma_start3A_152 = tpu.memref_slice %arg5[%run_scoped3A_47, %dma_start3A_151] : memref<2x128xi32, #tpu.memory_space<vmem>> -> memref<1x128xi32, #tpu.memory_space<vmem>>
      %dma_start3A_153 = tpu.memref_squeeze %dma_start3A_152 : memref<1x128xi32, #tpu.memory_space<vmem>> -> memref<128xi32, #tpu.memory_space<vmem>>
      %dma_start3A_154 = tpu.memref_slice %arg3[%add3A_46] : memref<20480xi32, #tpu.memory_space<hbm>> -> memref<128xi32, #tpu.memory_space<hbm>>
      %dma_start3A_155 = arith.constant 0 : i32
      %dma_start3A_156 = tpu.memref_slice %arg5[%run_scoped3A_47, %dma_start3A_155] : memref<2x128xi32, #tpu.memory_space<vmem>> -> memref<1x128xi32, #tpu.memory_space<vmem>>
      %dma_start3A_157 = tpu.memref_squeeze %dma_start3A_156 : memref<1x128xi32, #tpu.memory_space<vmem>> -> memref<128xi32, #tpu.memory_space<vmem>>
      %dma_start3A_158 = tpu.memref_slice %arg3[%add3A_46] : memref<20480xi32, #tpu.memory_space<hbm>> -> memref<128xi32, #tpu.memory_space<hbm>>
      tpu.enqueue_dma source(%dma_start3A_158 : memref<128xi32, #tpu.memory_space<hbm>>) target(%dma_start3A_157 : memref<128xi32, #tpu.memory_space<vmem>>) target_semaphore(%run_scoped3A_150 : memref<!tpu.dma_semaphore, #tpu.memory_space<semaphore_mem>>)
      %dma_wait3A_159 = arith.constant 0 : i32
      %dma_wait3A_160 = tpu.memref_slice %arg5[%run_scoped3A_47, %dma_wait3A_159] : memref<2x128xi32, #tpu.memory_space<vmem>> -> memref<1x128xi32, #tpu.memory_space<vmem>>
      %dma_wait3A_161 = tpu.memref_squeeze %dma_wait3A_160 : memref<1x128xi32, #tpu.memory_space<vmem>> -> memref<128xi32, #tpu.memory_space<vmem>>
      %dma_wait3A_162 = tpu.memref_slice %arg3[%add3A_46] : memref<20480xi32, #tpu.memory_space<hbm>> -> memref<128xi32, #tpu.memory_space<hbm>>
      %dma_wait3A_163 = arith.constant 0 : i32
      %dma_wait3A_164 = tpu.memref_slice %arg5[%run_scoped3A_47, %dma_wait3A_163] : memref<2x128xi32, #tpu.memory_space<vmem>> -> memref<1x128xi32, #tpu.memory_space<vmem>>
      %dma_wait3A_165 = tpu.memref_squeeze %dma_wait3A_164 : memref<1x128xi32, #tpu.memory_space<vmem>> -> memref<128xi32, #tpu.memory_space<vmem>>
      %dma_wait3A_166 = tpu.memref_slice %arg3[%add3A_46] : memref<20480xi32, #tpu.memory_space<hbm>> -> memref<128xi32, #tpu.memory_space<hbm>>
      tpu.wait_dma2 semaphore(%run_scoped3A_150 : memref<!tpu.dma_semaphore, #tpu.memory_space<semaphore_mem>>) src(%dma_wait3A_166 : memref<128xi32, #tpu.memory_space<hbm>>) dst(%dma_wait3A_165 : memref<128xi32, #tpu.memory_space<vmem>>)
      tpu.yield
    }) : () -> ()
    %dma_start3A_48 = arith.constant 0 : i32
    %dma_start3A_49 = arith.constant 0 : i32
    %dma_start3A_50 = arith.constant 0 : i32
    %dma_start3A_51 = arith.constant 0 : i32
    %dma_start3A_52 = tpu.memref_slice %arg6[%dma_start3A_49, %dma_start3A_50, %dma_start3A_51] : memref<2x128x256xf32, #tpu.memory_space<vmem>> -> memref<1x128x256xf32, #tpu.memory_space<vmem>>
    %dma_start3A_53 = tpu.memref_squeeze %dma_start3A_52 : memref<1x128x256xf32, #tpu.memory_space<vmem>> -> memref<128x256xf32, #tpu.memory_space<vmem>>
    %dma_start3A_54 = arith.constant 0 : i32
    %dma_start3A_55 = tpu.memref_slice %arg5[%dma_start3A_48, %dma_start3A_54] : memref<2x128xi32, #tpu.memory_space<vmem>> -> memref<1x128xi32, #tpu.memory_space<vmem>>
    %dma_start3A_56 = tpu.memref_squeeze %dma_start3A_55 : memref<1x128xi32, #tpu.memory_space<vmem>> -> memref<128xi32, #tpu.memory_space<vmem>>
    %dma_start3A_57 = arith.constant 0 : i32
    %dma_start3A_58 = arith.constant 0 : i32
    %dma_start3A_59 = tpu.memref_slice %arg2[%dma_start3A_57, %dma_start3A_58] : memref<100000x256xf32, #tpu.memory_space<hbm>> -> memref<100000x256xf32, #tpu.memory_space<hbm>>
    tpu.enqueue_indirect_dma source(%dma_start3A_59 : memref<100000x256xf32, #tpu.memory_space<hbm>>) target(%dma_start3A_53 : memref<128x256xf32, #tpu.memory_space<vmem>>) offsets(%dma_start3A_56 : memref<128xi32, #tpu.memory_space<vmem>>) semaphore(%arg7 : memref<!tpu.dma_semaphore, #tpu.memory_space<semaphore_mem>>)
    %dma_wait3A_60 = arith.constant 1 : i32
    %dma_wait3A_61 = arith.constant 1 : i32
    %dma_wait3A_62 = arith.constant 0 : i32
    %dma_wait3A_63 = arith.constant 0 : i32
    %dma_wait3A_64 = tpu.memref_slice %arg6[%dma_wait3A_61, %dma_wait3A_62, %dma_wait3A_63] : memref<2x128x256xf32, #tpu.memory_space<vmem>> -> memref<1x128x256xf32, #tpu.memory_space<vmem>>
    %dma_wait3A_65 = tpu.memref_squeeze %dma_wait3A_64 : memref<1x128x256xf32, #tpu.memory_space<vmem>> -> memref<128x256xf32, #tpu.memory_space<vmem>>
    %dma_wait3A_66 = arith.constant 0 : i32
    %dma_wait3A_67 = tpu.memref_slice %arg5[%dma_wait3A_60, %dma_wait3A_66] : memref<2x128xi32, #tpu.memory_space<vmem>> -> memref<1x128xi32, #tpu.memory_space<vmem>>
    %dma_wait3A_68 = tpu.memref_squeeze %dma_wait3A_67 : memref<1x128xi32, #tpu.memory_space<vmem>> -> memref<128xi32, #tpu.memory_space<vmem>>
    %dma_wait3A_69 = arith.constant 0 : i32
    %dma_wait3A_70 = arith.constant 0 : i32
    %dma_wait3A_71 = tpu.memref_slice %arg2[%dma_wait3A_69, %dma_wait3A_70] : memref<100000x256xf32, #tpu.memory_space<hbm>> -> memref<100000x256xf32, #tpu.memory_space<hbm>>
    tpu.wait_indirect_dma semaphore(%arg8 : memref<!tpu.dma_semaphore, #tpu.memory_space<semaphore_mem>>) src(%dma_wait3A_71 : memref<100000x256xf32, #tpu.memory_space<hbm>>) dst(%dma_wait3A_65 : memref<128x256xf32, #tpu.memory_space<vmem>>)
    %add3A_72 = arith.constant 128 : i32
    %add3A_73 = arith.addi %mul3A_2, %add3A_72 : i32
    %run_scoped3A_74 = arith.constant 1 : i32
    "tpu.region"() ({
      %run_scoped3A_150 = tpu.sem_alloc : memref<!tpu.dma_semaphore, #tpu.memory_space<semaphore_mem>>
      %dma_start3A_151 = arith.constant 0 : i32
      %dma_start3A_152 = arith.constant 0 : i32
      %dma_start3A_153 = tpu.memref_slice %arg6[%run_scoped3A_74, %dma_start3A_151, %dma_start3A_152] : memref<2x128x256xf32, #tpu.memory_space<vmem>> -> memref<1x128x256xf32, #tpu.memory_space<vmem>>
      %dma_start3A_154 = tpu.memref_squeeze %dma_start3A_153 : memref<1x128x256xf32, #tpu.memory_space<vmem>> -> memref<128x256xf32, #tpu.memory_space<vmem>>
      %dma_start3A_155 = arith.constant 0 : i32
      %dma_start3A_156 = tpu.memref_slice %arg4[%add3A_73, %dma_start3A_155] : memref<20480x256xf32, #tpu.memory_space<hbm>> -> memref<128x256xf32, #tpu.memory_space<hbm>>
      %dma_start3A_157 = arith.constant 0 : i32
      %dma_start3A_158 = tpu.memref_slice %arg4[%add3A_73, %dma_start3A_157] : memref<20480x256xf32, #tpu.memory_space<hbm>> -> memref<128x256xf32, #tpu.memory_space<hbm>>
      %dma_start3A_159 = arith.constant 0 : i32
      %dma_start3A_160 = arith.constant 0 : i32
      %dma_start3A_161 = tpu.memref_slice %arg6[%run_scoped3A_74, %dma_start3A_159, %dma_start3A_160] : memref<2x128x256xf32, #tpu.memory_space<vmem>> -> memref<1x128x256xf32, #tpu.memory_space<vmem>>
      %dma_start3A_162 = tpu.memref_squeeze %dma_start3A_161 : memref<1x128x256xf32, #tpu.memory_space<vmem>> -> memref<128x256xf32, #tpu.memory_space<vmem>>
      tpu.enqueue_dma source(%dma_start3A_162 : memref<128x256xf32, #tpu.memory_space<vmem>>) target(%dma_start3A_158 : memref<128x256xf32, #tpu.memory_space<hbm>>) target_semaphore(%run_scoped3A_150 : memref<!tpu.dma_semaphore, #tpu.memory_space<semaphore_mem>>)
      %dma_wait3A_163 = arith.constant 0 : i32
      %dma_wait3A_164 = arith.constant 0 : i32
      %dma_wait3A_165 = tpu.memref_slice %arg6[%run_scoped3A_74, %dma_wait3A_163, %dma_wait3A_164] : memref<2x128x256xf32, #tpu.memory_space<vmem>> -> memref<1x128x256xf32, #tpu.memory_space<vmem>>
      %dma_wait3A_166 = tpu.memref_squeeze %dma_wait3A_165 : memref<1x128x256xf32, #tpu.memory_space<vmem>> -> memref<128x256xf32, #tpu.memory_space<vmem>>
      %dma_wait3A_167 = arith.constant 0 : i32
      %dma_wait3A_168 = tpu.memref_slice %arg4[%add3A_73, %dma_wait3A_167] : memref<20480x256xf32, #tpu.memory_space<hbm>> -> memref<128x256xf32, #tpu.memory_space<hbm>>
      %dma_wait3A_169 = arith.constant 0 : i32
      %dma_wait3A_170 = tpu.memref_slice %arg4[%add3A_73, %dma_wait3A_169] : memref<20480x256xf32, #tpu.memory_space<hbm>> -> memref<128x256xf32, #tpu.memory_space<hbm>>
      %dma_wait3A_171 = arith.constant 0 : i32
      %dma_wait3A_172 = arith.constant 0 : i32
      %dma_wait3A_173 = tpu.memref_slice %arg6[%run_scoped3A_74, %dma_wait3A_171, %dma_wait3A_172] : memref<2x128x256xf32, #tpu.memory_space<vmem>> -> memref<1x128x256xf32, #tpu.memory_space<vmem>>
      %dma_wait3A_174 = tpu.memref_squeeze %dma_wait3A_173 : memref<1x128x256xf32, #tpu.memory_space<vmem>> -> memref<128x256xf32, #tpu.memory_space<vmem>>
      tpu.wait_dma2 semaphore(%run_scoped3A_150 : memref<!tpu.dma_semaphore, #tpu.memory_space<semaphore_mem>>) src(%dma_wait3A_174 : memref<128x256xf32, #tpu.memory_space<vmem>>) dst(%dma_wait3A_170 : memref<128x256xf32, #tpu.memory_space<hbm>>)
      tpu.yield
    }) : () -> ()
    %add3A_75 = arith.constant 384 : i32
    %add3A_76 = arith.addi %mul3A_2, %add3A_75 : i32
    %run_scoped3A_77 = arith.constant 1 : i32
    "tpu.region"() ({
      %run_scoped3A_150 = tpu.sem_alloc : memref<!tpu.dma_semaphore, #tpu.memory_space<semaphore_mem>>
      %dma_start3A_151 = arith.constant 0 : i32
      %dma_start3A_152 = tpu.memref_slice %arg5[%run_scoped3A_77, %dma_start3A_151] : memref<2x128xi32, #tpu.memory_space<vmem>> -> memref<1x128xi32, #tpu.memory_space<vmem>>
      %dma_start3A_153 = tpu.memref_squeeze %dma_start3A_152 : memref<1x128xi32, #tpu.memory_space<vmem>> -> memref<128xi32, #tpu.memory_space<vmem>>
      %dma_start3A_154 = tpu.memref_slice %arg3[%add3A_76] : memref<20480xi32, #tpu.memory_space<hbm>> -> memref<128xi32, #tpu.memory_space<hbm>>
      %dma_start3A_155 = arith.constant 0 : i32
      %dma_start3A_156 = tpu.memref_slice %arg5[%run_scoped3A_77, %dma_start3A_155] : memref<2x128xi32, #tpu.memory_space<vmem>> -> memref<1x128xi32, #tpu.memory_space<vmem>>
      %dma_start3A_157 = tpu.memref_squeeze %dma_start3A_156 : memref<1x128xi32, #tpu.memory_space<vmem>> -> memref<128xi32, #tpu.memory_space<vmem>>
      %dma_start3A_158 = tpu.memref_slice %arg3[%add3A_76] : memref<20480xi32, #tpu.memory_space<hbm>> -> memref<128xi32, #tpu.memory_space<hbm>>
      tpu.enqueue_dma source(%dma_start3A_158 : memref<128xi32, #tpu.memory_space<hbm>>) target(%dma_start3A_157 : memref<128xi32, #tpu.memory_space<vmem>>) target_semaphore(%run_scoped3A_150 : memref<!tpu.dma_semaphore, #tpu.memory_space<semaphore_mem>>)
      %dma_wait3A_159 = arith.constant 0 : i32
      %dma_wait3A_160 = tpu.memref_slice %arg5[%run_scoped3A_77, %dma_wait3A_159] : memref<2x128xi32, #tpu.memory_space<vmem>> -> memref<1x128xi32, #tpu.memory_space<vmem>>
      %dma_wait3A_161 = tpu.memref_squeeze %dma_wait3A_160 : memref<1x128xi32, #tpu.memory_space<vmem>> -> memref<128xi32, #tpu.memory_space<vmem>>
      %dma_wait3A_162 = tpu.memref_slice %arg3[%add3A_76] : memref<20480xi32, #tpu.memory_space<hbm>> -> memref<128xi32, #tpu.memory_space<hbm>>
      %dma_wait3A_163 = arith.constant 0 : i32
      %dma_wait3A_164 = tpu.memref_slice %arg5[%run_scoped3A_77, %dma_wait3A_163] : memref<2x128xi32, #tpu.memory_space<vmem>> -> memref<1x128xi32, #tpu.memory_space<vmem>>
      %dma_wait3A_165 = tpu.memref_squeeze %dma_wait3A_164 : memref<1x128xi32, #tpu.memory_space<vmem>> -> memref<128xi32, #tpu.memory_space<vmem>>
      %dma_wait3A_166 = tpu.memref_slice %arg3[%add3A_76] : memref<20480xi32, #tpu.memory_space<hbm>> -> memref<128xi32, #tpu.memory_space<hbm>>
      tpu.wait_dma2 semaphore(%run_scoped3A_150 : memref<!tpu.dma_semaphore, #tpu.memory_space<semaphore_mem>>) src(%dma_wait3A_166 : memref<128xi32, #tpu.memory_space<hbm>>) dst(%dma_wait3A_165 : memref<128xi32, #tpu.memory_space<vmem>>)
      tpu.yield
    }) : () -> ()
    %dma_start3A_78 = arith.constant 1 : i32
    %dma_start3A_79 = arith.constant 1 : i32
    %dma_start3A_80 = arith.constant 0 : i32
    %dma_start3A_81 = arith.constant 0 : i32
    %dma_start3A_82 = tpu.memref_slice %arg6[%dma_start3A_79, %dma_start3A_80, %dma_start3A_81] : memref<2x128x256xf32, #tpu.memory_space<vmem>> -> memref<1x128x256xf32, #tpu.memory_space<vmem>>
    %dma_start3A_83 = tpu.memref_squeeze %dma_start3A_82 : memref<1x128x256xf32, #tpu.memory_space<vmem>> -> memref<128x256xf32, #tpu.memory_space<vmem>>
    %dma_start3A_84 = arith.constant 0 : i32
    %dma_start3A_85 = tpu.memref_slice %arg5[%dma_start3A_78, %dma_start3A_84] : memref<2x128xi32, #tpu.memory_space<vmem>> -> memref<1x128xi32, #tpu.memory_space<vmem>>
    %dma_start3A_86 = tpu.memref_squeeze %dma_start3A_85 : memref<1x128xi32, #tpu.memory_space<vmem>> -> memref<128xi32, #tpu.memory_space<vmem>>
    %dma_start3A_87 = arith.constant 0 : i32
    %dma_start3A_88 = arith.constant 0 : i32
    %dma_start3A_89 = tpu.memref_slice %arg2[%dma_start3A_87, %dma_start3A_88] : memref<100000x256xf32, #tpu.memory_space<hbm>> -> memref<100000x256xf32, #tpu.memory_space<hbm>>
    tpu.enqueue_indirect_dma source(%dma_start3A_89 : memref<100000x256xf32, #tpu.memory_space<hbm>>) target(%dma_start3A_83 : memref<128x256xf32, #tpu.memory_space<vmem>>) offsets(%dma_start3A_86 : memref<128xi32, #tpu.memory_space<vmem>>) semaphore(%arg8 : memref<!tpu.dma_semaphore, #tpu.memory_space<semaphore_mem>>)
    %dma_wait3A_90 = arith.constant 0 : i32
    %dma_wait3A_91 = arith.constant 0 : i32
    %dma_wait3A_92 = arith.constant 0 : i32
    %dma_wait3A_93 = arith.constant 0 : i32
    %dma_wait3A_94 = tpu.memref_slice %arg6[%dma_wait3A_91, %dma_wait3A_92, %dma_wait3A_93] : memref<2x128x256xf32, #tpu.memory_space<vmem>> -> memref<1x128x256xf32, #tpu.memory_space<vmem>>
    %dma_wait3A_95 = tpu.memref_squeeze %dma_wait3A_94 : memref<1x128x256xf32, #tpu.memory_space<vmem>> -> memref<128x256xf32, #tpu.memory_space<vmem>>
    %dma_wait3A_96 = arith.constant 0 : i32
    %dma_wait3A_97 = tpu.memref_slice %arg5[%dma_wait3A_90, %dma_wait3A_96] : memref<2x128xi32, #tpu.memory_space<vmem>> -> memref<1x128xi32, #tpu.memory_space<vmem>>
    %dma_wait3A_98 = tpu.memref_squeeze %dma_wait3A_97 : memref<1x128xi32, #tpu.memory_space<vmem>> -> memref<128xi32, #tpu.memory_space<vmem>>
    %dma_wait3A_99 = arith.constant 0 : i32
    %dma_wait3A_100 = arith.constant 0 : i32
    %dma_wait3A_101 = tpu.memref_slice %arg2[%dma_wait3A_99, %dma_wait3A_100] : memref<100000x256xf32, #tpu.memory_space<hbm>> -> memref<100000x256xf32, #tpu.memory_space<hbm>>
    tpu.wait_indirect_dma semaphore(%arg7 : memref<!tpu.dma_semaphore, #tpu.memory_space<semaphore_mem>>) src(%dma_wait3A_101 : memref<100000x256xf32, #tpu.memory_space<hbm>>) dst(%dma_wait3A_95 : memref<128x256xf32, #tpu.memory_space<vmem>>)
    %add3A_102 = arith.constant 256 : i32
    %add3A_103 = arith.addi %mul3A_2, %add3A_102 : i32
    %run_scoped3A_104 = arith.constant 0 : i32
    "tpu.region"() ({
      %run_scoped3A_150 = tpu.sem_alloc : memref<!tpu.dma_semaphore, #tpu.memory_space<semaphore_mem>>
      %dma_start3A_151 = arith.constant 0 : i32
      %dma_start3A_152 = arith.constant 0 : i32
      %dma_start3A_153 = tpu.memref_slice %arg6[%run_scoped3A_104, %dma_start3A_151, %dma_start3A_152] : memref<2x128x256xf32, #tpu.memory_space<vmem>> -> memref<1x128x256xf32, #tpu.memory_space<vmem>>
      %dma_start3A_154 = tpu.memref_squeeze %dma_start3A_153 : memref<1x128x256xf32, #tpu.memory_space<vmem>> -> memref<128x256xf32, #tpu.memory_space<vmem>>
      %dma_start3A_155 = arith.constant 0 : i32
      %dma_start3A_156 = tpu.memref_slice %arg4[%add3A_103, %dma_start3A_155] : memref<20480x256xf32, #tpu.memory_space<hbm>> -> memref<128x256xf32, #tpu.memory_space<hbm>>
      %dma_start3A_157 = arith.constant 0 : i32
      %dma_start3A_158 = tpu.memref_slice %arg4[%add3A_103, %dma_start3A_157] : memref<20480x256xf32, #tpu.memory_space<hbm>> -> memref<128x256xf32, #tpu.memory_space<hbm>>
      %dma_start3A_159 = arith.constant 0 : i32
      %dma_start3A_160 = arith.constant 0 : i32
      %dma_start3A_161 = tpu.memref_slice %arg6[%run_scoped3A_104, %dma_start3A_159, %dma_start3A_160] : memref<2x128x256xf32, #tpu.memory_space<vmem>> -> memref<1x128x256xf32, #tpu.memory_space<vmem>>
      %dma_start3A_162 = tpu.memref_squeeze %dma_start3A_161 : memref<1x128x256xf32, #tpu.memory_space<vmem>> -> memref<128x256xf32, #tpu.memory_space<vmem>>
      tpu.enqueue_dma source(%dma_start3A_162 : memref<128x256xf32, #tpu.memory_space<vmem>>) target(%dma_start3A_158 : memref<128x256xf32, #tpu.memory_space<hbm>>) target_semaphore(%run_scoped3A_150 : memref<!tpu.dma_semaphore, #tpu.memory_space<semaphore_mem>>)
      %dma_wait3A_163 = arith.constant 0 : i32
      %dma_wait3A_164 = arith.constant 0 : i32
      %dma_wait3A_165 = tpu.memref_slice %arg6[%run_scoped3A_104, %dma_wait3A_163, %dma_wait3A_164] : memref<2x128x256xf32, #tpu.memory_space<vmem>> -> memref<1x128x256xf32, #tpu.memory_space<vmem>>
      %dma_wait3A_166 = tpu.memref_squeeze %dma_wait3A_165 : memref<1x128x256xf32, #tpu.memory_space<vmem>> -> memref<128x256xf32, #tpu.memory_space<vmem>>
      %dma_wait3A_167 = arith.constant 0 : i32
      %dma_wait3A_168 = tpu.memref_slice %arg4[%add3A_103, %dma_wait3A_167] : memref<20480x256xf32, #tpu.memory_space<hbm>> -> memref<128x256xf32, #tpu.memory_space<hbm>>
      %dma_wait3A_169 = arith.constant 0 : i32
      %dma_wait3A_170 = tpu.memref_slice %arg4[%add3A_103, %dma_wait3A_169] : memref<20480x256xf32, #tpu.memory_space<hbm>> -> memref<128x256xf32, #tpu.memory_space<hbm>>
      %dma_wait3A_171 = arith.constant 0 : i32
      %dma_wait3A_172 = arith.constant 0 : i32
      %dma_wait3A_173 = tpu.memref_slice %arg6[%run_scoped3A_104, %dma_wait3A_171, %dma_wait3A_172] : memref<2x128x256xf32, #tpu.memory_space<vmem>> -> memref<1x128x256xf32, #tpu.memory_space<vmem>>
      %dma_wait3A_174 = tpu.memref_squeeze %dma_wait3A_173 : memref<1x128x256xf32, #tpu.memory_space<vmem>> -> memref<128x256xf32, #tpu.memory_space<vmem>>
      tpu.wait_dma2 semaphore(%run_scoped3A_150 : memref<!tpu.dma_semaphore, #tpu.memory_space<semaphore_mem>>) src(%dma_wait3A_174 : memref<128x256xf32, #tpu.memory_space<vmem>>) dst(%dma_wait3A_170 : memref<128x256xf32, #tpu.memory_space<hbm>>)
      tpu.yield
    }) : () -> ()
    %add3A_105 = arith.constant 512 : i32
    %add3A_106 = arith.addi %mul3A_2, %add3A_105 : i32
    %run_scoped3A_107 = arith.constant 0 : i32
    "tpu.region"() ({
      %run_scoped3A_150 = tpu.sem_alloc : memref<!tpu.dma_semaphore, #tpu.memory_space<semaphore_mem>>
      %dma_start3A_151 = arith.constant 0 : i32
      %dma_start3A_152 = tpu.memref_slice %arg5[%run_scoped3A_107, %dma_start3A_151] : memref<2x128xi32, #tpu.memory_space<vmem>> -> memref<1x128xi32, #tpu.memory_space<vmem>>
      %dma_start3A_153 = tpu.memref_squeeze %dma_start3A_152 : memref<1x128xi32, #tpu.memory_space<vmem>> -> memref<128xi32, #tpu.memory_space<vmem>>
      %dma_start3A_154 = tpu.memref_slice %arg3[%add3A_106] : memref<20480xi32, #tpu.memory_space<hbm>> -> memref<128xi32, #tpu.memory_space<hbm>>
      %dma_start3A_155 = arith.constant 0 : i32
      %dma_start3A_156 = tpu.memref_slice %arg5[%run_scoped3A_107, %dma_start3A_155] : memref<2x128xi32, #tpu.memory_space<vmem>> -> memref<1x128xi32, #tpu.memory_space<vmem>>
      %dma_start3A_157 = tpu.memref_squeeze %dma_start3A_156 : memref<1x128xi32, #tpu.memory_space<vmem>> -> memref<128xi32, #tpu.memory_space<vmem>>
      %dma_start3A_158 = tpu.memref_slice %arg3[%add3A_106] : memref<20480xi32, #tpu.memory_space<hbm>> -> memref<128xi32, #tpu.memory_space<hbm>>
      tpu.enqueue_dma source(%dma_start3A_158 : memref<128xi32, #tpu.memory_space<hbm>>) target(%dma_start3A_157 : memref<128xi32, #tpu.memory_space<vmem>>) target_semaphore(%run_scoped3A_150 : memref<!tpu.dma_semaphore, #tpu.memory_space<semaphore_mem>>)
      %dma_wait3A_159 = arith.constant 0 : i32
      %dma_wait3A_160 = tpu.memref_slice %arg5[%run_scoped3A_107, %dma_wait3A_159] : memref<2x128xi32, #tpu.memory_space<vmem>> -> memref<1x128xi32, #tpu.memory_space<vmem>>
      %dma_wait3A_161 = tpu.memref_squeeze %dma_wait3A_160 : memref<1x128xi32, #tpu.memory_space<vmem>> -> memref<128xi32, #tpu.memory_space<vmem>>
      %dma_wait3A_162 = tpu.memref_slice %arg3[%add3A_106] : memref<20480xi32, #tpu.memory_space<hbm>> -> memref<128xi32, #tpu.memory_space<hbm>>
      %dma_wait3A_163 = arith.constant 0 : i32
      %dma_wait3A_164 = tpu.memref_slice %arg5[%run_scoped3A_107, %dma_wait3A_163] : memref<2x128xi32, #tpu.memory_space<vmem>> -> memref<1x128xi32, #tpu.memory_space<vmem>>
      %dma_wait3A_165 = tpu.memref_squeeze %dma_wait3A_164 : memref<1x128xi32, #tpu.memory_space<vmem>> -> memref<128xi32, #tpu.memory_space<vmem>>
      %dma_wait3A_166 = tpu.memref_slice %arg3[%add3A_106] : memref<20480xi32, #tpu.memory_space<hbm>> -> memref<128xi32, #tpu.memory_space<hbm>>
      tpu.wait_dma2 semaphore(%run_scoped3A_150 : memref<!tpu.dma_semaphore, #tpu.memory_space<semaphore_mem>>) src(%dma_wait3A_166 : memref<128xi32, #tpu.memory_space<hbm>>) dst(%dma_wait3A_165 : memref<128xi32, #tpu.memory_space<vmem>>)
      tpu.yield
    }) : () -> ()
    %dma_start3A_108 = arith.constant 0 : i32
    %dma_start3A_109 = arith.constant 0 : i32
    %dma_start3A_110 = arith.constant 0 : i32
    %dma_start3A_111 = arith.constant 0 : i32
    %dma_start3A_112 = tpu.memref_slice %arg6[%dma_start3A_109, %dma_start3A_110, %dma_start3A_111] : memref<2x128x256xf32, #tpu.memory_space<vmem>> -> memref<1x128x256xf32, #tpu.memory_space<vmem>>
    %dma_start3A_113 = tpu.memref_squeeze %dma_start3A_112 : memref<1x128x256xf32, #tpu.memory_space<vmem>> -> memref<128x256xf32, #tpu.memory_space<vmem>>
    %dma_start3A_114 = arith.constant 0 : i32
    %dma_start3A_115 = tpu.memref_slice %arg5[%dma_start3A_108, %dma_start3A_114] : memref<2x128xi32, #tpu.memory_space<vmem>> -> memref<1x128xi32, #tpu.memory_space<vmem>>
    %dma_start3A_116 = tpu.memref_squeeze %dma_start3A_115 : memref<1x128xi32, #tpu.memory_space<vmem>> -> memref<128xi32, #tpu.memory_space<vmem>>
    %dma_start3A_117 = arith.constant 0 : i32
    %dma_start3A_118 = arith.constant 0 : i32
    %dma_start3A_119 = tpu.memref_slice %arg2[%dma_start3A_117, %dma_start3A_118] : memref<100000x256xf32, #tpu.memory_space<hbm>> -> memref<100000x256xf32, #tpu.memory_space<hbm>>
    tpu.enqueue_indirect_dma source(%dma_start3A_119 : memref<100000x256xf32, #tpu.memory_space<hbm>>) target(%dma_start3A_113 : memref<128x256xf32, #tpu.memory_space<vmem>>) offsets(%dma_start3A_116 : memref<128xi32, #tpu.memory_space<vmem>>) semaphore(%arg7 : memref<!tpu.dma_semaphore, #tpu.memory_space<semaphore_mem>>)
    %dma_wait3A_120 = arith.constant 1 : i32
    %dma_wait3A_121 = arith.constant 1 : i32
    %dma_wait3A_122 = arith.constant 0 : i32
    %dma_wait3A_123 = arith.constant 0 : i32
    %dma_wait3A_124 = tpu.memref_slice %arg6[%dma_wait3A_121, %dma_wait3A_122, %dma_wait3A_123] : memref<2x128x256xf32, #tpu.memory_space<vmem>> -> memref<1x128x256xf32, #tpu.memory_space<vmem>>
    %dma_wait3A_125 = tpu.memref_squeeze %dma_wait3A_124 : memref<1x128x256xf32, #tpu.memory_space<vmem>> -> memref<128x256xf32, #tpu.memory_space<vmem>>
    %dma_wait3A_126 = arith.constant 0 : i32
    %dma_wait3A_127 = tpu.memref_slice %arg5[%dma_wait3A_120, %dma_wait3A_126] : memref<2x128xi32, #tpu.memory_space<vmem>> -> memref<1x128xi32, #tpu.memory_space<vmem>>
    %dma_wait3A_128 = tpu.memref_squeeze %dma_wait3A_127 : memref<1x128xi32, #tpu.memory_space<vmem>> -> memref<128xi32, #tpu.memory_space<vmem>>
    %dma_wait3A_129 = arith.constant 0 : i32
    %dma_wait3A_130 = arith.constant 0 : i32
    %dma_wait3A_131 = tpu.memref_slice %arg2[%dma_wait3A_129, %dma_wait3A_130] : memref<100000x256xf32, #tpu.memory_space<hbm>> -> memref<100000x256xf32, #tpu.memory_space<hbm>>
    tpu.wait_indirect_dma semaphore(%arg8 : memref<!tpu.dma_semaphore, #tpu.memory_space<semaphore_mem>>) src(%dma_wait3A_131 : memref<100000x256xf32, #tpu.memory_space<hbm>>) dst(%dma_wait3A_125 : memref<128x256xf32, #tpu.memory_space<vmem>>)
    %add3A_132 = arith.constant 384 : i32
    %add3A_133 = arith.addi %mul3A_2, %add3A_132 : i32
    %run_scoped3A_134 = arith.constant 1 : i32
    "tpu.region"() ({
      %run_scoped3A_150 = tpu.sem_alloc : memref<!tpu.dma_semaphore, #tpu.memory_space<semaphore_mem>>
      %dma_start3A_151 = arith.constant 0 : i32
      %dma_start3A_152 = arith.constant 0 : i32
      %dma_start3A_153 = tpu.memref_slice %arg6[%run_scoped3A_134, %dma_start3A_151, %dma_start3A_152] : memref<2x128x256xf32, #tpu.memory_space<vmem>> -> memref<1x128x256xf32, #tpu.memory_space<vmem>>
      %dma_start3A_154 = tpu.memref_squeeze %dma_start3A_153 : memref<1x128x256xf32, #tpu.memory_space<vmem>> -> memref<128x256xf32, #tpu.memory_space<vmem>>
      %dma_start3A_155 = arith.constant 0 : i32
      %dma_start3A_156 = tpu.memref_slice %arg4[%add3A_133, %dma_start3A_155] : memref<20480x256xf32, #tpu.memory_space<hbm>> -> memref<128x256xf32, #tpu.memory_space<hbm>>
      %dma_start3A_157 = arith.constant 0 : i32
      %dma_start3A_158 = tpu.memref_slice %arg4[%add3A_133, %dma_start3A_157] : memref<20480x256xf32, #tpu.memory_space<hbm>> -> memref<128x256xf32, #tpu.memory_space<hbm>>
      %dma_start3A_159 = arith.constant 0 : i32
      %dma_start3A_160 = arith.constant 0 : i32
      %dma_start3A_161 = tpu.memref_slice %arg6[%run_scoped3A_134, %dma_start3A_159, %dma_start3A_160] : memref<2x128x256xf32, #tpu.memory_space<vmem>> -> memref<1x128x256xf32, #tpu.memory_space<vmem>>
      %dma_start3A_162 = tpu.memref_squeeze %dma_start3A_161 : memref<1x128x256xf32, #tpu.memory_space<vmem>> -> memref<128x256xf32, #tpu.memory_space<vmem>>
      tpu.enqueue_dma source(%dma_start3A_162 : memref<128x256xf32, #tpu.memory_space<vmem>>) target(%dma_start3A_158 : memref<128x256xf32, #tpu.memory_space<hbm>>) target_semaphore(%run_scoped3A_150 : memref<!tpu.dma_semaphore, #tpu.memory_space<semaphore_mem>>)
      %dma_wait3A_163 = arith.constant 0 : i32
      %dma_wait3A_164 = arith.constant 0 : i32
      %dma_wait3A_165 = tpu.memref_slice %arg6[%run_scoped3A_134, %dma_wait3A_163, %dma_wait3A_164] : memref<2x128x256xf32, #tpu.memory_space<vmem>> -> memref<1x128x256xf32, #tpu.memory_space<vmem>>
      %dma_wait3A_166 = tpu.memref_squeeze %dma_wait3A_165 : memref<1x128x256xf32, #tpu.memory_space<vmem>> -> memref<128x256xf32, #tpu.memory_space<vmem>>
      %dma_wait3A_167 = arith.constant 0 : i32
      %dma_wait3A_168 = tpu.memref_slice %arg4[%add3A_133, %dma_wait3A_167] : memref<20480x256xf32, #tpu.memory_space<hbm>> -> memref<128x256xf32, #tpu.memory_space<hbm>>
      %dma_wait3A_169 = arith.constant 0 : i32
      %dma_wait3A_170 = tpu.memref_slice %arg4[%add3A_133, %dma_wait3A_169] : memref<20480x256xf32, #tpu.memory_space<hbm>> -> memref<128x256xf32, #tpu.memory_space<hbm>>
      %dma_wait3A_171 = arith.constant 0 : i32
      %dma_wait3A_172 = arith.constant 0 : i32
      %dma_wait3A_173 = tpu.memref_slice %arg6[%run_scoped3A_134, %dma_wait3A_171, %dma_wait3A_172] : memref<2x128x256xf32, #tpu.memory_space<vmem>> -> memref<1x128x256xf32, #tpu.memory_space<vmem>>
      %dma_wait3A_174 = tpu.memref_squeeze %dma_wait3A_173 : memref<1x128x256xf32, #tpu.memory_space<vmem>> -> memref<128x256xf32, #tpu.memory_space<vmem>>
      tpu.wait_dma2 semaphore(%run_scoped3A_150 : memref<!tpu.dma_semaphore, #tpu.memory_space<semaphore_mem>>) src(%dma_wait3A_174 : memref<128x256xf32, #tpu.memory_space<vmem>>) dst(%dma_wait3A_170 : memref<128x256xf32, #tpu.memory_space<hbm>>)
      tpu.yield
    }) : () -> ()
    %dma_wait3A_135 = arith.constant 0 : i32
    %dma_wait3A_136 = arith.constant 0 : i32
    %dma_wait3A_137 = arith.constant 0 : i32
    %dma_wait3A_138 = arith.constant 0 : i32
    %dma_wait3A_139 = tpu.memref_slice %arg6[%dma_wait3A_136, %dma_wait3A_137, %dma_wait3A_138] : memref<2x128x256xf32, #tpu.memory_space<vmem>> -> memref<1x128x256xf32, #tpu.memory_space<vmem>>
    %dma_wait3A_140 = tpu.memref_squeeze %dma_wait3A_139 : memref<1x128x256xf32, #tpu.memory_space<vmem>> -> memref<128x256xf32, #tpu.memory_space<vmem>>
    %dma_wait3A_141 = arith.constant 0 : i32
    %dma_wait3A_142 = tpu.memref_slice %arg5[%dma_wait3A_135, %dma_wait3A_141] : memref<2x128xi32, #tpu.memory_space<vmem>> -> memref<1x128xi32, #tpu.memory_space<vmem>>
    %dma_wait3A_143 = tpu.memref_squeeze %dma_wait3A_142 : memref<1x128xi32, #tpu.memory_space<vmem>> -> memref<128xi32, #tpu.memory_space<vmem>>
    %dma_wait3A_144 = arith.constant 0 : i32
    %dma_wait3A_145 = arith.constant 0 : i32
    %dma_wait3A_146 = tpu.memref_slice %arg2[%dma_wait3A_144, %dma_wait3A_145] : memref<100000x256xf32, #tpu.memory_space<hbm>> -> memref<100000x256xf32, #tpu.memory_space<hbm>>
    tpu.wait_indirect_dma semaphore(%arg7 : memref<!tpu.dma_semaphore, #tpu.memory_space<semaphore_mem>>) src(%dma_wait3A_146 : memref<100000x256xf32, #tpu.memory_space<hbm>>) dst(%dma_wait3A_140 : memref<128x256xf32, #tpu.memory_space<vmem>>)
    %add3A_147 = arith.constant 512 : i32
    %add3A_148 = arith.addi %mul3A_2, %add3A_147 : i32
    %run_scoped3A_149 = arith.constant 0 : i32
    "tpu.region"() ({
      %run_scoped3A_150 = tpu.sem_alloc : memref<!tpu.dma_semaphore, #tpu.memory_space<semaphore_mem>>
      %dma_start3A_151 = arith.constant 0 : i32
      %dma_start3A_152 = arith.constant 0 : i32
      %dma_start3A_153 = tpu.memref_slice %arg6[%run_scoped3A_149, %dma_start3A_151, %dma_start3A_152] : memref<2x128x256xf32, #tpu.memory_space<vmem>> -> memref<1x128x256xf32, #tpu.memory_space<vmem>>
      %dma_start3A_154 = tpu.memref_squeeze %dma_start3A_153 : memref<1x128x256xf32, #tpu.memory_space<vmem>> -> memref<128x256xf32, #tpu.memory_space<vmem>>
      %dma_start3A_155 = arith.constant 0 : i32
      %dma_start3A_156 = tpu.memref_slice %arg4[%add3A_148, %dma_start3A_155] : memref<20480x256xf32, #tpu.memory_space<hbm>> -> memref<128x256xf32, #tpu.memory_space<hbm>>
      %dma_start3A_157 = arith.constant 0 : i32
      %dma_start3A_158 = tpu.memref_slice %arg4[%add3A_148, %dma_start3A_157] : memref<20480x256xf32, #tpu.memory_space<hbm>> -> memref<128x256xf32, #tpu.memory_space<hbm>>
      %dma_start3A_159 = arith.constant 0 : i32
      %dma_start3A_160 = arith.constant 0 : i32
      %dma_start3A_161 = tpu.memref_slice %arg6[%run_scoped3A_149, %dma_start3A_159, %dma_start3A_160] : memref<2x128x256xf32, #tpu.memory_space<vmem>> -> memref<1x128x256xf32, #tpu.memory_space<vmem>>
      %dma_start3A_162 = tpu.memref_squeeze %dma_start3A_161 : memref<1x128x256xf32, #tpu.memory_space<vmem>> -> memref<128x256xf32, #tpu.memory_space<vmem>>
      tpu.enqueue_dma source(%dma_start3A_162 : memref<128x256xf32, #tpu.memory_space<vmem>>) target(%dma_start3A_158 : memref<128x256xf32, #tpu.memory_space<hbm>>) target_semaphore(%run_scoped3A_150 : memref<!tpu.dma_semaphore, #tpu.memory_space<semaphore_mem>>)
      %dma_wait3A_163 = arith.constant 0 : i32
      %dma_wait3A_164 = arith.constant 0 : i32
      %dma_wait3A_165 = tpu.memref_slice %arg6[%run_scoped3A_149, %dma_wait3A_163, %dma_wait3A_164] : memref<2x128x256xf32, #tpu.memory_space<vmem>> -> memref<1x128x256xf32, #tpu.memory_space<vmem>>
      %dma_wait3A_166 = tpu.memref_squeeze %dma_wait3A_165 : memref<1x128x256xf32, #tpu.memory_space<vmem>> -> memref<128x256xf32, #tpu.memory_space<vmem>>
      %dma_wait3A_167 = arith.constant 0 : i32
      %dma_wait3A_168 = tpu.memref_slice %arg4[%add3A_148, %dma_wait3A_167] : memref<20480x256xf32, #tpu.memory_space<hbm>> -> memref<128x256xf32, #tpu.memory_space<hbm>>
      %dma_wait3A_169 = arith.constant 0 : i32
      %dma_wait3A_170 = tpu.memref_slice %arg4[%add3A_148, %dma_wait3A_169] : memref<20480x256xf32, #tpu.memory_space<hbm>> -> memref<128x256xf32, #tpu.memory_space<hbm>>
      %dma_wait3A_171 = arith.constant 0 : i32
      %dma_wait3A_172 = arith.constant 0 : i32
      %dma_wait3A_173 = tpu.memref_slice %arg6[%run_scoped3A_149, %dma_wait3A_171, %dma_wait3A_172] : memref<2x128x256xf32, #tpu.memory_space<vmem>> -> memref<1x128x256xf32, #tpu.memory_space<vmem>>
      %dma_wait3A_174 = tpu.memref_squeeze %dma_wait3A_173 : memref<1x128x256xf32, #tpu.memory_space<vmem>> -> memref<128x256xf32, #tpu.memory_space<vmem>>
      tpu.wait_dma2 semaphore(%run_scoped3A_150 : memref<!tpu.dma_semaphore, #tpu.memory_space<semaphore_mem>>) src(%dma_wait3A_174 : memref<128x256xf32, #tpu.memory_space<vmem>>) dst(%dma_wait3A_170 : memref<128x256xf32, #tpu.memory_space<hbm>>)
      tpu.yield
    }) : () -> ()
    return
  }
}

#map = affine_map<(d0, d1) -> (0, 0)>
#map1 = affine_map<(d0, d1) -> (0)>
module attributes {stable_mosaic.version = 14 : i64} {
  func.func @gather_kernel(%arg0: i32, %arg1: i32, %arg2: memref<100000x256xf32, #tpu.memory_space<hbm>>, %arg3: memref<20480xi32, #tpu.memory_space<hbm>>, %arg4: memref<20480x256xf32, #tpu.memory_space<hbm>>, %arg5: memref<2x128xi32, #tpu.memory_space<vmem>>, %arg6: memref<2x128x256xf32, #tpu.memory_space<vmem>>, %arg7: memref<!tpu.dma_semaphore, #tpu.memory_space<semaphore_mem>>, %arg8: memref<!tpu.dma_semaphore, #tpu.memory_space<semaphore_mem>>) attributes {dimension_semantics = [#tpu.dimension_semantics<core_parallel>, #tpu.dimension_semantics<subcore_parallel>], iteration_bounds = array<i64: 2, 16>, scalar_prefetch = 0 : i64, scratch_operands = 4 : i64, tpu.core_type = #tpu.core_type<sc_vector_subcore>, window_params = [{transform_indices = #map}, {transform_indices = #map1}, {transform_indices = #map}]} {
    %mul3A = arith.constant 2 : i32
    %mul3A_0 = arith.muli %arg1, %mul3A : i32
    %add3A = arith.addi %mul3A_0, %arg0 : i32
    %mul3A_1 = arith.constant 640 : i32
    %mul3A_2 = arith.muli %add3A, %mul3A_1 : i32
    %add3A_3 = arith.constant 0 : i32
    %add3A_4 = arith.addi %mul3A_2, %add3A_3 : i32
    %run_scoped3A = arith.constant 0 : i32
    "tpu.region"() ({
      %run_scoped3A_150 = tpu.sem_alloc : memref<!tpu.dma_semaphore, #tpu.memory_space<semaphore_mem>>
      %dma_start3A_151 = arith.constant 0 : i32
      %dma_start3A_152 = tpu.memref_slice %arg5[%run_scoped3A, %dma_start3A_151] : memref<2x128xi32, #tpu.memory_space<vmem>> -> memref<1x128xi32, #tpu.memory_space<vmem>>
      %dma_start3A_153 = tpu.memref_squeeze %dma_start3A_152 : memref<1x128xi32, #tpu.memory_space<vmem>> -> memref<128xi32, #tpu.memory_space<vmem>>
      %dma_start3A_154 = tpu.memref_slice %arg3[%add3A_4] : memref<20480xi32, #tpu.memory_space<hbm>> -> memref<128xi32, #tpu.memory_space<hbm>>
      %dma_start3A_155 = arith.constant 0 : i32
      %dma_start3A_156 = tpu.memref_slice %arg5[%run_scoped3A, %dma_start3A_155] : memref<2x128xi32, #tpu.memory_space<vmem>> -> memref<1x128xi32, #tpu.memory_space<vmem>>
      %dma_start3A_157 = tpu.memref_squeeze %dma_start3A_156 : memref<1x128xi32, #tpu.memory_space<vmem>> -> memref<128xi32, #tpu.memory_space<vmem>>
      %dma_start3A_158 = tpu.memref_slice %arg3[%add3A_4] : memref<20480xi32, #tpu.memory_space<hbm>> -> memref<128xi32, #tpu.memory_space<hbm>>
      tpu.enqueue_dma source(%dma_start3A_158 : memref<128xi32, #tpu.memory_space<hbm>>) target(%dma_start3A_157 : memref<128xi32, #tpu.memory_space<vmem>>) target_semaphore(%run_scoped3A_150 : memref<!tpu.dma_semaphore, #tpu.memory_space<semaphore_mem>>)
      %dma_wait3A_159 = arith.constant 0 : i32
      %dma_wait3A_160 = tpu.memref_slice %arg5[%run_scoped3A, %dma_wait3A_159] : memref<2x128xi32, #tpu.memory_space<vmem>> -> memref<1x128xi32, #tpu.memory_space<vmem>>
      %dma_wait3A_161 = tpu.memref_squeeze %dma_wait3A_160 : memref<1x128xi32, #tpu.memory_space<vmem>> -> memref<128xi32, #tpu.memory_space<vmem>>
      %dma_wait3A_162 = tpu.memref_slice %arg3[%add3A_4] : memref<20480xi32, #tpu.memory_space<hbm>> -> memref<128xi32, #tpu.memory_space<hbm>>
      %dma_wait3A_163 = arith.constant 0 : i32
      %dma_wait3A_164 = tpu.memref_slice %arg5[%run_scoped3A, %dma_wait3A_163] : memref<2x128xi32, #tpu.memory_space<vmem>> -> memref<1x128xi32, #tpu.memory_space<vmem>>
      %dma_wait3A_165 = tpu.memref_squeeze %dma_wait3A_164 : memref<1x128xi32, #tpu.memory_space<vmem>> -> memref<128xi32, #tpu.memory_space<vmem>>
      %dma_wait3A_166 = tpu.memref_slice %arg3[%add3A_4] : memref<20480xi32, #tpu.memory_space<hbm>> -> memref<128xi32, #tpu.memory_space<hbm>>
      tpu.wait_dma2 semaphore(%run_scoped3A_150 : memref<!tpu.dma_semaphore, #tpu.memory_space<semaphore_mem>>) src(%dma_wait3A_166 : memref<128xi32, #tpu.memory_space<hbm>>) dst(%dma_wait3A_165 : memref<128xi32, #tpu.memory_space<vmem>>)
      tpu.yield
    }) : () -> ()
    %dma_start3A = arith.constant 0 : i32
    %dma_start3A_5 = arith.constant 0 : i32
    %dma_start3A_6 = arith.constant 0 : i32
    %dma_start3A_7 = arith.constant 0 : i32
    %dma_start3A_8 = tpu.memref_slice %arg6[%dma_start3A_5, %dma_start3A_6, %dma_start3A_7] : memref<2x128x256xf32, #tpu.memory_space<vmem>> -> memref<1x128x256xf32, #tpu.memory_space<vmem>>
    %dma_start3A_9 = tpu.memref_squeeze %dma_start3A_8 : memref<1x128x256xf32, #tpu.memory_space<vmem>> -> memref<128x256xf32, #tpu.memory_space<vmem>>
    %dma_start3A_10 = arith.constant 0 : i32
    %dma_start3A_11 = tpu.memref_slice %arg5[%dma_start3A, %dma_start3A_10] : memref<2x128xi32, #tpu.memory_space<vmem>> -> memref<1x128xi32, #tpu.memory_space<vmem>>
    %dma_start3A_12 = tpu.memref_squeeze %dma_start3A_11 : memref<1x128xi32, #tpu.memory_space<vmem>> -> memref<128xi32, #tpu.memory_space<vmem>>
    %dma_start3A_13 = arith.constant 0 : i32
    %dma_start3A_14 = arith.constant 0 : i32
    %dma_start3A_15 = tpu.memref_slice %arg2[%dma_start3A_13, %dma_start3A_14] : memref<100000x256xf32, #tpu.memory_space<hbm>> -> memref<100000x256xf32, #tpu.memory_space<hbm>>
    tpu.enqueue_indirect_dma source(%dma_start3A_15 : memref<100000x256xf32, #tpu.memory_space<hbm>>) target(%dma_start3A_9 : memref<128x256xf32, #tpu.memory_space<vmem>>) offsets(%dma_start3A_12 : memref<128xi32, #tpu.memory_space<vmem>>) semaphore(%arg7 : memref<!tpu.dma_semaphore, #tpu.memory_space<semaphore_mem>>)
    %add3A_16 = arith.constant 128 : i32
    %add3A_17 = arith.addi %mul3A_2, %add3A_16 : i32
    %run_scoped3A_18 = arith.constant 1 : i32
    "tpu.region"() ({
      %run_scoped3A_150 = tpu.sem_alloc : memref<!tpu.dma_semaphore, #tpu.memory_space<semaphore_mem>>
      %dma_start3A_151 = arith.constant 0 : i32
      %dma_start3A_152 = tpu.memref_slice %arg5[%run_scoped3A_18, %dma_start3A_151] : memref<2x128xi32, #tpu.memory_space<vmem>> -> memref<1x128xi32, #tpu.memory_space<vmem>>
      %dma_start3A_153 = tpu.memref_squeeze %dma_start3A_152 : memref<1x128xi32, #tpu.memory_space<vmem>> -> memref<128xi32, #tpu.memory_space<vmem>>
      %dma_start3A_154 = tpu.memref_slice %arg3[%add3A_17] : memref<20480xi32, #tpu.memory_space<hbm>> -> memref<128xi32, #tpu.memory_space<hbm>>
      %dma_start3A_155 = arith.constant 0 : i32
      %dma_start3A_156 = tpu.memref_slice %arg5[%run_scoped3A_18, %dma_start3A_155] : memref<2x128xi32, #tpu.memory_space<vmem>> -> memref<1x128xi32, #tpu.memory_space<vmem>>
      %dma_start3A_157 = tpu.memref_squeeze %dma_start3A_156 : memref<1x128xi32, #tpu.memory_space<vmem>> -> memref<128xi32, #tpu.memory_space<vmem>>
      %dma_start3A_158 = tpu.memref_slice %arg3[%add3A_17] : memref<20480xi32, #tpu.memory_space<hbm>> -> memref<128xi32, #tpu.memory_space<hbm>>
      tpu.enqueue_dma source(%dma_start3A_158 : memref<128xi32, #tpu.memory_space<hbm>>) target(%dma_start3A_157 : memref<128xi32, #tpu.memory_space<vmem>>) target_semaphore(%run_scoped3A_150 : memref<!tpu.dma_semaphore, #tpu.memory_space<semaphore_mem>>)
      %dma_wait3A_159 = arith.constant 0 : i32
      %dma_wait3A_160 = tpu.memref_slice %arg5[%run_scoped3A_18, %dma_wait3A_159] : memref<2x128xi32, #tpu.memory_space<vmem>> -> memref<1x128xi32, #tpu.memory_space<vmem>>
      %dma_wait3A_161 = tpu.memref_squeeze %dma_wait3A_160 : memref<1x128xi32, #tpu.memory_space<vmem>> -> memref<128xi32, #tpu.memory_space<vmem>>
      %dma_wait3A_162 = tpu.memref_slice %arg3[%add3A_17] : memref<20480xi32, #tpu.memory_space<hbm>> -> memref<128xi32, #tpu.memory_space<hbm>>
      %dma_wait3A_163 = arith.constant 0 : i32
      %dma_wait3A_164 = tpu.memref_slice %arg5[%run_scoped3A_18, %dma_wait3A_163] : memref<2x128xi32, #tpu.memory_space<vmem>> -> memref<1x128xi32, #tpu.memory_space<vmem>>
      %dma_wait3A_165 = tpu.memref_squeeze %dma_wait3A_164 : memref<1x128xi32, #tpu.memory_space<vmem>> -> memref<128xi32, #tpu.memory_space<vmem>>
      %dma_wait3A_166 = tpu.memref_slice %arg3[%add3A_17] : memref<20480xi32, #tpu.memory_space<hbm>> -> memref<128xi32, #tpu.memory_space<hbm>>
      tpu.wait_dma2 semaphore(%run_scoped3A_150 : memref<!tpu.dma_semaphore, #tpu.memory_space<semaphore_mem>>) src(%dma_wait3A_166 : memref<128xi32, #tpu.memory_space<hbm>>) dst(%dma_wait3A_165 : memref<128xi32, #tpu.memory_space<vmem>>)
      tpu.yield
    }) : () -> ()
    %dma_start3A_19 = arith.constant 1 : i32
    %dma_start3A_20 = arith.constant 1 : i32
    %dma_start3A_21 = arith.constant 0 : i32
    %dma_start3A_22 = arith.constant 0 : i32
    %dma_start3A_23 = tpu.memref_slice %arg6[%dma_start3A_20, %dma_start3A_21, %dma_start3A_22] : memref<2x128x256xf32, #tpu.memory_space<vmem>> -> memref<1x128x256xf32, #tpu.memory_space<vmem>>
    %dma_start3A_24 = tpu.memref_squeeze %dma_start3A_23 : memref<1x128x256xf32, #tpu.memory_space<vmem>> -> memref<128x256xf32, #tpu.memory_space<vmem>>
    %dma_start3A_25 = arith.constant 0 : i32
    %dma_start3A_26 = tpu.memref_slice %arg5[%dma_start3A_19, %dma_start3A_25] : memref<2x128xi32, #tpu.memory_space<vmem>> -> memref<1x128xi32, #tpu.memory_space<vmem>>
    %dma_start3A_27 = tpu.memref_squeeze %dma_start3A_26 : memref<1x128xi32, #tpu.memory_space<vmem>> -> memref<128xi32, #tpu.memory_space<vmem>>
    %dma_start3A_28 = arith.constant 0 : i32
    %dma_start3A_29 = arith.constant 0 : i32
    %dma_start3A_30 = tpu.memref_slice %arg2[%dma_start3A_28, %dma_start3A_29] : memref<100000x256xf32, #tpu.memory_space<hbm>> -> memref<100000x256xf32, #tpu.memory_space<hbm>>
    tpu.enqueue_indirect_dma source(%dma_start3A_30 : memref<100000x256xf32, #tpu.memory_space<hbm>>) target(%dma_start3A_24 : memref<128x256xf32, #tpu.memory_space<vmem>>) offsets(%dma_start3A_27 : memref<128xi32, #tpu.memory_space<vmem>>) semaphore(%arg8 : memref<!tpu.dma_semaphore, #tpu.memory_space<semaphore_mem>>)
    %dma_wait3A = arith.constant 0 : i32
    %dma_wait3A_31 = arith.constant 0 : i32
    %dma_wait3A_32 = arith.constant 0 : i32
    %dma_wait3A_33 = arith.constant 0 : i32
    %dma_wait3A_34 = tpu.memref_slice %arg6[%dma_wait3A_31, %dma_wait3A_32, %dma_wait3A_33] : memref<2x128x256xf32, #tpu.memory_space<vmem>> -> memref<1x128x256xf32, #tpu.memory_space<vmem>>
    %dma_wait3A_35 = tpu.memref_squeeze %dma_wait3A_34 : memref<1x128x256xf32, #tpu.memory_space<vmem>> -> memref<128x256xf32, #tpu.memory_space<vmem>>
    %dma_wait3A_36 = arith.constant 0 : i32
    %dma_wait3A_37 = tpu.memref_slice %arg5[%dma_wait3A, %dma_wait3A_36] : memref<2x128xi32, #tpu.memory_space<vmem>> -> memref<1x128xi32, #tpu.memory_space<vmem>>
    %dma_wait3A_38 = tpu.memref_squeeze %dma_wait3A_37 : memref<1x128xi32, #tpu.memory_space<vmem>> -> memref<128xi32, #tpu.memory_space<vmem>>
    %dma_wait3A_39 = arith.constant 0 : i32
    %dma_wait3A_40 = arith.constant 0 : i32
    %dma_wait3A_41 = tpu.memref_slice %arg2[%dma_wait3A_39, %dma_wait3A_40] : memref<100000x256xf32, #tpu.memory_space<hbm>> -> memref<100000x256xf32, #tpu.memory_space<hbm>>
    tpu.wait_indirect_dma semaphore(%arg7 : memref<!tpu.dma_semaphore, #tpu.memory_space<semaphore_mem>>) src(%dma_wait3A_41 : memref<100000x256xf32, #tpu.memory_space<hbm>>) dst(%dma_wait3A_35 : memref<128x256xf32, #tpu.memory_space<vmem>>)
    %add3A_42 = arith.constant 0 : i32
    %add3A_43 = arith.addi %mul3A_2, %add3A_42 : i32
    %run_scoped3A_44 = arith.constant 0 : i32
    "tpu.region"() ({
      %run_scoped3A_150 = tpu.sem_alloc : memref<!tpu.dma_semaphore, #tpu.memory_space<semaphore_mem>>
      %dma_start3A_151 = arith.constant 0 : i32
      %dma_start3A_152 = arith.constant 0 : i32
      %dma_start3A_153 = tpu.memref_slice %arg6[%run_scoped3A_44, %dma_start3A_151, %dma_start3A_152] : memref<2x128x256xf32, #tpu.memory_space<vmem>> -> memref<1x128x256xf32, #tpu.memory_space<vmem>>
      %dma_start3A_154 = tpu.memref_squeeze %dma_start3A_153 : memref<1x128x256xf32, #tpu.memory_space<vmem>> -> memref<128x256xf32, #tpu.memory_space<vmem>>
      %dma_start3A_155 = arith.constant 0 : i32
      %dma_start3A_156 = tpu.memref_slice %arg4[%add3A_43, %dma_start3A_155] : memref<20480x256xf32, #tpu.memory_space<hbm>> -> memref<128x256xf32, #tpu.memory_space<hbm>>
      %dma_start3A_157 = arith.constant 0 : i32
      %dma_start3A_158 = tpu.memref_slice %arg4[%add3A_43, %dma_start3A_157] : memref<20480x256xf32, #tpu.memory_space<hbm>> -> memref<128x256xf32, #tpu.memory_space<hbm>>
      %dma_start3A_159 = arith.constant 0 : i32
      %dma_start3A_160 = arith.constant 0 : i32
      %dma_start3A_161 = tpu.memref_slice %arg6[%run_scoped3A_44, %dma_start3A_159, %dma_start3A_160] : memref<2x128x256xf32, #tpu.memory_space<vmem>> -> memref<1x128x256xf32, #tpu.memory_space<vmem>>
      %dma_start3A_162 = tpu.memref_squeeze %dma_start3A_161 : memref<1x128x256xf32, #tpu.memory_space<vmem>> -> memref<128x256xf32, #tpu.memory_space<vmem>>
      tpu.enqueue_dma source(%dma_start3A_162 : memref<128x256xf32, #tpu.memory_space<vmem>>) target(%dma_start3A_158 : memref<128x256xf32, #tpu.memory_space<hbm>>) target_semaphore(%run_scoped3A_150 : memref<!tpu.dma_semaphore, #tpu.memory_space<semaphore_mem>>)
      %dma_wait3A_163 = arith.constant 0 : i32
      %dma_wait3A_164 = arith.constant 0 : i32
      %dma_wait3A_165 = tpu.memref_slice %arg6[%run_scoped3A_44, %dma_wait3A_163, %dma_wait3A_164] : memref<2x128x256xf32, #tpu.memory_space<vmem>> -> memref<1x128x256xf32, #tpu.memory_space<vmem>>
      %dma_wait3A_166 = tpu.memref_squeeze %dma_wait3A_165 : memref<1x128x256xf32, #tpu.memory_space<vmem>> -> memref<128x256xf32, #tpu.memory_space<vmem>>
      %dma_wait3A_167 = arith.constant 0 : i32
      %dma_wait3A_168 = tpu.memref_slice %arg4[%add3A_43, %dma_wait3A_167] : memref<20480x256xf32, #tpu.memory_space<hbm>> -> memref<128x256xf32, #tpu.memory_space<hbm>>
      %dma_wait3A_169 = arith.constant 0 : i32
      %dma_wait3A_170 = tpu.memref_slice %arg4[%add3A_43, %dma_wait3A_169] : memref<20480x256xf32, #tpu.memory_space<hbm>> -> memref<128x256xf32, #tpu.memory_space<hbm>>
      %dma_wait3A_171 = arith.constant 0 : i32
      %dma_wait3A_172 = arith.constant 0 : i32
      %dma_wait3A_173 = tpu.memref_slice %arg6[%run_scoped3A_44, %dma_wait3A_171, %dma_wait3A_172] : memref<2x128x256xf32, #tpu.memory_space<vmem>> -> memref<1x128x256xf32, #tpu.memory_space<vmem>>
      %dma_wait3A_174 = tpu.memref_squeeze %dma_wait3A_173 : memref<1x128x256xf32, #tpu.memory_space<vmem>> -> memref<128x256xf32, #tpu.memory_space<vmem>>
      tpu.wait_dma2 semaphore(%run_scoped3A_150 : memref<!tpu.dma_semaphore, #tpu.memory_space<semaphore_mem>>) src(%dma_wait3A_174 : memref<128x256xf32, #tpu.memory_space<vmem>>) dst(%dma_wait3A_170 : memref<128x256xf32, #tpu.memory_space<hbm>>)
      tpu.yield
    }) : () -> ()
    %add3A_45 = arith.constant 256 : i32
    %add3A_46 = arith.addi %mul3A_2, %add3A_45 : i32
    %run_scoped3A_47 = arith.constant 0 : i32
    "tpu.region"() ({
      %run_scoped3A_150 = tpu.sem_alloc : memref<!tpu.dma_semaphore, #tpu.memory_space<semaphore_mem>>
      %dma_start3A_151 = arith.constant 0 : i32
      %dma_start3A_152 = tpu.memref_slice %arg5[%run_scoped3A_47, %dma_start3A_151] : memref<2x128xi32, #tpu.memory_space<vmem>> -> memref<1x128xi32, #tpu.memory_space<vmem>>
      %dma_start3A_153 = tpu.memref_squeeze %dma_start3A_152 : memref<1x128xi32, #tpu.memory_space<vmem>> -> memref<128xi32, #tpu.memory_space<vmem>>
      %dma_start3A_154 = tpu.memref_slice %arg3[%add3A_46] : memref<20480xi32, #tpu.memory_space<hbm>> -> memref<128xi32, #tpu.memory_space<hbm>>
      %dma_start3A_155 = arith.constant 0 : i32
      %dma_start3A_156 = tpu.memref_slice %arg5[%run_scoped3A_47, %dma_start3A_155] : memref<2x128xi32, #tpu.memory_space<vmem>> -> memref<1x128xi32, #tpu.memory_space<vmem>>
      %dma_start3A_157 = tpu.memref_squeeze %dma_start3A_156 : memref<1x128xi32, #tpu.memory_space<vmem>> -> memref<128xi32, #tpu.memory_space<vmem>>
      %dma_start3A_158 = tpu.memref_slice %arg3[%add3A_46] : memref<20480xi32, #tpu.memory_space<hbm>> -> memref<128xi32, #tpu.memory_space<hbm>>
      tpu.enqueue_dma source(%dma_start3A_158 : memref<128xi32, #tpu.memory_space<hbm>>) target(%dma_start3A_157 : memref<128xi32, #tpu.memory_space<vmem>>) target_semaphore(%run_scoped3A_150 : memref<!tpu.dma_semaphore, #tpu.memory_space<semaphore_mem>>)
      %dma_wait3A_159 = arith.constant 0 : i32
      %dma_wait3A_160 = tpu.memref_slice %arg5[%run_scoped3A_47, %dma_wait3A_159] : memref<2x128xi32, #tpu.memory_space<vmem>> -> memref<1x128xi32, #tpu.memory_space<vmem>>
      %dma_wait3A_161 = tpu.memref_squeeze %dma_wait3A_160 : memref<1x128xi32, #tpu.memory_space<vmem>> -> memref<128xi32, #tpu.memory_space<vmem>>
      %dma_wait3A_162 = tpu.memref_slice %arg3[%add3A_46] : memref<20480xi32, #tpu.memory_space<hbm>> -> memref<128xi32, #tpu.memory_space<hbm>>
      %dma_wait3A_163 = arith.constant 0 : i32
      %dma_wait3A_164 = tpu.memref_slice %arg5[%run_scoped3A_47, %dma_wait3A_163] : memref<2x128xi32, #tpu.memory_space<vmem>> -> memref<1x128xi32, #tpu.memory_space<vmem>>
      %dma_wait3A_165 = tpu.memref_squeeze %dma_wait3A_164 : memref<1x128xi32, #tpu.memory_space<vmem>> -> memref<128xi32, #tpu.memory_space<vmem>>
      %dma_wait3A_166 = tpu.memref_slice %arg3[%add3A_46] : memref<20480xi32, #tpu.memory_space<hbm>> -> memref<128xi32, #tpu.memory_space<hbm>>
      tpu.wait_dma2 semaphore(%run_scoped3A_150 : memref<!tpu.dma_semaphore, #tpu.memory_space<semaphore_mem>>) src(%dma_wait3A_166 : memref<128xi32, #tpu.memory_space<hbm>>) dst(%dma_wait3A_165 : memref<128xi32, #tpu.memory_space<vmem>>)
      tpu.yield
    }) : () -> ()
    %dma_start3A_48 = arith.constant 0 : i32
    %dma_start3A_49 = arith.constant 0 : i32
    %dma_start3A_50 = arith.constant 0 : i32
    %dma_start3A_51 = arith.constant 0 : i32
    %dma_start3A_52 = tpu.memref_slice %arg6[%dma_start3A_49, %dma_start3A_50, %dma_start3A_51] : memref<2x128x256xf32, #tpu.memory_space<vmem>> -> memref<1x128x256xf32, #tpu.memory_space<vmem>>
    %dma_start3A_53 = tpu.memref_squeeze %dma_start3A_52 : memref<1x128x256xf32, #tpu.memory_space<vmem>> -> memref<128x256xf32, #tpu.memory_space<vmem>>
    %dma_start3A_54 = arith.constant 0 : i32
    %dma_start3A_55 = tpu.memref_slice %arg5[%dma_start3A_48, %dma_start3A_54] : memref<2x128xi32, #tpu.memory_space<vmem>> -> memref<1x128xi32, #tpu.memory_space<vmem>>
    %dma_start3A_56 = tpu.memref_squeeze %dma_start3A_55 : memref<1x128xi32, #tpu.memory_space<vmem>> -> memref<128xi32, #tpu.memory_space<vmem>>
    %dma_start3A_57 = arith.constant 0 : i32
    %dma_start3A_58 = arith.constant 0 : i32
    %dma_start3A_59 = tpu.memref_slice %arg2[%dma_start3A_57, %dma_start3A_58] : memref<100000x256xf32, #tpu.memory_space<hbm>> -> memref<100000x256xf32, #tpu.memory_space<hbm>>
    tpu.enqueue_indirect_dma source(%dma_start3A_59 : memref<100000x256xf32, #tpu.memory_space<hbm>>) target(%dma_start3A_53 : memref<128x256xf32, #tpu.memory_space<vmem>>) offsets(%dma_start3A_56 : memref<128xi32, #tpu.memory_space<vmem>>) semaphore(%arg7 : memref<!tpu.dma_semaphore, #tpu.memory_space<semaphore_mem>>)
    %dma_wait3A_60 = arith.constant 1 : i32
    %dma_wait3A_61 = arith.constant 1 : i32
    %dma_wait3A_62 = arith.constant 0 : i32
    %dma_wait3A_63 = arith.constant 0 : i32
    %dma_wait3A_64 = tpu.memref_slice %arg6[%dma_wait3A_61, %dma_wait3A_62, %dma_wait3A_63] : memref<2x128x256xf32, #tpu.memory_space<vmem>> -> memref<1x128x256xf32, #tpu.memory_space<vmem>>
    %dma_wait3A_65 = tpu.memref_squeeze %dma_wait3A_64 : memref<1x128x256xf32, #tpu.memory_space<vmem>> -> memref<128x256xf32, #tpu.memory_space<vmem>>
    %dma_wait3A_66 = arith.constant 0 : i32
    %dma_wait3A_67 = tpu.memref_slice %arg5[%dma_wait3A_60, %dma_wait3A_66] : memref<2x128xi32, #tpu.memory_space<vmem>> -> memref<1x128xi32, #tpu.memory_space<vmem>>
    %dma_wait3A_68 = tpu.memref_squeeze %dma_wait3A_67 : memref<1x128xi32, #tpu.memory_space<vmem>> -> memref<128xi32, #tpu.memory_space<vmem>>
    %dma_wait3A_69 = arith.constant 0 : i32
    %dma_wait3A_70 = arith.constant 0 : i32
    %dma_wait3A_71 = tpu.memref_slice %arg2[%dma_wait3A_69, %dma_wait3A_70] : memref<100000x256xf32, #tpu.memory_space<hbm>> -> memref<100000x256xf32, #tpu.memory_space<hbm>>
    tpu.wait_indirect_dma semaphore(%arg8 : memref<!tpu.dma_semaphore, #tpu.memory_space<semaphore_mem>>) src(%dma_wait3A_71 : memref<100000x256xf32, #tpu.memory_space<hbm>>) dst(%dma_wait3A_65 : memref<128x256xf32, #tpu.memory_space<vmem>>)
    %add3A_72 = arith.constant 128 : i32
    %add3A_73 = arith.addi %mul3A_2, %add3A_72 : i32
    %run_scoped3A_74 = arith.constant 1 : i32
    "tpu.region"() ({
      %run_scoped3A_150 = tpu.sem_alloc : memref<!tpu.dma_semaphore, #tpu.memory_space<semaphore_mem>>
      %dma_start3A_151 = arith.constant 0 : i32
      %dma_start3A_152 = arith.constant 0 : i32
      %dma_start3A_153 = tpu.memref_slice %arg6[%run_scoped3A_74, %dma_start3A_151, %dma_start3A_152] : memref<2x128x256xf32, #tpu.memory_space<vmem>> -> memref<1x128x256xf32, #tpu.memory_space<vmem>>
      %dma_start3A_154 = tpu.memref_squeeze %dma_start3A_153 : memref<1x128x256xf32, #tpu.memory_space<vmem>> -> memref<128x256xf32, #tpu.memory_space<vmem>>
      %dma_start3A_155 = arith.constant 0 : i32
      %dma_start3A_156 = tpu.memref_slice %arg4[%add3A_73, %dma_start3A_155] : memref<20480x256xf32, #tpu.memory_space<hbm>> -> memref<128x256xf32, #tpu.memory_space<hbm>>
      %dma_start3A_157 = arith.constant 0 : i32
      %dma_start3A_158 = tpu.memref_slice %arg4[%add3A_73, %dma_start3A_157] : memref<20480x256xf32, #tpu.memory_space<hbm>> -> memref<128x256xf32, #tpu.memory_space<hbm>>
      %dma_start3A_159 = arith.constant 0 : i32
      %dma_start3A_160 = arith.constant 0 : i32
      %dma_start3A_161 = tpu.memref_slice %arg6[%run_scoped3A_74, %dma_start3A_159, %dma_start3A_160] : memref<2x128x256xf32, #tpu.memory_space<vmem>> -> memref<1x128x256xf32, #tpu.memory_space<vmem>>
      %dma_start3A_162 = tpu.memref_squeeze %dma_start3A_161 : memref<1x128x256xf32, #tpu.memory_space<vmem>> -> memref<128x256xf32, #tpu.memory_space<vmem>>
      tpu.enqueue_dma source(%dma_start3A_162 : memref<128x256xf32, #tpu.memory_space<vmem>>) target(%dma_start3A_158 : memref<128x256xf32, #tpu.memory_space<hbm>>) target_semaphore(%run_scoped3A_150 : memref<!tpu.dma_semaphore, #tpu.memory_space<semaphore_mem>>)
      %dma_wait3A_163 = arith.constant 0 : i32
      %dma_wait3A_164 = arith.constant 0 : i32
      %dma_wait3A_165 = tpu.memref_slice %arg6[%run_scoped3A_74, %dma_wait3A_163, %dma_wait3A_164] : memref<2x128x256xf32, #tpu.memory_space<vmem>> -> memref<1x128x256xf32, #tpu.memory_space<vmem>>
      %dma_wait3A_166 = tpu.memref_squeeze %dma_wait3A_165 : memref<1x128x256xf32, #tpu.memory_space<vmem>> -> memref<128x256xf32, #tpu.memory_space<vmem>>
      %dma_wait3A_167 = arith.constant 0 : i32
      %dma_wait3A_168 = tpu.memref_slice %arg4[%add3A_73, %dma_wait3A_167] : memref<20480x256xf32, #tpu.memory_space<hbm>> -> memref<128x256xf32, #tpu.memory_space<hbm>>
      %dma_wait3A_169 = arith.constant 0 : i32
      %dma_wait3A_170 = tpu.memref_slice %arg4[%add3A_73, %dma_wait3A_169] : memref<20480x256xf32, #tpu.memory_space<hbm>> -> memref<128x256xf32, #tpu.memory_space<hbm>>
      %dma_wait3A_171 = arith.constant 0 : i32
      %dma_wait3A_172 = arith.constant 0 : i32
      %dma_wait3A_173 = tpu.memref_slice %arg6[%run_scoped3A_74, %dma_wait3A_171, %dma_wait3A_172] : memref<2x128x256xf32, #tpu.memory_space<vmem>> -> memref<1x128x256xf32, #tpu.memory_space<vmem>>
      %dma_wait3A_174 = tpu.memref_squeeze %dma_wait3A_173 : memref<1x128x256xf32, #tpu.memory_space<vmem>> -> memref<128x256xf32, #tpu.memory_space<vmem>>
      tpu.wait_dma2 semaphore(%run_scoped3A_150 : memref<!tpu.dma_semaphore, #tpu.memory_space<semaphore_mem>>) src(%dma_wait3A_174 : memref<128x256xf32, #tpu.memory_space<vmem>>) dst(%dma_wait3A_170 : memref<128x256xf32, #tpu.memory_space<hbm>>)
      tpu.yield
    }) : () -> ()
    %add3A_75 = arith.constant 384 : i32
    %add3A_76 = arith.addi %mul3A_2, %add3A_75 : i32
    %run_scoped3A_77 = arith.constant 1 : i32
    "tpu.region"() ({
      %run_scoped3A_150 = tpu.sem_alloc : memref<!tpu.dma_semaphore, #tpu.memory_space<semaphore_mem>>
      %dma_start3A_151 = arith.constant 0 : i32
      %dma_start3A_152 = tpu.memref_slice %arg5[%run_scoped3A_77, %dma_start3A_151] : memref<2x128xi32, #tpu.memory_space<vmem>> -> memref<1x128xi32, #tpu.memory_space<vmem>>
      %dma_start3A_153 = tpu.memref_squeeze %dma_start3A_152 : memref<1x128xi32, #tpu.memory_space<vmem>> -> memref<128xi32, #tpu.memory_space<vmem>>
      %dma_start3A_154 = tpu.memref_slice %arg3[%add3A_76] : memref<20480xi32, #tpu.memory_space<hbm>> -> memref<128xi32, #tpu.memory_space<hbm>>
      %dma_start3A_155 = arith.constant 0 : i32
      %dma_start3A_156 = tpu.memref_slice %arg5[%run_scoped3A_77, %dma_start3A_155] : memref<2x128xi32, #tpu.memory_space<vmem>> -> memref<1x128xi32, #tpu.memory_space<vmem>>
      %dma_start3A_157 = tpu.memref_squeeze %dma_start3A_156 : memref<1x128xi32, #tpu.memory_space<vmem>> -> memref<128xi32, #tpu.memory_space<vmem>>
      %dma_start3A_158 = tpu.memref_slice %arg3[%add3A_76] : memref<20480xi32, #tpu.memory_space<hbm>> -> memref<128xi32, #tpu.memory_space<hbm>>
      tpu.enqueue_dma source(%dma_start3A_158 : memref<128xi32, #tpu.memory_space<hbm>>) target(%dma_start3A_157 : memref<128xi32, #tpu.memory_space<vmem>>) target_semaphore(%run_scoped3A_150 : memref<!tpu.dma_semaphore, #tpu.memory_space<semaphore_mem>>)
      %dma_wait3A_159 = arith.constant 0 : i32
      %dma_wait3A_160 = tpu.memref_slice %arg5[%run_scoped3A_77, %dma_wait3A_159] : memref<2x128xi32, #tpu.memory_space<vmem>> -> memref<1x128xi32, #tpu.memory_space<vmem>>
      %dma_wait3A_161 = tpu.memref_squeeze %dma_wait3A_160 : memref<1x128xi32, #tpu.memory_space<vmem>> -> memref<128xi32, #tpu.memory_space<vmem>>
      %dma_wait3A_162 = tpu.memref_slice %arg3[%add3A_76] : memref<20480xi32, #tpu.memory_space<hbm>> -> memref<128xi32, #tpu.memory_space<hbm>>
      %dma_wait3A_163 = arith.constant 0 : i32
      %dma_wait3A_164 = tpu.memref_slice %arg5[%run_scoped3A_77, %dma_wait3A_163] : memref<2x128xi32, #tpu.memory_space<vmem>> -> memref<1x128xi32, #tpu.memory_space<vmem>>
      %dma_wait3A_165 = tpu.memref_squeeze %dma_wait3A_164 : memref<1x128xi32, #tpu.memory_space<vmem>> -> memref<128xi32, #tpu.memory_space<vmem>>
      %dma_wait3A_166 = tpu.memref_slice %arg3[%add3A_76] : memref<20480xi32, #tpu.memory_space<hbm>> -> memref<128xi32, #tpu.memory_space<hbm>>
      tpu.wait_dma2 semaphore(%run_scoped3A_150 : memref<!tpu.dma_semaphore, #tpu.memory_space<semaphore_mem>>) src(%dma_wait3A_166 : memref<128xi32, #tpu.memory_space<hbm>>) dst(%dma_wait3A_165 : memref<128xi32, #tpu.memory_space<vmem>>)
      tpu.yield
    }) : () -> ()
    %dma_start3A_78 = arith.constant 1 : i32
    %dma_start3A_79 = arith.constant 1 : i32
    %dma_start3A_80 = arith.constant 0 : i32
    %dma_start3A_81 = arith.constant 0 : i32
    %dma_start3A_82 = tpu.memref_slice %arg6[%dma_start3A_79, %dma_start3A_80, %dma_start3A_81] : memref<2x128x256xf32, #tpu.memory_space<vmem>> -> memref<1x128x256xf32, #tpu.memory_space<vmem>>
    %dma_start3A_83 = tpu.memref_squeeze %dma_start3A_82 : memref<1x128x256xf32, #tpu.memory_space<vmem>> -> memref<128x256xf32, #tpu.memory_space<vmem>>
    %dma_start3A_84 = arith.constant 0 : i32
    %dma_start3A_85 = tpu.memref_slice %arg5[%dma_start3A_78, %dma_start3A_84] : memref<2x128xi32, #tpu.memory_space<vmem>> -> memref<1x128xi32, #tpu.memory_space<vmem>>
    %dma_start3A_86 = tpu.memref_squeeze %dma_start3A_85 : memref<1x128xi32, #tpu.memory_space<vmem>> -> memref<128xi32, #tpu.memory_space<vmem>>
    %dma_start3A_87 = arith.constant 0 : i32
    %dma_start3A_88 = arith.constant 0 : i32
    %dma_start3A_89 = tpu.memref_slice %arg2[%dma_start3A_87, %dma_start3A_88] : memref<100000x256xf32, #tpu.memory_space<hbm>> -> memref<100000x256xf32, #tpu.memory_space<hbm>>
    tpu.enqueue_indirect_dma source(%dma_start3A_89 : memref<100000x256xf32, #tpu.memory_space<hbm>>) target(%dma_start3A_83 : memref<128x256xf32, #tpu.memory_space<vmem>>) offsets(%dma_start3A_86 : memref<128xi32, #tpu.memory_space<vmem>>) semaphore(%arg8 : memref<!tpu.dma_semaphore, #tpu.memory_space<semaphore_mem>>)
    %dma_wait3A_90 = arith.constant 0 : i32
    %dma_wait3A_91 = arith.constant 0 : i32
    %dma_wait3A_92 = arith.constant 0 : i32
    %dma_wait3A_93 = arith.constant 0 : i32
    %dma_wait3A_94 = tpu.memref_slice %arg6[%dma_wait3A_91, %dma_wait3A_92, %dma_wait3A_93] : memref<2x128x256xf32, #tpu.memory_space<vmem>> -> memref<1x128x256xf32, #tpu.memory_space<vmem>>
    %dma_wait3A_95 = tpu.memref_squeeze %dma_wait3A_94 : memref<1x128x256xf32, #tpu.memory_space<vmem>> -> memref<128x256xf32, #tpu.memory_space<vmem>>
    %dma_wait3A_96 = arith.constant 0 : i32
    %dma_wait3A_97 = tpu.memref_slice %arg5[%dma_wait3A_90, %dma_wait3A_96] : memref<2x128xi32, #tpu.memory_space<vmem>> -> memref<1x128xi32, #tpu.memory_space<vmem>>
    %dma_wait3A_98 = tpu.memref_squeeze %dma_wait3A_97 : memref<1x128xi32, #tpu.memory_space<vmem>> -> memref<128xi32, #tpu.memory_space<vmem>>
    %dma_wait3A_99 = arith.constant 0 : i32
    %dma_wait3A_100 = arith.constant 0 : i32
    %dma_wait3A_101 = tpu.memref_slice %arg2[%dma_wait3A_99, %dma_wait3A_100] : memref<100000x256xf32, #tpu.memory_space<hbm>> -> memref<100000x256xf32, #tpu.memory_space<hbm>>
    tpu.wait_indirect_dma semaphore(%arg7 : memref<!tpu.dma_semaphore, #tpu.memory_space<semaphore_mem>>) src(%dma_wait3A_101 : memref<100000x256xf32, #tpu.memory_space<hbm>>) dst(%dma_wait3A_95 : memref<128x256xf32, #tpu.memory_space<vmem>>)
    %add3A_102 = arith.constant 256 : i32
    %add3A_103 = arith.addi %mul3A_2, %add3A_102 : i32
    %run_scoped3A_104 = arith.constant 0 : i32
    "tpu.region"() ({
      %run_scoped3A_150 = tpu.sem_alloc : memref<!tpu.dma_semaphore, #tpu.memory_space<semaphore_mem>>
      %dma_start3A_151 = arith.constant 0 : i32
      %dma_start3A_152 = arith.constant 0 : i32
      %dma_start3A_153 = tpu.memref_slice %arg6[%run_scoped3A_104, %dma_start3A_151, %dma_start3A_152] : memref<2x128x256xf32, #tpu.memory_space<vmem>> -> memref<1x128x256xf32, #tpu.memory_space<vmem>>
      %dma_start3A_154 = tpu.memref_squeeze %dma_start3A_153 : memref<1x128x256xf32, #tpu.memory_space<vmem>> -> memref<128x256xf32, #tpu.memory_space<vmem>>
      %dma_start3A_155 = arith.constant 0 : i32
      %dma_start3A_156 = tpu.memref_slice %arg4[%add3A_103, %dma_start3A_155] : memref<20480x256xf32, #tpu.memory_space<hbm>> -> memref<128x256xf32, #tpu.memory_space<hbm>>
      %dma_start3A_157 = arith.constant 0 : i32
      %dma_start3A_158 = tpu.memref_slice %arg4[%add3A_103, %dma_start3A_157] : memref<20480x256xf32, #tpu.memory_space<hbm>> -> memref<128x256xf32, #tpu.memory_space<hbm>>
      %dma_start3A_159 = arith.constant 0 : i32
      %dma_start3A_160 = arith.constant 0 : i32
      %dma_start3A_161 = tpu.memref_slice %arg6[%run_scoped3A_104, %dma_start3A_159, %dma_start3A_160] : memref<2x128x256xf32, #tpu.memory_space<vmem>> -> memref<1x128x256xf32, #tpu.memory_space<vmem>>
      %dma_start3A_162 = tpu.memref_squeeze %dma_start3A_161 : memref<1x128x256xf32, #tpu.memory_space<vmem>> -> memref<128x256xf32, #tpu.memory_space<vmem>>
      tpu.enqueue_dma source(%dma_start3A_162 : memref<128x256xf32, #tpu.memory_space<vmem>>) target(%dma_start3A_158 : memref<128x256xf32, #tpu.memory_space<hbm>>) target_semaphore(%run_scoped3A_150 : memref<!tpu.dma_semaphore, #tpu.memory_space<semaphore_mem>>)
      %dma_wait3A_163 = arith.constant 0 : i32
      %dma_wait3A_164 = arith.constant 0 : i32
      %dma_wait3A_165 = tpu.memref_slice %arg6[%run_scoped3A_104, %dma_wait3A_163, %dma_wait3A_164] : memref<2x128x256xf32, #tpu.memory_space<vmem>> -> memref<1x128x256xf32, #tpu.memory_space<vmem>>
      %dma_wait3A_166 = tpu.memref_squeeze %dma_wait3A_165 : memref<1x128x256xf32, #tpu.memory_space<vmem>> -> memref<128x256xf32, #tpu.memory_space<vmem>>
      %dma_wait3A_167 = arith.constant 0 : i32
      %dma_wait3A_168 = tpu.memref_slice %arg4[%add3A_103, %dma_wait3A_167] : memref<20480x256xf32, #tpu.memory_space<hbm>> -> memref<128x256xf32, #tpu.memory_space<hbm>>
      %dma_wait3A_169 = arith.constant 0 : i32
      %dma_wait3A_170 = tpu.memref_slice %arg4[%add3A_103, %dma_wait3A_169] : memref<20480x256xf32, #tpu.memory_space<hbm>> -> memref<128x256xf32, #tpu.memory_space<hbm>>
      %dma_wait3A_171 = arith.constant 0 : i32
      %dma_wait3A_172 = arith.constant 0 : i32
      %dma_wait3A_173 = tpu.memref_slice %arg6[%run_scoped3A_104, %dma_wait3A_171, %dma_wait3A_172] : memref<2x128x256xf32, #tpu.memory_space<vmem>> -> memref<1x128x256xf32, #tpu.memory_space<vmem>>
      %dma_wait3A_174 = tpu.memref_squeeze %dma_wait3A_173 : memref<1x128x256xf32, #tpu.memory_space<vmem>> -> memref<128x256xf32, #tpu.memory_space<vmem>>
      tpu.wait_dma2 semaphore(%run_scoped3A_150 : memref<!tpu.dma_semaphore, #tpu.memory_space<semaphore_mem>>) src(%dma_wait3A_174 : memref<128x256xf32, #tpu.memory_space<vmem>>) dst(%dma_wait3A_170 : memref<128x256xf32, #tpu.memory_space<hbm>>)
      tpu.yield
    }) : () -> ()
    %add3A_105 = arith.constant 512 : i32
    %add3A_106 = arith.addi %mul3A_2, %add3A_105 : i32
    %run_scoped3A_107 = arith.constant 0 : i32
    "tpu.region"() ({
      %run_scoped3A_150 = tpu.sem_alloc : memref<!tpu.dma_semaphore, #tpu.memory_space<semaphore_mem>>
      %dma_start3A_151 = arith.constant 0 : i32
      %dma_start3A_152 = tpu.memref_slice %arg5[%run_scoped3A_107, %dma_start3A_151] : memref<2x128xi32, #tpu.memory_space<vmem>> -> memref<1x128xi32, #tpu.memory_space<vmem>>
      %dma_start3A_153 = tpu.memref_squeeze %dma_start3A_152 : memref<1x128xi32, #tpu.memory_space<vmem>> -> memref<128xi32, #tpu.memory_space<vmem>>
      %dma_start3A_154 = tpu.memref_slice %arg3[%add3A_106] : memref<20480xi32, #tpu.memory_space<hbm>> -> memref<128xi32, #tpu.memory_space<hbm>>
      %dma_start3A_155 = arith.constant 0 : i32
      %dma_start3A_156 = tpu.memref_slice %arg5[%run_scoped3A_107, %dma_start3A_155] : memref<2x128xi32, #tpu.memory_space<vmem>> -> memref<1x128xi32, #tpu.memory_space<vmem>>
      %dma_start3A_157 = tpu.memref_squeeze %dma_start3A_156 : memref<1x128xi32, #tpu.memory_space<vmem>> -> memref<128xi32, #tpu.memory_space<vmem>>
      %dma_start3A_158 = tpu.memref_slice %arg3[%add3A_106] : memref<20480xi32, #tpu.memory_space<hbm>> -> memref<128xi32, #tpu.memory_space<hbm>>
      tpu.enqueue_dma source(%dma_start3A_158 : memref<128xi32, #tpu.memory_space<hbm>>) target(%dma_start3A_157 : memref<128xi32, #tpu.memory_space<vmem>>) target_semaphore(%run_scoped3A_150 : memref<!tpu.dma_semaphore, #tpu.memory_space<semaphore_mem>>)
      %dma_wait3A_159 = arith.constant 0 : i32
      %dma_wait3A_160 = tpu.memref_slice %arg5[%run_scoped3A_107, %dma_wait3A_159] : memref<2x128xi32, #tpu.memory_space<vmem>> -> memref<1x128xi32, #tpu.memory_space<vmem>>
      %dma_wait3A_161 = tpu.memref_squeeze %dma_wait3A_160 : memref<1x128xi32, #tpu.memory_space<vmem>> -> memref<128xi32, #tpu.memory_space<vmem>>
      %dma_wait3A_162 = tpu.memref_slice %arg3[%add3A_106] : memref<20480xi32, #tpu.memory_space<hbm>> -> memref<128xi32, #tpu.memory_space<hbm>>
      %dma_wait3A_163 = arith.constant 0 : i32
      %dma_wait3A_164 = tpu.memref_slice %arg5[%run_scoped3A_107, %dma_wait3A_163] : memref<2x128xi32, #tpu.memory_space<vmem>> -> memref<1x128xi32, #tpu.memory_space<vmem>>
      %dma_wait3A_165 = tpu.memref_squeeze %dma_wait3A_164 : memref<1x128xi32, #tpu.memory_space<vmem>> -> memref<128xi32, #tpu.memory_space<vmem>>
      %dma_wait3A_166 = tpu.memref_slice %arg3[%add3A_106] : memref<20480xi32, #tpu.memory_space<hbm>> -> memref<128xi32, #tpu.memory_space<hbm>>
      tpu.wait_dma2 semaphore(%run_scoped3A_150 : memref<!tpu.dma_semaphore, #tpu.memory_space<semaphore_mem>>) src(%dma_wait3A_166 : memref<128xi32, #tpu.memory_space<hbm>>) dst(%dma_wait3A_165 : memref<128xi32, #tpu.memory_space<vmem>>)
      tpu.yield
    }) : () -> ()
    %dma_start3A_108 = arith.constant 0 : i32
    %dma_start3A_109 = arith.constant 0 : i32
    %dma_start3A_110 = arith.constant 0 : i32
    %dma_start3A_111 = arith.constant 0 : i32
    %dma_start3A_112 = tpu.memref_slice %arg6[%dma_start3A_109, %dma_start3A_110, %dma_start3A_111] : memref<2x128x256xf32, #tpu.memory_space<vmem>> -> memref<1x128x256xf32, #tpu.memory_space<vmem>>
    %dma_start3A_113 = tpu.memref_squeeze %dma_start3A_112 : memref<1x128x256xf32, #tpu.memory_space<vmem>> -> memref<128x256xf32, #tpu.memory_space<vmem>>
    %dma_start3A_114 = arith.constant 0 : i32
    %dma_start3A_115 = tpu.memref_slice %arg5[%dma_start3A_108, %dma_start3A_114] : memref<2x128xi32, #tpu.memory_space<vmem>> -> memref<1x128xi32, #tpu.memory_space<vmem>>
    %dma_start3A_116 = tpu.memref_squeeze %dma_start3A_115 : memref<1x128xi32, #tpu.memory_space<vmem>> -> memref<128xi32, #tpu.memory_space<vmem>>
    %dma_start3A_117 = arith.constant 0 : i32
    %dma_start3A_118 = arith.constant 0 : i32
    %dma_start3A_119 = tpu.memref_slice %arg2[%dma_start3A_117, %dma_start3A_118] : memref<100000x256xf32, #tpu.memory_space<hbm>> -> memref<100000x256xf32, #tpu.memory_space<hbm>>
    tpu.enqueue_indirect_dma source(%dma_start3A_119 : memref<100000x256xf32, #tpu.memory_space<hbm>>) target(%dma_start3A_113 : memref<128x256xf32, #tpu.memory_space<vmem>>) offsets(%dma_start3A_116 : memref<128xi32, #tpu.memory_space<vmem>>) semaphore(%arg7 : memref<!tpu.dma_semaphore, #tpu.memory_space<semaphore_mem>>)
    %dma_wait3A_120 = arith.constant 1 : i32
    %dma_wait3A_121 = arith.constant 1 : i32
    %dma_wait3A_122 = arith.constant 0 : i32
    %dma_wait3A_123 = arith.constant 0 : i32
    %dma_wait3A_124 = tpu.memref_slice %arg6[%dma_wait3A_121, %dma_wait3A_122, %dma_wait3A_123] : memref<2x128x256xf32, #tpu.memory_space<vmem>> -> memref<1x128x256xf32, #tpu.memory_space<vmem>>
    %dma_wait3A_125 = tpu.memref_squeeze %dma_wait3A_124 : memref<1x128x256xf32, #tpu.memory_space<vmem>> -> memref<128x256xf32, #tpu.memory_space<vmem>>
    %dma_wait3A_126 = arith.constant 0 : i32
    %dma_wait3A_127 = tpu.memref_slice %arg5[%dma_wait3A_120, %dma_wait3A_126] : memref<2x128xi32, #tpu.memory_space<vmem>> -> memref<1x128xi32, #tpu.memory_space<vmem>>
    %dma_wait3A_128 = tpu.memref_squeeze %dma_wait3A_127 : memref<1x128xi32, #tpu.memory_space<vmem>> -> memref<128xi32, #tpu.memory_space<vmem>>
    %dma_wait3A_129 = arith.constant 0 : i32
    %dma_wait3A_130 = arith.constant 0 : i32
    %dma_wait3A_131 = tpu.memref_slice %arg2[%dma_wait3A_129, %dma_wait3A_130] : memref<100000x256xf32, #tpu.memory_space<hbm>> -> memref<100000x256xf32, #tpu.memory_space<hbm>>
    tpu.wait_indirect_dma semaphore(%arg8 : memref<!tpu.dma_semaphore, #tpu.memory_space<semaphore_mem>>) src(%dma_wait3A_131 : memref<100000x256xf32, #tpu.memory_space<hbm>>) dst(%dma_wait3A_125 : memref<128x256xf32, #tpu.memory_space<vmem>>)
    %add3A_132 = arith.constant 384 : i32
    %add3A_133 = arith.addi %mul3A_2, %add3A_132 : i32
    %run_scoped3A_134 = arith.constant 1 : i32
    "tpu.region"() ({
      %run_scoped3A_150 = tpu.sem_alloc : memref<!tpu.dma_semaphore, #tpu.memory_space<semaphore_mem>>
      %dma_start3A_151 = arith.constant 0 : i32
      %dma_start3A_152 = arith.constant 0 : i32
      %dma_start3A_153 = tpu.memref_slice %arg6[%run_scoped3A_134, %dma_start3A_151, %dma_start3A_152] : memref<2x128x256xf32, #tpu.memory_space<vmem>> -> memref<1x128x256xf32, #tpu.memory_space<vmem>>
      %dma_start3A_154 = tpu.memref_squeeze %dma_start3A_153 : memref<1x128x256xf32, #tpu.memory_space<vmem>> -> memref<128x256xf32, #tpu.memory_space<vmem>>
      %dma_start3A_155 = arith.constant 0 : i32
      %dma_start3A_156 = tpu.memref_slice %arg4[%add3A_133, %dma_start3A_155] : memref<20480x256xf32, #tpu.memory_space<hbm>> -> memref<128x256xf32, #tpu.memory_space<hbm>>
      %dma_start3A_157 = arith.constant 0 : i32
      %dma_start3A_158 = tpu.memref_slice %arg4[%add3A_133, %dma_start3A_157] : memref<20480x256xf32, #tpu.memory_space<hbm>> -> memref<128x256xf32, #tpu.memory_space<hbm>>
      %dma_start3A_159 = arith.constant 0 : i32
      %dma_start3A_160 = arith.constant 0 : i32
      %dma_start3A_161 = tpu.memref_slice %arg6[%run_scoped3A_134, %dma_start3A_159, %dma_start3A_160] : memref<2x128x256xf32, #tpu.memory_space<vmem>> -> memref<1x128x256xf32, #tpu.memory_space<vmem>>
      %dma_start3A_162 = tpu.memref_squeeze %dma_start3A_161 : memref<1x128x256xf32, #tpu.memory_space<vmem>> -> memref<128x256xf32, #tpu.memory_space<vmem>>
      tpu.enqueue_dma source(%dma_start3A_162 : memref<128x256xf32, #tpu.memory_space<vmem>>) target(%dma_start3A_158 : memref<128x256xf32, #tpu.memory_space<hbm>>) target_semaphore(%run_scoped3A_150 : memref<!tpu.dma_semaphore, #tpu.memory_space<semaphore_mem>>)
      %dma_wait3A_163 = arith.constant 0 : i32
      %dma_wait3A_164 = arith.constant 0 : i32
      %dma_wait3A_165 = tpu.memref_slice %arg6[%run_scoped3A_134, %dma_wait3A_163, %dma_wait3A_164] : memref<2x128x256xf32, #tpu.memory_space<vmem>> -> memref<1x128x256xf32, #tpu.memory_space<vmem>>
      %dma_wait3A_166 = tpu.memref_squeeze %dma_wait3A_165 : memref<1x128x256xf32, #tpu.memory_space<vmem>> -> memref<128x256xf32, #tpu.memory_space<vmem>>
      %dma_wait3A_167 = arith.constant 0 : i32
      %dma_wait3A_168 = tpu.memref_slice %arg4[%add3A_133, %dma_wait3A_167] : memref<20480x256xf32, #tpu.memory_space<hbm>> -> memref<128x256xf32, #tpu.memory_space<hbm>>
      %dma_wait3A_169 = arith.constant 0 : i32
      %dma_wait3A_170 = tpu.memref_slice %arg4[%add3A_133, %dma_wait3A_169] : memref<20480x256xf32, #tpu.memory_space<hbm>> -> memref<128x256xf32, #tpu.memory_space<hbm>>
      %dma_wait3A_171 = arith.constant 0 : i32
      %dma_wait3A_172 = arith.constant 0 : i32
      %dma_wait3A_173 = tpu.memref_slice %arg6[%run_scoped3A_134, %dma_wait3A_171, %dma_wait3A_172] : memref<2x128x256xf32, #tpu.memory_space<vmem>> -> memref<1x128x256xf32, #tpu.memory_space<vmem>>
      %dma_wait3A_174 = tpu.memref_squeeze %dma_wait3A_173 : memref<1x128x256xf32, #tpu.memory_space<vmem>> -> memref<128x256xf32, #tpu.memory_space<vmem>>
      tpu.wait_dma2 semaphore(%run_scoped3A_150 : memref<!tpu.dma_semaphore, #tpu.memory_space<semaphore_mem>>) src(%dma_wait3A_174 : memref<128x256xf32, #tpu.memory_space<vmem>>) dst(%dma_wait3A_170 : memref<128x256xf32, #tpu.memory_space<hbm>>)
      tpu.yield
    }) : () -> ()
    %dma_wait3A_135 = arith.constant 0 : i32
    %dma_wait3A_136 = arith.constant 0 : i32
    %dma_wait3A_137 = arith.constant 0 : i32
    %dma_wait3A_138 = arith.constant 0 : i32
    %dma_wait3A_139 = tpu.memref_slice %arg6[%dma_wait3A_136, %dma_wait3A_137, %dma_wait3A_138] : memref<2x128x256xf32, #tpu.memory_space<vmem>> -> memref<1x128x256xf32, #tpu.memory_space<vmem>>
    %dma_wait3A_140 = tpu.memref_squeeze %dma_wait3A_139 : memref<1x128x256xf32, #tpu.memory_space<vmem>> -> memref<128x256xf32, #tpu.memory_space<vmem>>
    %dma_wait3A_141 = arith.constant 0 : i32
    %dma_wait3A_142 = tpu.memref_slice %arg5[%dma_wait3A_135, %dma_wait3A_141] : memref<2x128xi32, #tpu.memory_space<vmem>> -> memref<1x128xi32, #tpu.memory_space<vmem>>
    %dma_wait3A_143 = tpu.memref_squeeze %dma_wait3A_142 : memref<1x128xi32, #tpu.memory_space<vmem>> -> memref<128xi32, #tpu.memory_space<vmem>>
    %dma_wait3A_144 = arith.constant 0 : i32
    %dma_wait3A_145 = arith.constant 0 : i32
    %dma_wait3A_146 = tpu.memref_slice %arg2[%dma_wait3A_144, %dma_wait3A_145] : memref<100000x256xf32, #tpu.memory_space<hbm>> -> memref<100000x256xf32, #tpu.memory_space<hbm>>
    tpu.wait_indirect_dma semaphore(%arg7 : memref<!tpu.dma_semaphore, #tpu.memory_space<semaphore_mem>>) src(%dma_wait3A_146 : memref<100000x256xf32, #tpu.memory_space<hbm>>) dst(%dma_wait3A_140 : memref<128x256xf32, #tpu.memory_space<vmem>>)
    %add3A_147 = arith.constant 512 : i32
    %add3A_148 = arith.addi %mul3A_2, %add3A_147 : i32
    %run_scoped3A_149 = arith.constant 0 : i32
    "tpu.region"() ({
      %run_scoped3A_150 = tpu.sem_alloc : memref<!tpu.dma_semaphore, #tpu.memory_space<semaphore_mem>>
      %dma_start3A_151 = arith.constant 0 : i32
      %dma_start3A_152 = arith.constant 0 : i32
      %dma_start3A_153 = tpu.memref_slice %arg6[%run_scoped3A_149, %dma_start3A_151, %dma_start3A_152] : memref<2x128x256xf32, #tpu.memory_space<vmem>> -> memref<1x128x256xf32, #tpu.memory_space<vmem>>
      %dma_start3A_154 = tpu.memref_squeeze %dma_start3A_153 : memref<1x128x256xf32, #tpu.memory_space<vmem>> -> memref<128x256xf32, #tpu.memory_space<vmem>>
      %dma_start3A_155 = arith.constant 0 : i32
      %dma_start3A_156 = tpu.memref_slice %arg4[%add3A_148, %dma_start3A_155] : memref<20480x256xf32, #tpu.memory_space<hbm>> -> memref<128x256xf32, #tpu.memory_space<hbm>>
      %dma_start3A_157 = arith.constant 0 : i32
      %dma_start3A_158 = tpu.memref_slice %arg4[%add3A_148, %dma_start3A_157] : memref<20480x256xf32, #tpu.memory_space<hbm>> -> memref<128x256xf32, #tpu.memory_space<hbm>>
      %dma_start3A_159 = arith.constant 0 : i32
      %dma_start3A_160 = arith.constant 0 : i32
      %dma_start3A_161 = tpu.memref_slice %arg6[%run_scoped3A_149, %dma_start3A_159, %dma_start3A_160] : memref<2x128x256xf32, #tpu.memory_space<vmem>> -> memref<1x128x256xf32, #tpu.memory_space<vmem>>
      %dma_start3A_162 = tpu.memref_squeeze %dma_start3A_161 : memref<1x128x256xf32, #tpu.memory_space<vmem>> -> memref<128x256xf32, #tpu.memory_space<vmem>>
      tpu.enqueue_dma source(%dma_start3A_162 : memref<128x256xf32, #tpu.memory_space<vmem>>) target(%dma_start3A_158 : memref<128x256xf32, #tpu.memory_space<hbm>>) target_semaphore(%run_scoped3A_150 : memref<!tpu.dma_semaphore, #tpu.memory_space<semaphore_mem>>)
      %dma_wait3A_163 = arith.constant 0 : i32
      %dma_wait3A_164 = arith.constant 0 : i32
      %dma_wait3A_165 = tpu.memref_slice %arg6[%run_scoped3A_149, %dma_wait3A_163, %dma_wait3A_164] : memref<2x128x256xf32, #tpu.memory_space<vmem>> -> memref<1x128x256xf32, #tpu.memory_space<vmem>>
      %dma_wait3A_166 = tpu.memref_squeeze %dma_wait3A_165 : memref<1x128x256xf32, #tpu.memory_space<vmem>> -> memref<128x256xf32, #tpu.memory_space<vmem>>
      %dma_wait3A_167 = arith.constant 0 : i32
      %dma_wait3A_168 = tpu.memref_slice %arg4[%add3A_148, %dma_wait3A_167] : memref<20480x256xf32, #tpu.memory_space<hbm>> -> memref<128x256xf32, #tpu.memory_space<hbm>>
      %dma_wait3A_169 = arith.constant 0 : i32
      %dma_wait3A_170 = tpu.memref_slice %arg4[%add3A_148, %dma_wait3A_169] : memref<20480x256xf32, #tpu.memory_space<hbm>> -> memref<128x256xf32, #tpu.memory_space<hbm>>
      %dma_wait3A_171 = arith.constant 0 : i32
      %dma_wait3A_172 = arith.constant 0 : i32
      %dma_wait3A_173 = tpu.memref_slice %arg6[%run_scoped3A_149, %dma_wait3A_171, %dma_wait3A_172] : memref<2x128x256xf32, #tpu.memory_space<vmem>> -> memref<1x128x256xf32, #tpu.memory_space<vmem>>
      %dma_wait3A_174 = tpu.memref_squeeze %dma_wait3A_173 : memref<1x128x256xf32, #tpu.memory_space<vmem>> -> memref<128x256xf32, #tpu.memory_space<vmem>>
      tpu.wait_dma2 semaphore(%run_scoped3A_150 : memref<!tpu.dma_semaphore, #tpu.memory_space<semaphore_mem>>) src(%dma_wait3A_174 : memref<128x256xf32, #tpu.memory_space<vmem>>) dst(%dma_wait3A_170 : memref<128x256xf32, #tpu.memory_space<hbm>>)
      tpu.yield
    }) : () -> ()
    return
  }
}

module attributes {stable_mosaic.version = 14 : i64} {
  func.func @_attn_body(%arg0: i32, %arg1: memref<10x512x256xf32, #tpu.memory_space<vmem>>, %arg2: memref<256x256xf32, #tpu.memory_space<vmem>>, %arg3: memref<256x256xf32, #tpu.memory_space<vmem>>, %arg4: memref<256x256xf32, #tpu.memory_space<vmem>>, %arg5: memref<256x256xf32, #tpu.memory_space<vmem>>, %arg6: memref<256x256xf32, #tpu.memory_space<vmem>>, %arg7: memref<256x256xf32, #tpu.memory_space<vmem>>, %arg8: memref<512x256xf32, #tpu.memory_space<vmem>>) attributes {dimension_semantics = [#tpu.dimension_semantics<arbitrary>], iteration_bounds = array<i64: 4>, scalar_prefetch = 0 : i64, scratch_operands = 0 : i64, tpu.core_type = #tpu.core_type<tc>, window_params = [{transform_indices = @transform_0, window_bounds = array<i64: 10, 512, 256>}, {pipeline_mode = #tpu.pipeline_mode<synchronous>, transform_indices = @transform_1, window_bounds = array<i64: 256, 256>}, {pipeline_mode = #tpu.pipeline_mode<synchronous>, transform_indices = @transform_2, window_bounds = array<i64: 256, 256>}, {pipeline_mode = #tpu.pipeline_mode<synchronous>, transform_indices = @transform_3, window_bounds = array<i64: 256, 256>}, {pipeline_mode = #tpu.pipeline_mode<synchronous>, transform_indices = @transform_4, window_bounds = array<i64: 256, 256>}, {pipeline_mode = #tpu.pipeline_mode<synchronous>, transform_indices = @transform_5, window_bounds = array<i64: 256, 256>}, {pipeline_mode = #tpu.pipeline_mode<synchronous>, transform_indices = @transform_6, window_bounds = array<i64: 256, 256>}, {transform_indices = @transform_7, window_bounds = array<i64: 512, 256>}]} {
    %get3A = arith.constant 0 : index
    %get3A_0 = arith.constant 0 : index
    %get3A_1 = arith.constant 0 : index
    %get3A_2 = vector.load %arg1[%get3A, %get3A_0, %get3A_1] : memref<10x512x256xf32, #tpu.memory_space<vmem>>, vector<10x512x256xf32>
    %reshape3A = vector.shape_cast %get3A_2 : vector<10x512x256xf32> to vector<5120x256xf32>
    %transpose3A = tpu.transpose %reshape3A, [1, 0] : vector<5120x256xf32> -> vector<256x5120xf32>
    %get3A_3 = arith.constant 0 : index
    %get3A_4 = arith.constant 0 : index
    %get3A_5 = vector.load %arg2[%get3A_3, %get3A_4] : memref<256x256xf32, #tpu.memory_space<vmem>>, vector<256x256xf32>
    %dot_general3A = arith.constant dense<0.000000e+00> : vector<256x5120xf32>
    %dot_general3A_6 = tpu.matmul %get3A_5, %transpose3A, %dot_general3A {dimension_numbers = #tpu.dot_dimension_numbers<[0], [0], [1], [1], [0, 1, 1, 1], [], []>, transpose_lhs_hint = false} : vector<256x256xf32>, vector<256x5120xf32>, vector<256x5120xf32> -> vector<256x5120xf32>
    %tanh3A = math.tanh %dot_general3A_6 : vector<256x5120xf32>
    %get3A_7 = arith.constant 0 : index
    %get3A_8 = arith.constant 0 : index
    %get3A_9 = vector.load %arg5[%get3A_7, %get3A_8] : memref<256x256xf32, #tpu.memory_space<vmem>>, vector<256x256xf32>
    %get3A_10 = arith.constant 0 : index
    %get3A_11 = arith.constant 0 : index
    %get3A_12 = vector.load %arg3[%get3A_10, %get3A_11] : memref<256x256xf32, #tpu.memory_space<vmem>>, vector<256x256xf32>
    %dot_general3A_13 = arith.constant dense<0.000000e+00> : vector<256x256xf32>
    %dot_general3A_14 = tpu.matmul %get3A_9, %get3A_12, %dot_general3A_13 {dimension_numbers = #tpu.dot_dimension_numbers<[1], [1], [0], [0], [0, 0, 1, 0], [], []>, transpose_lhs_hint = false} : vector<256x256xf32>, vector<256x256xf32>, vector<256x256xf32> -> vector<256x256xf32>
    %dot_general3A_15 = arith.constant dense<0.000000e+00> : vector<256x5120xf32>
    %dot_general3A_16 = tpu.matmul %dot_general3A_14, %tanh3A, %dot_general3A_15 {dimension_numbers = #tpu.dot_dimension_numbers<[1], [0], [0], [1], [0, 0, 1, 1], [], []>, transpose_lhs_hint = false} : vector<256x256xf32>, vector<256x5120xf32>, vector<256x5120xf32> -> vector<256x5120xf32>
    %get3A_17 = arith.constant 0 : index
    %get3A_18 = arith.constant 0 : index
    %get3A_19 = vector.load %arg4[%get3A_17, %get3A_18] : memref<256x256xf32, #tpu.memory_space<vmem>>, vector<256x256xf32>
    %dot_general3A_20 = arith.constant dense<0.000000e+00> : vector<256x5120xf32>
    %dot_general3A_21 = tpu.matmul %get3A_19, %transpose3A, %dot_general3A_20 {dimension_numbers = #tpu.dot_dimension_numbers<[0], [0], [1], [1], [0, 1, 1, 1], [], []>, transpose_lhs_hint = false} : vector<256x256xf32>, vector<256x5120xf32>, vector<256x5120xf32> -> vector<256x5120xf32>
    %tanh3A_22 = math.tanh %dot_general3A_21 : vector<256x5120xf32>
    %get3A_23 = arith.constant 0 : index
    %get3A_24 = arith.constant 0 : index
    %get3A_25 = vector.load %arg6[%get3A_23, %get3A_24] : memref<256x256xf32, #tpu.memory_space<vmem>>, vector<256x256xf32>
    %dot_general3A_26 = arith.constant dense<0.000000e+00> : vector<256x5120xf32>
    %dot_general3A_27 = tpu.matmul %get3A_25, %transpose3A, %dot_general3A_26 {dimension_numbers = #tpu.dot_dimension_numbers<[0], [0], [1], [1], [0, 1, 1, 1], [], []>, transpose_lhs_hint = false} : vector<256x256xf32>, vector<256x5120xf32>, vector<256x5120xf32> -> vector<256x5120xf32>
    %tanh3A_28 = math.tanh %dot_general3A_27 : vector<256x5120xf32>
    %get3A_29 = arith.constant 0 : index
    %get3A_30 = arith.constant 0 : index
    %get3A_31 = vector.load %arg7[%get3A_29, %get3A_30] : memref<256x256xf32, #tpu.memory_space<vmem>>, vector<256x256xf32>
    %dot_general3A_32 = arith.constant dense<0.000000e+00> : vector<256x5120xf32>
    %dot_general3A_33 = tpu.matmul %get3A_31, %tanh3A_28, %dot_general3A_32 {dimension_numbers = #tpu.dot_dimension_numbers<[0], [0], [1], [1], [0, 1, 1, 1], [], []>, transpose_lhs_hint = false} : vector<256x256xf32>, vector<256x5120xf32>, vector<256x5120xf32> -> vector<256x5120xf32>
    %slice3A = vector.extract_strided_slice %dot_general3A_16 {offsets = [0, 0], sizes = [256, 512], strides = [1, 1]} : vector<256x5120xf32> to vector<256x512xf32>
    %slice3A_34 = vector.extract_strided_slice %dot_general3A_16 {offsets = [0, 512], sizes = [256, 512], strides = [1, 1]} : vector<256x5120xf32> to vector<256x512xf32>
    %slice3A_35 = vector.extract_strided_slice %dot_general3A_16 {offsets = [0, 1024], sizes = [256, 512], strides = [1, 1]} : vector<256x5120xf32> to vector<256x512xf32>
    %slice3A_36 = vector.extract_strided_slice %dot_general3A_16 {offsets = [0, 1536], sizes = [256, 512], strides = [1, 1]} : vector<256x5120xf32> to vector<256x512xf32>
    %slice3A_37 = vector.extract_strided_slice %dot_general3A_16 {offsets = [0, 2048], sizes = [256, 512], strides = [1, 1]} : vector<256x5120xf32> to vector<256x512xf32>
    %slice3A_38 = vector.extract_strided_slice %dot_general3A_16 {offsets = [0, 2560], sizes = [256, 512], strides = [1, 1]} : vector<256x5120xf32> to vector<256x512xf32>
    %slice3A_39 = vector.extract_strided_slice %dot_general3A_16 {offsets = [0, 3072], sizes = [256, 512], strides = [1, 1]} : vector<256x5120xf32> to vector<256x512xf32>
    %slice3A_40 = vector.extract_strided_slice %dot_general3A_16 {offsets = [0, 3584], sizes = [256, 512], strides = [1, 1]} : vector<256x5120xf32> to vector<256x512xf32>
    %slice3A_41 = vector.extract_strided_slice %dot_general3A_16 {offsets = [0, 4096], sizes = [256, 512], strides = [1, 1]} : vector<256x5120xf32> to vector<256x512xf32>
    %slice3A_42 = vector.extract_strided_slice %dot_general3A_16 {offsets = [0, 4608], sizes = [256, 512], strides = [1, 1]} : vector<256x5120xf32> to vector<256x512xf32>
    %slice3A_43 = vector.extract_strided_slice %tanh3A_22 {offsets = [0, 0], sizes = [256, 512], strides = [1, 1]} : vector<256x5120xf32> to vector<256x512xf32>
    %slice3A_44 = vector.extract_strided_slice %tanh3A_22 {offsets = [0, 512], sizes = [256, 512], strides = [1, 1]} : vector<256x5120xf32> to vector<256x512xf32>
    %slice3A_45 = vector.extract_strided_slice %tanh3A_22 {offsets = [0, 1024], sizes = [256, 512], strides = [1, 1]} : vector<256x5120xf32> to vector<256x512xf32>
    %slice3A_46 = vector.extract_strided_slice %tanh3A_22 {offsets = [0, 1536], sizes = [256, 512], strides = [1, 1]} : vector<256x5120xf32> to vector<256x512xf32>
    %slice3A_47 = vector.extract_strided_slice %tanh3A_22 {offsets = [0, 2048], sizes = [256, 512], strides = [1, 1]} : vector<256x5120xf32> to vector<256x512xf32>
    %slice3A_48 = vector.extract_strided_slice %tanh3A_22 {offsets = [0, 2560], sizes = [256, 512], strides = [1, 1]} : vector<256x5120xf32> to vector<256x512xf32>
    %slice3A_49 = vector.extract_strided_slice %tanh3A_22 {offsets = [0, 3072], sizes = [256, 512], strides = [1, 1]} : vector<256x5120xf32> to vector<256x512xf32>
    %slice3A_50 = vector.extract_strided_slice %tanh3A_22 {offsets = [0, 3584], sizes = [256, 512], strides = [1, 1]} : vector<256x5120xf32> to vector<256x512xf32>
    %slice3A_51 = vector.extract_strided_slice %tanh3A_22 {offsets = [0, 4096], sizes = [256, 512], strides = [1, 1]} : vector<256x5120xf32> to vector<256x512xf32>
    %slice3A_52 = vector.extract_strided_slice %tanh3A_22 {offsets = [0, 4608], sizes = [256, 512], strides = [1, 1]} : vector<256x5120xf32> to vector<256x512xf32>
    %slice3A_53 = vector.extract_strided_slice %dot_general3A_33 {offsets = [0, 0], sizes = [256, 512], strides = [1, 1]} : vector<256x5120xf32> to vector<256x512xf32>
    %slice3A_54 = vector.extract_strided_slice %dot_general3A_33 {offsets = [0, 512], sizes = [256, 512], strides = [1, 1]} : vector<256x5120xf32> to vector<256x512xf32>
    %slice3A_55 = vector.extract_strided_slice %dot_general3A_33 {offsets = [0, 1024], sizes = [256, 512], strides = [1, 1]} : vector<256x5120xf32> to vector<256x512xf32>
    %slice3A_56 = vector.extract_strided_slice %dot_general3A_33 {offsets = [0, 1536], sizes = [256, 512], strides = [1, 1]} : vector<256x5120xf32> to vector<256x512xf32>
    %slice3A_57 = vector.extract_strided_slice %dot_general3A_33 {offsets = [0, 2048], sizes = [256, 512], strides = [1, 1]} : vector<256x5120xf32> to vector<256x512xf32>
    %slice3A_58 = vector.extract_strided_slice %dot_general3A_33 {offsets = [0, 2560], sizes = [256, 512], strides = [1, 1]} : vector<256x5120xf32> to vector<256x512xf32>
    %slice3A_59 = vector.extract_strided_slice %dot_general3A_33 {offsets = [0, 3072], sizes = [256, 512], strides = [1, 1]} : vector<256x5120xf32> to vector<256x512xf32>
    %slice3A_60 = vector.extract_strided_slice %dot_general3A_33 {offsets = [0, 3584], sizes = [256, 512], strides = [1, 1]} : vector<256x5120xf32> to vector<256x512xf32>
    %slice3A_61 = vector.extract_strided_slice %dot_general3A_33 {offsets = [0, 4096], sizes = [256, 512], strides = [1, 1]} : vector<256x5120xf32> to vector<256x512xf32>
    %slice3A_62 = vector.extract_strided_slice %dot_general3A_33 {offsets = [0, 4608], sizes = [256, 512], strides = [1, 1]} : vector<256x5120xf32> to vector<256x512xf32>
    %broadcast_in_dim3A = arith.constant 0.000000e+00 : f32
    %broadcast_in_dim3A_63 = vector.broadcast %broadcast_in_dim3A : f32 to vector<512xf32>
    %broadcast_in_dim3A_64 = arith.constant 0.000000e+00 : f32
    %broadcast_in_dim3A_65 = vector.broadcast %broadcast_in_dim3A_64 : f32 to vector<512xf32>
    %broadcast_in_dim3A_66 = arith.constant 0.000000e+00 : f32
    %broadcast_in_dim3A_67 = vector.broadcast %broadcast_in_dim3A_66 : f32 to vector<512xf32>
    %broadcast_in_dim3A_68 = arith.constant 0.000000e+00 : f32
    %broadcast_in_dim3A_69 = vector.broadcast %broadcast_in_dim3A_68 : f32 to vector<512xf32>
    %broadcast_in_dim3A_70 = arith.constant 0.000000e+00 : f32
    %broadcast_in_dim3A_71 = vector.broadcast %broadcast_in_dim3A_70 : f32 to vector<512xf32>
    %broadcast_in_dim3A_72 = arith.constant 0.000000e+00 : f32
    %broadcast_in_dim3A_73 = vector.broadcast %broadcast_in_dim3A_72 : f32 to vector<512xf32>
    %broadcast_in_dim3A_74 = arith.constant 0.000000e+00 : f32
    %broadcast_in_dim3A_75 = vector.broadcast %broadcast_in_dim3A_74 : f32 to vector<512xf32>
    %broadcast_in_dim3A_76 = arith.constant 0.000000e+00 : f32
    %broadcast_in_dim3A_77 = vector.broadcast %broadcast_in_dim3A_76 : f32 to vector<512xf32>
    %broadcast_in_dim3A_78 = arith.constant 0.000000e+00 : f32
    %broadcast_in_dim3A_79 = vector.broadcast %broadcast_in_dim3A_78 : f32 to vector<512xf32>
    %broadcast_in_dim3A_80 = arith.constant 0.000000e+00 : f32
    %broadcast_in_dim3A_81 = vector.broadcast %broadcast_in_dim3A_80 : f32 to vector<512xf32>
    %mul3A = arith.mulf %slice3A, %slice3A_43 : vector<256x512xf32>
    %reduce_sum3A = arith.constant dense<0.000000e+00> : vector<512xf32>
    %reduce_sum3A_82 = vector.multi_reduction <add>, %mul3A, %reduce_sum3A [0] : vector<256x512xf32> to vector<512xf32>
    %mul3A_83 = arith.mulf %slice3A, %slice3A_44 : vector<256x512xf32>
    %reduce_sum3A_84 = arith.constant dense<0.000000e+00> : vector<512xf32>
    %reduce_sum3A_85 = vector.multi_reduction <add>, %mul3A_83, %reduce_sum3A_84 [0] : vector<256x512xf32> to vector<512xf32>
    %mul3A_86 = arith.mulf %slice3A, %slice3A_45 : vector<256x512xf32>
    %reduce_sum3A_87 = arith.constant dense<0.000000e+00> : vector<512xf32>
    %reduce_sum3A_88 = vector.multi_reduction <add>, %mul3A_86, %reduce_sum3A_87 [0] : vector<256x512xf32> to vector<512xf32>
    %mul3A_89 = arith.mulf %slice3A, %slice3A_46 : vector<256x512xf32>
    %reduce_sum3A_90 = arith.constant dense<0.000000e+00> : vector<512xf32>
    %reduce_sum3A_91 = vector.multi_reduction <add>, %mul3A_89, %reduce_sum3A_90 [0] : vector<256x512xf32> to vector<512xf32>
    %mul3A_92 = arith.mulf %slice3A, %slice3A_47 : vector<256x512xf32>
    %reduce_sum3A_93 = arith.constant dense<0.000000e+00> : vector<512xf32>
    %reduce_sum3A_94 = vector.multi_reduction <add>, %mul3A_92, %reduce_sum3A_93 [0] : vector<256x512xf32> to vector<512xf32>
    %mul3A_95 = arith.mulf %slice3A, %slice3A_48 : vector<256x512xf32>
    %reduce_sum3A_96 = arith.constant dense<0.000000e+00> : vector<512xf32>
    %reduce_sum3A_97 = vector.multi_reduction <add>, %mul3A_95, %reduce_sum3A_96 [0] : vector<256x512xf32> to vector<512xf32>
    %mul3A_98 = arith.mulf %slice3A, %slice3A_49 : vector<256x512xf32>
    %reduce_sum3A_99 = arith.constant dense<0.000000e+00> : vector<512xf32>
    %reduce_sum3A_100 = vector.multi_reduction <add>, %mul3A_98, %reduce_sum3A_99 [0] : vector<256x512xf32> to vector<512xf32>
    %mul3A_101 = arith.mulf %slice3A, %slice3A_50 : vector<256x512xf32>
    %reduce_sum3A_102 = arith.constant dense<0.000000e+00> : vector<512xf32>
    %reduce_sum3A_103 = vector.multi_reduction <add>, %mul3A_101, %reduce_sum3A_102 [0] : vector<256x512xf32> to vector<512xf32>
    %mul3A_104 = arith.mulf %slice3A, %slice3A_51 : vector<256x512xf32>
    %reduce_sum3A_105 = arith.constant dense<0.000000e+00> : vector<512xf32>
    %reduce_sum3A_106 = vector.multi_reduction <add>, %mul3A_104, %reduce_sum3A_105 [0] : vector<256x512xf32> to vector<512xf32>
    %mul3A_107 = arith.mulf %slice3A, %slice3A_52 : vector<256x512xf32>
    %reduce_sum3A_108 = arith.constant dense<0.000000e+00> : vector<512xf32>
    %reduce_sum3A_109 = vector.multi_reduction <add>, %mul3A_107, %reduce_sum3A_108 [0] : vector<256x512xf32> to vector<512xf32>
    %max3A = arith.maximumf %reduce_sum3A_82, %reduce_sum3A_85 : vector<512xf32>
    %max3A_110 = arith.maximumf %max3A, %reduce_sum3A_88 : vector<512xf32>
    %max3A_111 = arith.maximumf %max3A_110, %reduce_sum3A_91 : vector<512xf32>
    %max3A_112 = arith.maximumf %max3A_111, %reduce_sum3A_94 : vector<512xf32>
    %max3A_113 = arith.maximumf %max3A_112, %reduce_sum3A_97 : vector<512xf32>
    %max3A_114 = arith.maximumf %max3A_113, %reduce_sum3A_100 : vector<512xf32>
    %max3A_115 = arith.maximumf %max3A_114, %reduce_sum3A_103 : vector<512xf32>
    %max3A_116 = arith.maximumf %max3A_115, %reduce_sum3A_106 : vector<512xf32>
    %max3A_117 = arith.maximumf %max3A_116, %reduce_sum3A_109 : vector<512xf32>
    %sub3A = arith.subf %reduce_sum3A_82, %max3A_117 : vector<512xf32>
    %exp3A = math.exp %sub3A : vector<512xf32>
    %sub3A_118 = arith.subf %reduce_sum3A_85, %max3A_117 : vector<512xf32>
    %exp3A_119 = math.exp %sub3A_118 : vector<512xf32>
    %sub3A_120 = arith.subf %reduce_sum3A_88, %max3A_117 : vector<512xf32>
    %exp3A_121 = math.exp %sub3A_120 : vector<512xf32>
    %sub3A_122 = arith.subf %reduce_sum3A_91, %max3A_117 : vector<512xf32>
    %exp3A_123 = math.exp %sub3A_122 : vector<512xf32>
    %sub3A_124 = arith.subf %reduce_sum3A_94, %max3A_117 : vector<512xf32>
    %exp3A_125 = math.exp %sub3A_124 : vector<512xf32>
    %sub3A_126 = arith.subf %reduce_sum3A_97, %max3A_117 : vector<512xf32>
    %exp3A_127 = math.exp %sub3A_126 : vector<512xf32>
    %sub3A_128 = arith.subf %reduce_sum3A_100, %max3A_117 : vector<512xf32>
    %exp3A_129 = math.exp %sub3A_128 : vector<512xf32>
    %sub3A_130 = arith.subf %reduce_sum3A_103, %max3A_117 : vector<512xf32>
    %exp3A_131 = math.exp %sub3A_130 : vector<512xf32>
    %sub3A_132 = arith.subf %reduce_sum3A_106, %max3A_117 : vector<512xf32>
    %exp3A_133 = math.exp %sub3A_132 : vector<512xf32>
    %sub3A_134 = arith.subf %reduce_sum3A_109, %max3A_117 : vector<512xf32>
    %exp3A_135 = math.exp %sub3A_134 : vector<512xf32>
    %add3A = arith.addf %exp3A, %exp3A_119 : vector<512xf32>
    %add3A_136 = arith.addf %add3A, %exp3A_121 : vector<512xf32>
    %add3A_137 = arith.addf %add3A_136, %exp3A_123 : vector<512xf32>
    %add3A_138 = arith.addf %add3A_137, %exp3A_125 : vector<512xf32>
    %add3A_139 = arith.addf %add3A_138, %exp3A_127 : vector<512xf32>
    %add3A_140 = arith.addf %add3A_139, %exp3A_129 : vector<512xf32>
    %add3A_141 = arith.addf %add3A_140, %exp3A_131 : vector<512xf32>
    %add3A_142 = arith.addf %add3A_141, %exp3A_133 : vector<512xf32>
    %add3A_143 = arith.addf %add3A_142, %exp3A_135 : vector<512xf32>
    %div3A = arith.constant 1.000000e+00 : f32
    %div3A_144 = vector.broadcast %div3A : f32 to vector<512xf32>
    %div3A_145 = arith.divf %div3A_144, %add3A_143 : vector<512xf32>
    %mul3A_146 = arith.mulf %exp3A, %div3A_145 : vector<512xf32>
    %add3A_147 = arith.addf %broadcast_in_dim3A_63, %mul3A_146 : vector<512xf32>
    %mul3A_148 = arith.mulf %exp3A_119, %div3A_145 : vector<512xf32>
    %add3A_149 = arith.addf %broadcast_in_dim3A_65, %mul3A_148 : vector<512xf32>
    %mul3A_150 = arith.mulf %exp3A_121, %div3A_145 : vector<512xf32>
    %add3A_151 = arith.addf %broadcast_in_dim3A_67, %mul3A_150 : vector<512xf32>
    %mul3A_152 = arith.mulf %exp3A_123, %div3A_145 : vector<512xf32>
    %add3A_153 = arith.addf %broadcast_in_dim3A_69, %mul3A_152 : vector<512xf32>
    %mul3A_154 = arith.mulf %exp3A_125, %div3A_145 : vector<512xf32>
    %add3A_155 = arith.addf %broadcast_in_dim3A_71, %mul3A_154 : vector<512xf32>
    %mul3A_156 = arith.mulf %exp3A_127, %div3A_145 : vector<512xf32>
    %add3A_157 = arith.addf %broadcast_in_dim3A_73, %mul3A_156 : vector<512xf32>
    %mul3A_158 = arith.mulf %exp3A_129, %div3A_145 : vector<512xf32>
    %add3A_159 = arith.addf %broadcast_in_dim3A_75, %mul3A_158 : vector<512xf32>
    %mul3A_160 = arith.mulf %exp3A_131, %div3A_145 : vector<512xf32>
    %add3A_161 = arith.addf %broadcast_in_dim3A_77, %mul3A_160 : vector<512xf32>
    %mul3A_162 = arith.mulf %exp3A_133, %div3A_145 : vector<512xf32>
    %add3A_163 = arith.addf %broadcast_in_dim3A_79, %mul3A_162 : vector<512xf32>
    %mul3A_164 = arith.mulf %exp3A_135, %div3A_145 : vector<512xf32>
    %add3A_165 = arith.addf %broadcast_in_dim3A_81, %mul3A_164 : vector<512xf32>
    %mul3A_166 = arith.mulf %slice3A_34, %slice3A_43 : vector<256x512xf32>
    %reduce_sum3A_167 = arith.constant dense<0.000000e+00> : vector<512xf32>
    %reduce_sum3A_168 = vector.multi_reduction <add>, %mul3A_166, %reduce_sum3A_167 [0] : vector<256x512xf32> to vector<512xf32>
    %mul3A_169 = arith.mulf %slice3A_34, %slice3A_44 : vector<256x512xf32>
    %reduce_sum3A_170 = arith.constant dense<0.000000e+00> : vector<512xf32>
    %reduce_sum3A_171 = vector.multi_reduction <add>, %mul3A_169, %reduce_sum3A_170 [0] : vector<256x512xf32> to vector<512xf32>
    %mul3A_172 = arith.mulf %slice3A_34, %slice3A_45 : vector<256x512xf32>
    %reduce_sum3A_173 = arith.constant dense<0.000000e+00> : vector<512xf32>
    %reduce_sum3A_174 = vector.multi_reduction <add>, %mul3A_172, %reduce_sum3A_173 [0] : vector<256x512xf32> to vector<512xf32>
    %mul3A_175 = arith.mulf %slice3A_34, %slice3A_46 : vector<256x512xf32>
    %reduce_sum3A_176 = arith.constant dense<0.000000e+00> : vector<512xf32>
    %reduce_sum3A_177 = vector.multi_reduction <add>, %mul3A_175, %reduce_sum3A_176 [0] : vector<256x512xf32> to vector<512xf32>
    %mul3A_178 = arith.mulf %slice3A_34, %slice3A_47 : vector<256x512xf32>
    %reduce_sum3A_179 = arith.constant dense<0.000000e+00> : vector<512xf32>
    %reduce_sum3A_180 = vector.multi_reduction <add>, %mul3A_178, %reduce_sum3A_179 [0] : vector<256x512xf32> to vector<512xf32>
    %mul3A_181 = arith.mulf %slice3A_34, %slice3A_48 : vector<256x512xf32>
    %reduce_sum3A_182 = arith.constant dense<0.000000e+00> : vector<512xf32>
    %reduce_sum3A_183 = vector.multi_reduction <add>, %mul3A_181, %reduce_sum3A_182 [0] : vector<256x512xf32> to vector<512xf32>
    %mul3A_184 = arith.mulf %slice3A_34, %slice3A_49 : vector<256x512xf32>
    %reduce_sum3A_185 = arith.constant dense<0.000000e+00> : vector<512xf32>
    %reduce_sum3A_186 = vector.multi_reduction <add>, %mul3A_184, %reduce_sum3A_185 [0] : vector<256x512xf32> to vector<512xf32>
    %mul3A_187 = arith.mulf %slice3A_34, %slice3A_50 : vector<256x512xf32>
    %reduce_sum3A_188 = arith.constant dense<0.000000e+00> : vector<512xf32>
    %reduce_sum3A_189 = vector.multi_reduction <add>, %mul3A_187, %reduce_sum3A_188 [0] : vector<256x512xf32> to vector<512xf32>
    %mul3A_190 = arith.mulf %slice3A_34, %slice3A_51 : vector<256x512xf32>
    %reduce_sum3A_191 = arith.constant dense<0.000000e+00> : vector<512xf32>
    %reduce_sum3A_192 = vector.multi_reduction <add>, %mul3A_190, %reduce_sum3A_191 [0] : vector<256x512xf32> to vector<512xf32>
    %mul3A_193 = arith.mulf %slice3A_34, %slice3A_52 : vector<256x512xf32>
    %reduce_sum3A_194 = arith.constant dense<0.000000e+00> : vector<512xf32>
    %reduce_sum3A_195 = vector.multi_reduction <add>, %mul3A_193, %reduce_sum3A_194 [0] : vector<256x512xf32> to vector<512xf32>
    %max3A_196 = arith.maximumf %reduce_sum3A_168, %reduce_sum3A_171 : vector<512xf32>
    %max3A_197 = arith.maximumf %max3A_196, %reduce_sum3A_174 : vector<512xf32>
    %max3A_198 = arith.maximumf %max3A_197, %reduce_sum3A_177 : vector<512xf32>
    %max3A_199 = arith.maximumf %max3A_198, %reduce_sum3A_180 : vector<512xf32>
    %max3A_200 = arith.maximumf %max3A_199, %reduce_sum3A_183 : vector<512xf32>
    %max3A_201 = arith.maximumf %max3A_200, %reduce_sum3A_186 : vector<512xf32>
    %max3A_202 = arith.maximumf %max3A_201, %reduce_sum3A_189 : vector<512xf32>
    %max3A_203 = arith.maximumf %max3A_202, %reduce_sum3A_192 : vector<512xf32>
    %max3A_204 = arith.maximumf %max3A_203, %reduce_sum3A_195 : vector<512xf32>
    %sub3A_205 = arith.subf %reduce_sum3A_168, %max3A_204 : vector<512xf32>
    %exp3A_206 = math.exp %sub3A_205 : vector<512xf32>
    %sub3A_207 = arith.subf %reduce_sum3A_171, %max3A_204 : vector<512xf32>
    %exp3A_208 = math.exp %sub3A_207 : vector<512xf32>
    %sub3A_209 = arith.subf %reduce_sum3A_174, %max3A_204 : vector<512xf32>
    %exp3A_210 = math.exp %sub3A_209 : vector<512xf32>
    %sub3A_211 = arith.subf %reduce_sum3A_177, %max3A_204 : vector<512xf32>
    %exp3A_212 = math.exp %sub3A_211 : vector<512xf32>
    %sub3A_213 = arith.subf %reduce_sum3A_180, %max3A_204 : vector<512xf32>
    %exp3A_214 = math.exp %sub3A_213 : vector<512xf32>
    %sub3A_215 = arith.subf %reduce_sum3A_183, %max3A_204 : vector<512xf32>
    %exp3A_216 = math.exp %sub3A_215 : vector<512xf32>
    %sub3A_217 = arith.subf %reduce_sum3A_186, %max3A_204 : vector<512xf32>
    %exp3A_218 = math.exp %sub3A_217 : vector<512xf32>
    %sub3A_219 = arith.subf %reduce_sum3A_189, %max3A_204 : vector<512xf32>
    %exp3A_220 = math.exp %sub3A_219 : vector<512xf32>
    %sub3A_221 = arith.subf %reduce_sum3A_192, %max3A_204 : vector<512xf32>
    %exp3A_222 = math.exp %sub3A_221 : vector<512xf32>
    %sub3A_223 = arith.subf %reduce_sum3A_195, %max3A_204 : vector<512xf32>
    %exp3A_224 = math.exp %sub3A_223 : vector<512xf32>
    %add3A_225 = arith.addf %exp3A_206, %exp3A_208 : vector<512xf32>
    %add3A_226 = arith.addf %add3A_225, %exp3A_210 : vector<512xf32>
    %add3A_227 = arith.addf %add3A_226, %exp3A_212 : vector<512xf32>
    %add3A_228 = arith.addf %add3A_227, %exp3A_214 : vector<512xf32>
    %add3A_229 = arith.addf %add3A_228, %exp3A_216 : vector<512xf32>
    %add3A_230 = arith.addf %add3A_229, %exp3A_218 : vector<512xf32>
    %add3A_231 = arith.addf %add3A_230, %exp3A_220 : vector<512xf32>
    %add3A_232 = arith.addf %add3A_231, %exp3A_222 : vector<512xf32>
    %add3A_233 = arith.addf %add3A_232, %exp3A_224 : vector<512xf32>
    %div3A_234 = arith.constant 1.000000e+00 : f32
    %div3A_235 = vector.broadcast %div3A_234 : f32 to vector<512xf32>
    %div3A_236 = arith.divf %div3A_235, %add3A_233 : vector<512xf32>
    %mul3A_237 = arith.mulf %exp3A_206, %div3A_236 : vector<512xf32>
    %add3A_238 = arith.addf %add3A_147, %mul3A_237 : vector<512xf32>
    %mul3A_239 = arith.mulf %exp3A_208, %div3A_236 : vector<512xf32>
    %add3A_240 = arith.addf %add3A_149, %mul3A_239 : vector<512xf32>
    %mul3A_241 = arith.mulf %exp3A_210, %div3A_236 : vector<512xf32>
    %add3A_242 = arith.addf %add3A_151, %mul3A_241 : vector<512xf32>
    %mul3A_243 = arith.mulf %exp3A_212, %div3A_236 : vector<512xf32>
    %add3A_244 = arith.addf %add3A_153, %mul3A_243 : vector<512xf32>
    %mul3A_245 = arith.mulf %exp3A_214, %div3A_236 : vector<512xf32>
    %add3A_246 = arith.addf %add3A_155, %mul3A_245 : vector<512xf32>
    %mul3A_247 = arith.mulf %exp3A_216, %div3A_236 : vector<512xf32>
    %add3A_248 = arith.addf %add3A_157, %mul3A_247 : vector<512xf32>
    %mul3A_249 = arith.mulf %exp3A_218, %div3A_236 : vector<512xf32>
    %add3A_250 = arith.addf %add3A_159, %mul3A_249 : vector<512xf32>
    %mul3A_251 = arith.mulf %exp3A_220, %div3A_236 : vector<512xf32>
    %add3A_252 = arith.addf %add3A_161, %mul3A_251 : vector<512xf32>
    %mul3A_253 = arith.mulf %exp3A_222, %div3A_236 : vector<512xf32>
    %add3A_254 = arith.addf %add3A_163, %mul3A_253 : vector<512xf32>
    %mul3A_255 = arith.mulf %exp3A_224, %div3A_236 : vector<512xf32>
    %add3A_256 = arith.addf %add3A_165, %mul3A_255 : vector<512xf32>
    %mul3A_257 = arith.mulf %slice3A_35, %slice3A_43 : vector<256x512xf32>
    %reduce_sum3A_258 = arith.constant dense<0.000000e+00> : vector<512xf32>
    %reduce_sum3A_259 = vector.multi_reduction <add>, %mul3A_257, %reduce_sum3A_258 [0] : vector<256x512xf32> to vector<512xf32>
    %mul3A_260 = arith.mulf %slice3A_35, %slice3A_44 : vector<256x512xf32>
    %reduce_sum3A_261 = arith.constant dense<0.000000e+00> : vector<512xf32>
    %reduce_sum3A_262 = vector.multi_reduction <add>, %mul3A_260, %reduce_sum3A_261 [0] : vector<256x512xf32> to vector<512xf32>
    %mul3A_263 = arith.mulf %slice3A_35, %slice3A_45 : vector<256x512xf32>
    %reduce_sum3A_264 = arith.constant dense<0.000000e+00> : vector<512xf32>
    %reduce_sum3A_265 = vector.multi_reduction <add>, %mul3A_263, %reduce_sum3A_264 [0] : vector<256x512xf32> to vector<512xf32>
    %mul3A_266 = arith.mulf %slice3A_35, %slice3A_46 : vector<256x512xf32>
    %reduce_sum3A_267 = arith.constant dense<0.000000e+00> : vector<512xf32>
    %reduce_sum3A_268 = vector.multi_reduction <add>, %mul3A_266, %reduce_sum3A_267 [0] : vector<256x512xf32> to vector<512xf32>
    %mul3A_269 = arith.mulf %slice3A_35, %slice3A_47 : vector<256x512xf32>
    %reduce_sum3A_270 = arith.constant dense<0.000000e+00> : vector<512xf32>
    %reduce_sum3A_271 = vector.multi_reduction <add>, %mul3A_269, %reduce_sum3A_270 [0] : vector<256x512xf32> to vector<512xf32>
    %mul3A_272 = arith.mulf %slice3A_35, %slice3A_48 : vector<256x512xf32>
    %reduce_sum3A_273 = arith.constant dense<0.000000e+00> : vector<512xf32>
    %reduce_sum3A_274 = vector.multi_reduction <add>, %mul3A_272, %reduce_sum3A_273 [0] : vector<256x512xf32> to vector<512xf32>
    %mul3A_275 = arith.mulf %slice3A_35, %slice3A_49 : vector<256x512xf32>
    %reduce_sum3A_276 = arith.constant dense<0.000000e+00> : vector<512xf32>
    %reduce_sum3A_277 = vector.multi_reduction <add>, %mul3A_275, %reduce_sum3A_276 [0] : vector<256x512xf32> to vector<512xf32>
    %mul3A_278 = arith.mulf %slice3A_35, %slice3A_50 : vector<256x512xf32>
    %reduce_sum3A_279 = arith.constant dense<0.000000e+00> : vector<512xf32>
    %reduce_sum3A_280 = vector.multi_reduction <add>, %mul3A_278, %reduce_sum3A_279 [0] : vector<256x512xf32> to vector<512xf32>
    %mul3A_281 = arith.mulf %slice3A_35, %slice3A_51 : vector<256x512xf32>
    %reduce_sum3A_282 = arith.constant dense<0.000000e+00> : vector<512xf32>
    %reduce_sum3A_283 = vector.multi_reduction <add>, %mul3A_281, %reduce_sum3A_282 [0] : vector<256x512xf32> to vector<512xf32>
    %mul3A_284 = arith.mulf %slice3A_35, %slice3A_52 : vector<256x512xf32>
    %reduce_sum3A_285 = arith.constant dense<0.000000e+00> : vector<512xf32>
    %reduce_sum3A_286 = vector.multi_reduction <add>, %mul3A_284, %reduce_sum3A_285 [0] : vector<256x512xf32> to vector<512xf32>
    %max3A_287 = arith.maximumf %reduce_sum3A_259, %reduce_sum3A_262 : vector<512xf32>
    %max3A_288 = arith.maximumf %max3A_287, %reduce_sum3A_265 : vector<512xf32>
    %max3A_289 = arith.maximumf %max3A_288, %reduce_sum3A_268 : vector<512xf32>
    %max3A_290 = arith.maximumf %max3A_289, %reduce_sum3A_271 : vector<512xf32>
    %max3A_291 = arith.maximumf %max3A_290, %reduce_sum3A_274 : vector<512xf32>
    %max3A_292 = arith.maximumf %max3A_291, %reduce_sum3A_277 : vector<512xf32>
    %max3A_293 = arith.maximumf %max3A_292, %reduce_sum3A_280 : vector<512xf32>
    %max3A_294 = arith.maximumf %max3A_293, %reduce_sum3A_283 : vector<512xf32>
    %max3A_295 = arith.maximumf %max3A_294, %reduce_sum3A_286 : vector<512xf32>
    %sub3A_296 = arith.subf %reduce_sum3A_259, %max3A_295 : vector<512xf32>
    %exp3A_297 = math.exp %sub3A_296 : vector<512xf32>
    %sub3A_298 = arith.subf %reduce_sum3A_262, %max3A_295 : vector<512xf32>
    %exp3A_299 = math.exp %sub3A_298 : vector<512xf32>
    %sub3A_300 = arith.subf %reduce_sum3A_265, %max3A_295 : vector<512xf32>
    %exp3A_301 = math.exp %sub3A_300 : vector<512xf32>
    %sub3A_302 = arith.subf %reduce_sum3A_268, %max3A_295 : vector<512xf32>
    %exp3A_303 = math.exp %sub3A_302 : vector<512xf32>
    %sub3A_304 = arith.subf %reduce_sum3A_271, %max3A_295 : vector<512xf32>
    %exp3A_305 = math.exp %sub3A_304 : vector<512xf32>
    %sub3A_306 = arith.subf %reduce_sum3A_274, %max3A_295 : vector<512xf32>
    %exp3A_307 = math.exp %sub3A_306 : vector<512xf32>
    %sub3A_308 = arith.subf %reduce_sum3A_277, %max3A_295 : vector<512xf32>
    %exp3A_309 = math.exp %sub3A_308 : vector<512xf32>
    %sub3A_310 = arith.subf %reduce_sum3A_280, %max3A_295 : vector<512xf32>
    %exp3A_311 = math.exp %sub3A_310 : vector<512xf32>
    %sub3A_312 = arith.subf %reduce_sum3A_283, %max3A_295 : vector<512xf32>
    %exp3A_313 = math.exp %sub3A_312 : vector<512xf32>
    %sub3A_314 = arith.subf %reduce_sum3A_286, %max3A_295 : vector<512xf32>
    %exp3A_315 = math.exp %sub3A_314 : vector<512xf32>
    %add3A_316 = arith.addf %exp3A_297, %exp3A_299 : vector<512xf32>
    %add3A_317 = arith.addf %add3A_316, %exp3A_301 : vector<512xf32>
    %add3A_318 = arith.addf %add3A_317, %exp3A_303 : vector<512xf32>
    %add3A_319 = arith.addf %add3A_318, %exp3A_305 : vector<512xf32>
    %add3A_320 = arith.addf %add3A_319, %exp3A_307 : vector<512xf32>
    %add3A_321 = arith.addf %add3A_320, %exp3A_309 : vector<512xf32>
    %add3A_322 = arith.addf %add3A_321, %exp3A_311 : vector<512xf32>
    %add3A_323 = arith.addf %add3A_322, %exp3A_313 : vector<512xf32>
    %add3A_324 = arith.addf %add3A_323, %exp3A_315 : vector<512xf32>
    %div3A_325 = arith.constant 1.000000e+00 : f32
    %div3A_326 = vector.broadcast %div3A_325 : f32 to vector<512xf32>
    %div3A_327 = arith.divf %div3A_326, %add3A_324 : vector<512xf32>
    %mul3A_328 = arith.mulf %exp3A_297, %div3A_327 : vector<512xf32>
    %add3A_329 = arith.addf %add3A_238, %mul3A_328 : vector<512xf32>
    %mul3A_330 = arith.mulf %exp3A_299, %div3A_327 : vector<512xf32>
    %add3A_331 = arith.addf %add3A_240, %mul3A_330 : vector<512xf32>
    %mul3A_332 = arith.mulf %exp3A_301, %div3A_327 : vector<512xf32>
    %add3A_333 = arith.addf %add3A_242, %mul3A_332 : vector<512xf32>
    %mul3A_334 = arith.mulf %exp3A_303, %div3A_327 : vector<512xf32>
    %add3A_335 = arith.addf %add3A_244, %mul3A_334 : vector<512xf32>
    %mul3A_336 = arith.mulf %exp3A_305, %div3A_327 : vector<512xf32>
    %add3A_337 = arith.addf %add3A_246, %mul3A_336 : vector<512xf32>
    %mul3A_338 = arith.mulf %exp3A_307, %div3A_327 : vector<512xf32>
    %add3A_339 = arith.addf %add3A_248, %mul3A_338 : vector<512xf32>
    %mul3A_340 = arith.mulf %exp3A_309, %div3A_327 : vector<512xf32>
    %add3A_341 = arith.addf %add3A_250, %mul3A_340 : vector<512xf32>
    %mul3A_342 = arith.mulf %exp3A_311, %div3A_327 : vector<512xf32>
    %add3A_343 = arith.addf %add3A_252, %mul3A_342 : vector<512xf32>
    %mul3A_344 = arith.mulf %exp3A_313, %div3A_327 : vector<512xf32>
    %add3A_345 = arith.addf %add3A_254, %mul3A_344 : vector<512xf32>
    %mul3A_346 = arith.mulf %exp3A_315, %div3A_327 : vector<512xf32>
    %add3A_347 = arith.addf %add3A_256, %mul3A_346 : vector<512xf32>
    %mul3A_348 = arith.mulf %slice3A_36, %slice3A_43 : vector<256x512xf32>
    %reduce_sum3A_349 = arith.constant dense<0.000000e+00> : vector<512xf32>
    %reduce_sum3A_350 = vector.multi_reduction <add>, %mul3A_348, %reduce_sum3A_349 [0] : vector<256x512xf32> to vector<512xf32>
    %mul3A_351 = arith.mulf %slice3A_36, %slice3A_44 : vector<256x512xf32>
    %reduce_sum3A_352 = arith.constant dense<0.000000e+00> : vector<512xf32>
    %reduce_sum3A_353 = vector.multi_reduction <add>, %mul3A_351, %reduce_sum3A_352 [0] : vector<256x512xf32> to vector<512xf32>
    %mul3A_354 = arith.mulf %slice3A_36, %slice3A_45 : vector<256x512xf32>
    %reduce_sum3A_355 = arith.constant dense<0.000000e+00> : vector<512xf32>
    %reduce_sum3A_356 = vector.multi_reduction <add>, %mul3A_354, %reduce_sum3A_355 [0] : vector<256x512xf32> to vector<512xf32>
    %mul3A_357 = arith.mulf %slice3A_36, %slice3A_46 : vector<256x512xf32>
    %reduce_sum3A_358 = arith.constant dense<0.000000e+00> : vector<512xf32>
    %reduce_sum3A_359 = vector.multi_reduction <add>, %mul3A_357, %reduce_sum3A_358 [0] : vector<256x512xf32> to vector<512xf32>
    %mul3A_360 = arith.mulf %slice3A_36, %slice3A_47 : vector<256x512xf32>
    %reduce_sum3A_361 = arith.constant dense<0.000000e+00> : vector<512xf32>
    %reduce_sum3A_362 = vector.multi_reduction <add>, %mul3A_360, %reduce_sum3A_361 [0] : vector<256x512xf32> to vector<512xf32>
    %mul3A_363 = arith.mulf %slice3A_36, %slice3A_48 : vector<256x512xf32>
    %reduce_sum3A_364 = arith.constant dense<0.000000e+00> : vector<512xf32>
    %reduce_sum3A_365 = vector.multi_reduction <add>, %mul3A_363, %reduce_sum3A_364 [0] : vector<256x512xf32> to vector<512xf32>
    %mul3A_366 = arith.mulf %slice3A_36, %slice3A_49 : vector<256x512xf32>
    %reduce_sum3A_367 = arith.constant dense<0.000000e+00> : vector<512xf32>
    %reduce_sum3A_368 = vector.multi_reduction <add>, %mul3A_366, %reduce_sum3A_367 [0] : vector<256x512xf32> to vector<512xf32>
    %mul3A_369 = arith.mulf %slice3A_36, %slice3A_50 : vector<256x512xf32>
    %reduce_sum3A_370 = arith.constant dense<0.000000e+00> : vector<512xf32>
    %reduce_sum3A_371 = vector.multi_reduction <add>, %mul3A_369, %reduce_sum3A_370 [0] : vector<256x512xf32> to vector<512xf32>
    %mul3A_372 = arith.mulf %slice3A_36, %slice3A_51 : vector<256x512xf32>
    %reduce_sum3A_373 = arith.constant dense<0.000000e+00> : vector<512xf32>
    %reduce_sum3A_374 = vector.multi_reduction <add>, %mul3A_372, %reduce_sum3A_373 [0] : vector<256x512xf32> to vector<512xf32>
    %mul3A_375 = arith.mulf %slice3A_36, %slice3A_52 : vector<256x512xf32>
    %reduce_sum3A_376 = arith.constant dense<0.000000e+00> : vector<512xf32>
    %reduce_sum3A_377 = vector.multi_reduction <add>, %mul3A_375, %reduce_sum3A_376 [0] : vector<256x512xf32> to vector<512xf32>
    %max3A_378 = arith.maximumf %reduce_sum3A_350, %reduce_sum3A_353 : vector<512xf32>
    %max3A_379 = arith.maximumf %max3A_378, %reduce_sum3A_356 : vector<512xf32>
    %max3A_380 = arith.maximumf %max3A_379, %reduce_sum3A_359 : vector<512xf32>
    %max3A_381 = arith.maximumf %max3A_380, %reduce_sum3A_362 : vector<512xf32>
    %max3A_382 = arith.maximumf %max3A_381, %reduce_sum3A_365 : vector<512xf32>
    %max3A_383 = arith.maximumf %max3A_382, %reduce_sum3A_368 : vector<512xf32>
    %max3A_384 = arith.maximumf %max3A_383, %reduce_sum3A_371 : vector<512xf32>
    %max3A_385 = arith.maximumf %max3A_384, %reduce_sum3A_374 : vector<512xf32>
    %max3A_386 = arith.maximumf %max3A_385, %reduce_sum3A_377 : vector<512xf32>
    %sub3A_387 = arith.subf %reduce_sum3A_350, %max3A_386 : vector<512xf32>
    %exp3A_388 = math.exp %sub3A_387 : vector<512xf32>
    %sub3A_389 = arith.subf %reduce_sum3A_353, %max3A_386 : vector<512xf32>
    %exp3A_390 = math.exp %sub3A_389 : vector<512xf32>
    %sub3A_391 = arith.subf %reduce_sum3A_356, %max3A_386 : vector<512xf32>
    %exp3A_392 = math.exp %sub3A_391 : vector<512xf32>
    %sub3A_393 = arith.subf %reduce_sum3A_359, %max3A_386 : vector<512xf32>
    %exp3A_394 = math.exp %sub3A_393 : vector<512xf32>
    %sub3A_395 = arith.subf %reduce_sum3A_362, %max3A_386 : vector<512xf32>
    %exp3A_396 = math.exp %sub3A_395 : vector<512xf32>
    %sub3A_397 = arith.subf %reduce_sum3A_365, %max3A_386 : vector<512xf32>
    %exp3A_398 = math.exp %sub3A_397 : vector<512xf32>
    %sub3A_399 = arith.subf %reduce_sum3A_368, %max3A_386 : vector<512xf32>
    %exp3A_400 = math.exp %sub3A_399 : vector<512xf32>
    %sub3A_401 = arith.subf %reduce_sum3A_371, %max3A_386 : vector<512xf32>
    %exp3A_402 = math.exp %sub3A_401 : vector<512xf32>
    %sub3A_403 = arith.subf %reduce_sum3A_374, %max3A_386 : vector<512xf32>
    %exp3A_404 = math.exp %sub3A_403 : vector<512xf32>
    %sub3A_405 = arith.subf %reduce_sum3A_377, %max3A_386 : vector<512xf32>
    %exp3A_406 = math.exp %sub3A_405 : vector<512xf32>
    %add3A_407 = arith.addf %exp3A_388, %exp3A_390 : vector<512xf32>
    %add3A_408 = arith.addf %add3A_407, %exp3A_392 : vector<512xf32>
    %add3A_409 = arith.addf %add3A_408, %exp3A_394 : vector<512xf32>
    %add3A_410 = arith.addf %add3A_409, %exp3A_396 : vector<512xf32>
    %add3A_411 = arith.addf %add3A_410, %exp3A_398 : vector<512xf32>
    %add3A_412 = arith.addf %add3A_411, %exp3A_400 : vector<512xf32>
    %add3A_413 = arith.addf %add3A_412, %exp3A_402 : vector<512xf32>
    %add3A_414 = arith.addf %add3A_413, %exp3A_404 : vector<512xf32>
    %add3A_415 = arith.addf %add3A_414, %exp3A_406 : vector<512xf32>
    %div3A_416 = arith.constant 1.000000e+00 : f32
    %div3A_417 = vector.broadcast %div3A_416 : f32 to vector<512xf32>
    %div3A_418 = arith.divf %div3A_417, %add3A_415 : vector<512xf32>
    %mul3A_419 = arith.mulf %exp3A_388, %div3A_418 : vector<512xf32>
    %add3A_420 = arith.addf %add3A_329, %mul3A_419 : vector<512xf32>
    %mul3A_421 = arith.mulf %exp3A_390, %div3A_418 : vector<512xf32>
    %add3A_422 = arith.addf %add3A_331, %mul3A_421 : vector<512xf32>
    %mul3A_423 = arith.mulf %exp3A_392, %div3A_418 : vector<512xf32>
    %add3A_424 = arith.addf %add3A_333, %mul3A_423 : vector<512xf32>
    %mul3A_425 = arith.mulf %exp3A_394, %div3A_418 : vector<512xf32>
    %add3A_426 = arith.addf %add3A_335, %mul3A_425 : vector<512xf32>
    %mul3A_427 = arith.mulf %exp3A_396, %div3A_418 : vector<512xf32>
    %add3A_428 = arith.addf %add3A_337, %mul3A_427 : vector<512xf32>
    %mul3A_429 = arith.mulf %exp3A_398, %div3A_418 : vector<512xf32>
    %add3A_430 = arith.addf %add3A_339, %mul3A_429 : vector<512xf32>
    %mul3A_431 = arith.mulf %exp3A_400, %div3A_418 : vector<512xf32>
    %add3A_432 = arith.addf %add3A_341, %mul3A_431 : vector<512xf32>
    %mul3A_433 = arith.mulf %exp3A_402, %div3A_418 : vector<512xf32>
    %add3A_434 = arith.addf %add3A_343, %mul3A_433 : vector<512xf32>
    %mul3A_435 = arith.mulf %exp3A_404, %div3A_418 : vector<512xf32>
    %add3A_436 = arith.addf %add3A_345, %mul3A_435 : vector<512xf32>
    %mul3A_437 = arith.mulf %exp3A_406, %div3A_418 : vector<512xf32>
    %add3A_438 = arith.addf %add3A_347, %mul3A_437 : vector<512xf32>
    %mul3A_439 = arith.mulf %slice3A_37, %slice3A_43 : vector<256x512xf32>
    %reduce_sum3A_440 = arith.constant dense<0.000000e+00> : vector<512xf32>
    %reduce_sum3A_441 = vector.multi_reduction <add>, %mul3A_439, %reduce_sum3A_440 [0] : vector<256x512xf32> to vector<512xf32>
    %mul3A_442 = arith.mulf %slice3A_37, %slice3A_44 : vector<256x512xf32>
    %reduce_sum3A_443 = arith.constant dense<0.000000e+00> : vector<512xf32>
    %reduce_sum3A_444 = vector.multi_reduction <add>, %mul3A_442, %reduce_sum3A_443 [0] : vector<256x512xf32> to vector<512xf32>
    %mul3A_445 = arith.mulf %slice3A_37, %slice3A_45 : vector<256x512xf32>
    %reduce_sum3A_446 = arith.constant dense<0.000000e+00> : vector<512xf32>
    %reduce_sum3A_447 = vector.multi_reduction <add>, %mul3A_445, %reduce_sum3A_446 [0] : vector<256x512xf32> to vector<512xf32>
    %mul3A_448 = arith.mulf %slice3A_37, %slice3A_46 : vector<256x512xf32>
    %reduce_sum3A_449 = arith.constant dense<0.000000e+00> : vector<512xf32>
    %reduce_sum3A_450 = vector.multi_reduction <add>, %mul3A_448, %reduce_sum3A_449 [0] : vector<256x512xf32> to vector<512xf32>
    %mul3A_451 = arith.mulf %slice3A_37, %slice3A_47 : vector<256x512xf32>
    %reduce_sum3A_452 = arith.constant dense<0.000000e+00> : vector<512xf32>
    %reduce_sum3A_453 = vector.multi_reduction <add>, %mul3A_451, %reduce_sum3A_452 [0] : vector<256x512xf32> to vector<512xf32>
    %mul3A_454 = arith.mulf %slice3A_37, %slice3A_48 : vector<256x512xf32>
    %reduce_sum3A_455 = arith.constant dense<0.000000e+00> : vector<512xf32>
    %reduce_sum3A_456 = vector.multi_reduction <add>, %mul3A_454, %reduce_sum3A_455 [0] : vector<256x512xf32> to vector<512xf32>
    %mul3A_457 = arith.mulf %slice3A_37, %slice3A_49 : vector<256x512xf32>
    %reduce_sum3A_458 = arith.constant dense<0.000000e+00> : vector<512xf32>
    %reduce_sum3A_459 = vector.multi_reduction <add>, %mul3A_457, %reduce_sum3A_458 [0] : vector<256x512xf32> to vector<512xf32>
    %mul3A_460 = arith.mulf %slice3A_37, %slice3A_50 : vector<256x512xf32>
    %reduce_sum3A_461 = arith.constant dense<0.000000e+00> : vector<512xf32>
    %reduce_sum3A_462 = vector.multi_reduction <add>, %mul3A_460, %reduce_sum3A_461 [0] : vector<256x512xf32> to vector<512xf32>
    %mul3A_463 = arith.mulf %slice3A_37, %slice3A_51 : vector<256x512xf32>
    %reduce_sum3A_464 = arith.constant dense<0.000000e+00> : vector<512xf32>
    %reduce_sum3A_465 = vector.multi_reduction <add>, %mul3A_463, %reduce_sum3A_464 [0] : vector<256x512xf32> to vector<512xf32>
    %mul3A_466 = arith.mulf %slice3A_37, %slice3A_52 : vector<256x512xf32>
    %reduce_sum3A_467 = arith.constant dense<0.000000e+00> : vector<512xf32>
    %reduce_sum3A_468 = vector.multi_reduction <add>, %mul3A_466, %reduce_sum3A_467 [0] : vector<256x512xf32> to vector<512xf32>
    %max3A_469 = arith.maximumf %reduce_sum3A_441, %reduce_sum3A_444 : vector<512xf32>
    %max3A_470 = arith.maximumf %max3A_469, %reduce_sum3A_447 : vector<512xf32>
    %max3A_471 = arith.maximumf %max3A_470, %reduce_sum3A_450 : vector<512xf32>
    %max3A_472 = arith.maximumf %max3A_471, %reduce_sum3A_453 : vector<512xf32>
    %max3A_473 = arith.maximumf %max3A_472, %reduce_sum3A_456 : vector<512xf32>
    %max3A_474 = arith.maximumf %max3A_473, %reduce_sum3A_459 : vector<512xf32>
    %max3A_475 = arith.maximumf %max3A_474, %reduce_sum3A_462 : vector<512xf32>
    %max3A_476 = arith.maximumf %max3A_475, %reduce_sum3A_465 : vector<512xf32>
    %max3A_477 = arith.maximumf %max3A_476, %reduce_sum3A_468 : vector<512xf32>
    %sub3A_478 = arith.subf %reduce_sum3A_441, %max3A_477 : vector<512xf32>
    %exp3A_479 = math.exp %sub3A_478 : vector<512xf32>
    %sub3A_480 = arith.subf %reduce_sum3A_444, %max3A_477 : vector<512xf32>
    %exp3A_481 = math.exp %sub3A_480 : vector<512xf32>
    %sub3A_482 = arith.subf %reduce_sum3A_447, %max3A_477 : vector<512xf32>
    %exp3A_483 = math.exp %sub3A_482 : vector<512xf32>
    %sub3A_484 = arith.subf %reduce_sum3A_450, %max3A_477 : vector<512xf32>
    %exp3A_485 = math.exp %sub3A_484 : vector<512xf32>
    %sub3A_486 = arith.subf %reduce_sum3A_453, %max3A_477 : vector<512xf32>
    %exp3A_487 = math.exp %sub3A_486 : vector<512xf32>
    %sub3A_488 = arith.subf %reduce_sum3A_456, %max3A_477 : vector<512xf32>
    %exp3A_489 = math.exp %sub3A_488 : vector<512xf32>
    %sub3A_490 = arith.subf %reduce_sum3A_459, %max3A_477 : vector<512xf32>
    %exp3A_491 = math.exp %sub3A_490 : vector<512xf32>
    %sub3A_492 = arith.subf %reduce_sum3A_462, %max3A_477 : vector<512xf32>
    %exp3A_493 = math.exp %sub3A_492 : vector<512xf32>
    %sub3A_494 = arith.subf %reduce_sum3A_465, %max3A_477 : vector<512xf32>
    %exp3A_495 = math.exp %sub3A_494 : vector<512xf32>
    %sub3A_496 = arith.subf %reduce_sum3A_468, %max3A_477 : vector<512xf32>
    %exp3A_497 = math.exp %sub3A_496 : vector<512xf32>
    %add3A_498 = arith.addf %exp3A_479, %exp3A_481 : vector<512xf32>
    %add3A_499 = arith.addf %add3A_498, %exp3A_483 : vector<512xf32>
    %add3A_500 = arith.addf %add3A_499, %exp3A_485 : vector<512xf32>
    %add3A_501 = arith.addf %add3A_500, %exp3A_487 : vector<512xf32>
    %add3A_502 = arith.addf %add3A_501, %exp3A_489 : vector<512xf32>
    %add3A_503 = arith.addf %add3A_502, %exp3A_491 : vector<512xf32>
    %add3A_504 = arith.addf %add3A_503, %exp3A_493 : vector<512xf32>
    %add3A_505 = arith.addf %add3A_504, %exp3A_495 : vector<512xf32>
    %add3A_506 = arith.addf %add3A_505, %exp3A_497 : vector<512xf32>
    %div3A_507 = arith.constant 1.000000e+00 : f32
    %div3A_508 = vector.broadcast %div3A_507 : f32 to vector<512xf32>
    %div3A_509 = arith.divf %div3A_508, %add3A_506 : vector<512xf32>
    %mul3A_510 = arith.mulf %exp3A_479, %div3A_509 : vector<512xf32>
    %add3A_511 = arith.addf %add3A_420, %mul3A_510 : vector<512xf32>
    %mul3A_512 = arith.mulf %exp3A_481, %div3A_509 : vector<512xf32>
    %add3A_513 = arith.addf %add3A_422, %mul3A_512 : vector<512xf32>
    %mul3A_514 = arith.mulf %exp3A_483, %div3A_509 : vector<512xf32>
    %add3A_515 = arith.addf %add3A_424, %mul3A_514 : vector<512xf32>
    %mul3A_516 = arith.mulf %exp3A_485, %div3A_509 : vector<512xf32>
    %add3A_517 = arith.addf %add3A_426, %mul3A_516 : vector<512xf32>
    %mul3A_518 = arith.mulf %exp3A_487, %div3A_509 : vector<512xf32>
    %add3A_519 = arith.addf %add3A_428, %mul3A_518 : vector<512xf32>
    %mul3A_520 = arith.mulf %exp3A_489, %div3A_509 : vector<512xf32>
    %add3A_521 = arith.addf %add3A_430, %mul3A_520 : vector<512xf32>
    %mul3A_522 = arith.mulf %exp3A_491, %div3A_509 : vector<512xf32>
    %add3A_523 = arith.addf %add3A_432, %mul3A_522 : vector<512xf32>
    %mul3A_524 = arith.mulf %exp3A_493, %div3A_509 : vector<512xf32>
    %add3A_525 = arith.addf %add3A_434, %mul3A_524 : vector<512xf32>
    %mul3A_526 = arith.mulf %exp3A_495, %div3A_509 : vector<512xf32>
    %add3A_527 = arith.addf %add3A_436, %mul3A_526 : vector<512xf32>
    %mul3A_528 = arith.mulf %exp3A_497, %div3A_509 : vector<512xf32>
    %add3A_529 = arith.addf %add3A_438, %mul3A_528 : vector<512xf32>
    %mul3A_530 = arith.mulf %slice3A_38, %slice3A_43 : vector<256x512xf32>
    %reduce_sum3A_531 = arith.constant dense<0.000000e+00> : vector<512xf32>
    %reduce_sum3A_532 = vector.multi_reduction <add>, %mul3A_530, %reduce_sum3A_531 [0] : vector<256x512xf32> to vector<512xf32>
    %mul3A_533 = arith.mulf %slice3A_38, %slice3A_44 : vector<256x512xf32>
    %reduce_sum3A_534 = arith.constant dense<0.000000e+00> : vector<512xf32>
    %reduce_sum3A_535 = vector.multi_reduction <add>, %mul3A_533, %reduce_sum3A_534 [0] : vector<256x512xf32> to vector<512xf32>
    %mul3A_536 = arith.mulf %slice3A_38, %slice3A_45 : vector<256x512xf32>
    %reduce_sum3A_537 = arith.constant dense<0.000000e+00> : vector<512xf32>
    %reduce_sum3A_538 = vector.multi_reduction <add>, %mul3A_536, %reduce_sum3A_537 [0] : vector<256x512xf32> to vector<512xf32>
    %mul3A_539 = arith.mulf %slice3A_38, %slice3A_46 : vector<256x512xf32>
    %reduce_sum3A_540 = arith.constant dense<0.000000e+00> : vector<512xf32>
    %reduce_sum3A_541 = vector.multi_reduction <add>, %mul3A_539, %reduce_sum3A_540 [0] : vector<256x512xf32> to vector<512xf32>
    %mul3A_542 = arith.mulf %slice3A_38, %slice3A_47 : vector<256x512xf32>
    %reduce_sum3A_543 = arith.constant dense<0.000000e+00> : vector<512xf32>
    %reduce_sum3A_544 = vector.multi_reduction <add>, %mul3A_542, %reduce_sum3A_543 [0] : vector<256x512xf32> to vector<512xf32>
    %mul3A_545 = arith.mulf %slice3A_38, %slice3A_48 : vector<256x512xf32>
    %reduce_sum3A_546 = arith.constant dense<0.000000e+00> : vector<512xf32>
    %reduce_sum3A_547 = vector.multi_reduction <add>, %mul3A_545, %reduce_sum3A_546 [0] : vector<256x512xf32> to vector<512xf32>
    %mul3A_548 = arith.mulf %slice3A_38, %slice3A_49 : vector<256x512xf32>
    %reduce_sum3A_549 = arith.constant dense<0.000000e+00> : vector<512xf32>
    %reduce_sum3A_550 = vector.multi_reduction <add>, %mul3A_548, %reduce_sum3A_549 [0] : vector<256x512xf32> to vector<512xf32>
    %mul3A_551 = arith.mulf %slice3A_38, %slice3A_50 : vector<256x512xf32>
    %reduce_sum3A_552 = arith.constant dense<0.000000e+00> : vector<512xf32>
    %reduce_sum3A_553 = vector.multi_reduction <add>, %mul3A_551, %reduce_sum3A_552 [0] : vector<256x512xf32> to vector<512xf32>
    %mul3A_554 = arith.mulf %slice3A_38, %slice3A_51 : vector<256x512xf32>
    %reduce_sum3A_555 = arith.constant dense<0.000000e+00> : vector<512xf32>
    %reduce_sum3A_556 = vector.multi_reduction <add>, %mul3A_554, %reduce_sum3A_555 [0] : vector<256x512xf32> to vector<512xf32>
    %mul3A_557 = arith.mulf %slice3A_38, %slice3A_52 : vector<256x512xf32>
    %reduce_sum3A_558 = arith.constant dense<0.000000e+00> : vector<512xf32>
    %reduce_sum3A_559 = vector.multi_reduction <add>, %mul3A_557, %reduce_sum3A_558 [0] : vector<256x512xf32> to vector<512xf32>
    %max3A_560 = arith.maximumf %reduce_sum3A_532, %reduce_sum3A_535 : vector<512xf32>
    %max3A_561 = arith.maximumf %max3A_560, %reduce_sum3A_538 : vector<512xf32>
    %max3A_562 = arith.maximumf %max3A_561, %reduce_sum3A_541 : vector<512xf32>
    %max3A_563 = arith.maximumf %max3A_562, %reduce_sum3A_544 : vector<512xf32>
    %max3A_564 = arith.maximumf %max3A_563, %reduce_sum3A_547 : vector<512xf32>
    %max3A_565 = arith.maximumf %max3A_564, %reduce_sum3A_550 : vector<512xf32>
    %max3A_566 = arith.maximumf %max3A_565, %reduce_sum3A_553 : vector<512xf32>
    %max3A_567 = arith.maximumf %max3A_566, %reduce_sum3A_556 : vector<512xf32>
    %max3A_568 = arith.maximumf %max3A_567, %reduce_sum3A_559 : vector<512xf32>
    %sub3A_569 = arith.subf %reduce_sum3A_532, %max3A_568 : vector<512xf32>
    %exp3A_570 = math.exp %sub3A_569 : vector<512xf32>
    %sub3A_571 = arith.subf %reduce_sum3A_535, %max3A_568 : vector<512xf32>
    %exp3A_572 = math.exp %sub3A_571 : vector<512xf32>
    %sub3A_573 = arith.subf %reduce_sum3A_538, %max3A_568 : vector<512xf32>
    %exp3A_574 = math.exp %sub3A_573 : vector<512xf32>
    %sub3A_575 = arith.subf %reduce_sum3A_541, %max3A_568 : vector<512xf32>
    %exp3A_576 = math.exp %sub3A_575 : vector<512xf32>
    %sub3A_577 = arith.subf %reduce_sum3A_544, %max3A_568 : vector<512xf32>
    %exp3A_578 = math.exp %sub3A_577 : vector<512xf32>
    %sub3A_579 = arith.subf %reduce_sum3A_547, %max3A_568 : vector<512xf32>
    %exp3A_580 = math.exp %sub3A_579 : vector<512xf32>
    %sub3A_581 = arith.subf %reduce_sum3A_550, %max3A_568 : vector<512xf32>
    %exp3A_582 = math.exp %sub3A_581 : vector<512xf32>
    %sub3A_583 = arith.subf %reduce_sum3A_553, %max3A_568 : vector<512xf32>
    %exp3A_584 = math.exp %sub3A_583 : vector<512xf32>
    %sub3A_585 = arith.subf %reduce_sum3A_556, %max3A_568 : vector<512xf32>
    %exp3A_586 = math.exp %sub3A_585 : vector<512xf32>
    %sub3A_587 = arith.subf %reduce_sum3A_559, %max3A_568 : vector<512xf32>
    %exp3A_588 = math.exp %sub3A_587 : vector<512xf32>
    %add3A_589 = arith.addf %exp3A_570, %exp3A_572 : vector<512xf32>
    %add3A_590 = arith.addf %add3A_589, %exp3A_574 : vector<512xf32>
    %add3A_591 = arith.addf %add3A_590, %exp3A_576 : vector<512xf32>
    %add3A_592 = arith.addf %add3A_591, %exp3A_578 : vector<512xf32>
    %add3A_593 = arith.addf %add3A_592, %exp3A_580 : vector<512xf32>
    %add3A_594 = arith.addf %add3A_593, %exp3A_582 : vector<512xf32>
    %add3A_595 = arith.addf %add3A_594, %exp3A_584 : vector<512xf32>
    %add3A_596 = arith.addf %add3A_595, %exp3A_586 : vector<512xf32>
    %add3A_597 = arith.addf %add3A_596, %exp3A_588 : vector<512xf32>
    %div3A_598 = arith.constant 1.000000e+00 : f32
    %div3A_599 = vector.broadcast %div3A_598 : f32 to vector<512xf32>
    %div3A_600 = arith.divf %div3A_599, %add3A_597 : vector<512xf32>
    %mul3A_601 = arith.mulf %exp3A_570, %div3A_600 : vector<512xf32>
    %add3A_602 = arith.addf %add3A_511, %mul3A_601 : vector<512xf32>
    %mul3A_603 = arith.mulf %exp3A_572, %div3A_600 : vector<512xf32>
    %add3A_604 = arith.addf %add3A_513, %mul3A_603 : vector<512xf32>
    %mul3A_605 = arith.mulf %exp3A_574, %div3A_600 : vector<512xf32>
    %add3A_606 = arith.addf %add3A_515, %mul3A_605 : vector<512xf32>
    %mul3A_607 = arith.mulf %exp3A_576, %div3A_600 : vector<512xf32>
    %add3A_608 = arith.addf %add3A_517, %mul3A_607 : vector<512xf32>
    %mul3A_609 = arith.mulf %exp3A_578, %div3A_600 : vector<512xf32>
    %add3A_610 = arith.addf %add3A_519, %mul3A_609 : vector<512xf32>
    %mul3A_611 = arith.mulf %exp3A_580, %div3A_600 : vector<512xf32>
    %add3A_612 = arith.addf %add3A_521, %mul3A_611 : vector<512xf32>
    %mul3A_613 = arith.mulf %exp3A_582, %div3A_600 : vector<512xf32>
    %add3A_614 = arith.addf %add3A_523, %mul3A_613 : vector<512xf32>
    %mul3A_615 = arith.mulf %exp3A_584, %div3A_600 : vector<512xf32>
    %add3A_616 = arith.addf %add3A_525, %mul3A_615 : vector<512xf32>
    %mul3A_617 = arith.mulf %exp3A_586, %div3A_600 : vector<512xf32>
    %add3A_618 = arith.addf %add3A_527, %mul3A_617 : vector<512xf32>
    %mul3A_619 = arith.mulf %exp3A_588, %div3A_600 : vector<512xf32>
    %add3A_620 = arith.addf %add3A_529, %mul3A_619 : vector<512xf32>
    %mul3A_621 = arith.mulf %slice3A_39, %slice3A_43 : vector<256x512xf32>
    %reduce_sum3A_622 = arith.constant dense<0.000000e+00> : vector<512xf32>
    %reduce_sum3A_623 = vector.multi_reduction <add>, %mul3A_621, %reduce_sum3A_622 [0] : vector<256x512xf32> to vector<512xf32>
    %mul3A_624 = arith.mulf %slice3A_39, %slice3A_44 : vector<256x512xf32>
    %reduce_sum3A_625 = arith.constant dense<0.000000e+00> : vector<512xf32>
    %reduce_sum3A_626 = vector.multi_reduction <add>, %mul3A_624, %reduce_sum3A_625 [0] : vector<256x512xf32> to vector<512xf32>
    %mul3A_627 = arith.mulf %slice3A_39, %slice3A_45 : vector<256x512xf32>
    %reduce_sum3A_628 = arith.constant dense<0.000000e+00> : vector<512xf32>
    %reduce_sum3A_629 = vector.multi_reduction <add>, %mul3A_627, %reduce_sum3A_628 [0] : vector<256x512xf32> to vector<512xf32>
    %mul3A_630 = arith.mulf %slice3A_39, %slice3A_46 : vector<256x512xf32>
    %reduce_sum3A_631 = arith.constant dense<0.000000e+00> : vector<512xf32>
    %reduce_sum3A_632 = vector.multi_reduction <add>, %mul3A_630, %reduce_sum3A_631 [0] : vector<256x512xf32> to vector<512xf32>
    %mul3A_633 = arith.mulf %slice3A_39, %slice3A_47 : vector<256x512xf32>
    %reduce_sum3A_634 = arith.constant dense<0.000000e+00> : vector<512xf32>
    %reduce_sum3A_635 = vector.multi_reduction <add>, %mul3A_633, %reduce_sum3A_634 [0] : vector<256x512xf32> to vector<512xf32>
    %mul3A_636 = arith.mulf %slice3A_39, %slice3A_48 : vector<256x512xf32>
    %reduce_sum3A_637 = arith.constant dense<0.000000e+00> : vector<512xf32>
    %reduce_sum3A_638 = vector.multi_reduction <add>, %mul3A_636, %reduce_sum3A_637 [0] : vector<256x512xf32> to vector<512xf32>
    %mul3A_639 = arith.mulf %slice3A_39, %slice3A_49 : vector<256x512xf32>
    %reduce_sum3A_640 = arith.constant dense<0.000000e+00> : vector<512xf32>
    %reduce_sum3A_641 = vector.multi_reduction <add>, %mul3A_639, %reduce_sum3A_640 [0] : vector<256x512xf32> to vector<512xf32>
    %mul3A_642 = arith.mulf %slice3A_39, %slice3A_50 : vector<256x512xf32>
    %reduce_sum3A_643 = arith.constant dense<0.000000e+00> : vector<512xf32>
    %reduce_sum3A_644 = vector.multi_reduction <add>, %mul3A_642, %reduce_sum3A_643 [0] : vector<256x512xf32> to vector<512xf32>
    %mul3A_645 = arith.mulf %slice3A_39, %slice3A_51 : vector<256x512xf32>
    %reduce_sum3A_646 = arith.constant dense<0.000000e+00> : vector<512xf32>
    %reduce_sum3A_647 = vector.multi_reduction <add>, %mul3A_645, %reduce_sum3A_646 [0] : vector<256x512xf32> to vector<512xf32>
    %mul3A_648 = arith.mulf %slice3A_39, %slice3A_52 : vector<256x512xf32>
    %reduce_sum3A_649 = arith.constant dense<0.000000e+00> : vector<512xf32>
    %reduce_sum3A_650 = vector.multi_reduction <add>, %mul3A_648, %reduce_sum3A_649 [0] : vector<256x512xf32> to vector<512xf32>
    %max3A_651 = arith.maximumf %reduce_sum3A_623, %reduce_sum3A_626 : vector<512xf32>
    %max3A_652 = arith.maximumf %max3A_651, %reduce_sum3A_629 : vector<512xf32>
    %max3A_653 = arith.maximumf %max3A_652, %reduce_sum3A_632 : vector<512xf32>
    %max3A_654 = arith.maximumf %max3A_653, %reduce_sum3A_635 : vector<512xf32>
    %max3A_655 = arith.maximumf %max3A_654, %reduce_sum3A_638 : vector<512xf32>
    %max3A_656 = arith.maximumf %max3A_655, %reduce_sum3A_641 : vector<512xf32>
    %max3A_657 = arith.maximumf %max3A_656, %reduce_sum3A_644 : vector<512xf32>
    %max3A_658 = arith.maximumf %max3A_657, %reduce_sum3A_647 : vector<512xf32>
    %max3A_659 = arith.maximumf %max3A_658, %reduce_sum3A_650 : vector<512xf32>
    %sub3A_660 = arith.subf %reduce_sum3A_623, %max3A_659 : vector<512xf32>
    %exp3A_661 = math.exp %sub3A_660 : vector<512xf32>
    %sub3A_662 = arith.subf %reduce_sum3A_626, %max3A_659 : vector<512xf32>
    %exp3A_663 = math.exp %sub3A_662 : vector<512xf32>
    %sub3A_664 = arith.subf %reduce_sum3A_629, %max3A_659 : vector<512xf32>
    %exp3A_665 = math.exp %sub3A_664 : vector<512xf32>
    %sub3A_666 = arith.subf %reduce_sum3A_632, %max3A_659 : vector<512xf32>
    %exp3A_667 = math.exp %sub3A_666 : vector<512xf32>
    %sub3A_668 = arith.subf %reduce_sum3A_635, %max3A_659 : vector<512xf32>
    %exp3A_669 = math.exp %sub3A_668 : vector<512xf32>
    %sub3A_670 = arith.subf %reduce_sum3A_638, %max3A_659 : vector<512xf32>
    %exp3A_671 = math.exp %sub3A_670 : vector<512xf32>
    %sub3A_672 = arith.subf %reduce_sum3A_641, %max3A_659 : vector<512xf32>
    %exp3A_673 = math.exp %sub3A_672 : vector<512xf32>
    %sub3A_674 = arith.subf %reduce_sum3A_644, %max3A_659 : vector<512xf32>
    %exp3A_675 = math.exp %sub3A_674 : vector<512xf32>
    %sub3A_676 = arith.subf %reduce_sum3A_647, %max3A_659 : vector<512xf32>
    %exp3A_677 = math.exp %sub3A_676 : vector<512xf32>
    %sub3A_678 = arith.subf %reduce_sum3A_650, %max3A_659 : vector<512xf32>
    %exp3A_679 = math.exp %sub3A_678 : vector<512xf32>
    %add3A_680 = arith.addf %exp3A_661, %exp3A_663 : vector<512xf32>
    %add3A_681 = arith.addf %add3A_680, %exp3A_665 : vector<512xf32>
    %add3A_682 = arith.addf %add3A_681, %exp3A_667 : vector<512xf32>
    %add3A_683 = arith.addf %add3A_682, %exp3A_669 : vector<512xf32>
    %add3A_684 = arith.addf %add3A_683, %exp3A_671 : vector<512xf32>
    %add3A_685 = arith.addf %add3A_684, %exp3A_673 : vector<512xf32>
    %add3A_686 = arith.addf %add3A_685, %exp3A_675 : vector<512xf32>
    %add3A_687 = arith.addf %add3A_686, %exp3A_677 : vector<512xf32>
    %add3A_688 = arith.addf %add3A_687, %exp3A_679 : vector<512xf32>
    %div3A_689 = arith.constant 1.000000e+00 : f32
    %div3A_690 = vector.broadcast %div3A_689 : f32 to vector<512xf32>
    %div3A_691 = arith.divf %div3A_690, %add3A_688 : vector<512xf32>
    %mul3A_692 = arith.mulf %exp3A_661, %div3A_691 : vector<512xf32>
    %add3A_693 = arith.addf %add3A_602, %mul3A_692 : vector<512xf32>
    %mul3A_694 = arith.mulf %exp3A_663, %div3A_691 : vector<512xf32>
    %add3A_695 = arith.addf %add3A_604, %mul3A_694 : vector<512xf32>
    %mul3A_696 = arith.mulf %exp3A_665, %div3A_691 : vector<512xf32>
    %add3A_697 = arith.addf %add3A_606, %mul3A_696 : vector<512xf32>
    %mul3A_698 = arith.mulf %exp3A_667, %div3A_691 : vector<512xf32>
    %add3A_699 = arith.addf %add3A_608, %mul3A_698 : vector<512xf32>
    %mul3A_700 = arith.mulf %exp3A_669, %div3A_691 : vector<512xf32>
    %add3A_701 = arith.addf %add3A_610, %mul3A_700 : vector<512xf32>
    %mul3A_702 = arith.mulf %exp3A_671, %div3A_691 : vector<512xf32>
    %add3A_703 = arith.addf %add3A_612, %mul3A_702 : vector<512xf32>
    %mul3A_704 = arith.mulf %exp3A_673, %div3A_691 : vector<512xf32>
    %add3A_705 = arith.addf %add3A_614, %mul3A_704 : vector<512xf32>
    %mul3A_706 = arith.mulf %exp3A_675, %div3A_691 : vector<512xf32>
    %add3A_707 = arith.addf %add3A_616, %mul3A_706 : vector<512xf32>
    %mul3A_708 = arith.mulf %exp3A_677, %div3A_691 : vector<512xf32>
    %add3A_709 = arith.addf %add3A_618, %mul3A_708 : vector<512xf32>
    %mul3A_710 = arith.mulf %exp3A_679, %div3A_691 : vector<512xf32>
    %add3A_711 = arith.addf %add3A_620, %mul3A_710 : vector<512xf32>
    %mul3A_712 = arith.mulf %slice3A_40, %slice3A_43 : vector<256x512xf32>
    %reduce_sum3A_713 = arith.constant dense<0.000000e+00> : vector<512xf32>
    %reduce_sum3A_714 = vector.multi_reduction <add>, %mul3A_712, %reduce_sum3A_713 [0] : vector<256x512xf32> to vector<512xf32>
    %mul3A_715 = arith.mulf %slice3A_40, %slice3A_44 : vector<256x512xf32>
    %reduce_sum3A_716 = arith.constant dense<0.000000e+00> : vector<512xf32>
    %reduce_sum3A_717 = vector.multi_reduction <add>, %mul3A_715, %reduce_sum3A_716 [0] : vector<256x512xf32> to vector<512xf32>
    %mul3A_718 = arith.mulf %slice3A_40, %slice3A_45 : vector<256x512xf32>
    %reduce_sum3A_719 = arith.constant dense<0.000000e+00> : vector<512xf32>
    %reduce_sum3A_720 = vector.multi_reduction <add>, %mul3A_718, %reduce_sum3A_719 [0] : vector<256x512xf32> to vector<512xf32>
    %mul3A_721 = arith.mulf %slice3A_40, %slice3A_46 : vector<256x512xf32>
    %reduce_sum3A_722 = arith.constant dense<0.000000e+00> : vector<512xf32>
    %reduce_sum3A_723 = vector.multi_reduction <add>, %mul3A_721, %reduce_sum3A_722 [0] : vector<256x512xf32> to vector<512xf32>
    %mul3A_724 = arith.mulf %slice3A_40, %slice3A_47 : vector<256x512xf32>
    %reduce_sum3A_725 = arith.constant dense<0.000000e+00> : vector<512xf32>
    %reduce_sum3A_726 = vector.multi_reduction <add>, %mul3A_724, %reduce_sum3A_725 [0] : vector<256x512xf32> to vector<512xf32>
    %mul3A_727 = arith.mulf %slice3A_40, %slice3A_48 : vector<256x512xf32>
    %reduce_sum3A_728 = arith.constant dense<0.000000e+00> : vector<512xf32>
    %reduce_sum3A_729 = vector.multi_reduction <add>, %mul3A_727, %reduce_sum3A_728 [0] : vector<256x512xf32> to vector<512xf32>
    %mul3A_730 = arith.mulf %slice3A_40, %slice3A_49 : vector<256x512xf32>
    %reduce_sum3A_731 = arith.constant dense<0.000000e+00> : vector<512xf32>
    %reduce_sum3A_732 = vector.multi_reduction <add>, %mul3A_730, %reduce_sum3A_731 [0] : vector<256x512xf32> to vector<512xf32>
    %mul3A_733 = arith.mulf %slice3A_40, %slice3A_50 : vector<256x512xf32>
    %reduce_sum3A_734 = arith.constant dense<0.000000e+00> : vector<512xf32>
    %reduce_sum3A_735 = vector.multi_reduction <add>, %mul3A_733, %reduce_sum3A_734 [0] : vector<256x512xf32> to vector<512xf32>
    %mul3A_736 = arith.mulf %slice3A_40, %slice3A_51 : vector<256x512xf32>
    %reduce_sum3A_737 = arith.constant dense<0.000000e+00> : vector<512xf32>
    %reduce_sum3A_738 = vector.multi_reduction <add>, %mul3A_736, %reduce_sum3A_737 [0] : vector<256x512xf32> to vector<512xf32>
    %mul3A_739 = arith.mulf %slice3A_40, %slice3A_52 : vector<256x512xf32>
    %reduce_sum3A_740 = arith.constant dense<0.000000e+00> : vector<512xf32>
    %reduce_sum3A_741 = vector.multi_reduction <add>, %mul3A_739, %reduce_sum3A_740 [0] : vector<256x512xf32> to vector<512xf32>
    %max3A_742 = arith.maximumf %reduce_sum3A_714, %reduce_sum3A_717 : vector<512xf32>
    %max3A_743 = arith.maximumf %max3A_742, %reduce_sum3A_720 : vector<512xf32>
    %max3A_744 = arith.maximumf %max3A_743, %reduce_sum3A_723 : vector<512xf32>
    %max3A_745 = arith.maximumf %max3A_744, %reduce_sum3A_726 : vector<512xf32>
    %max3A_746 = arith.maximumf %max3A_745, %reduce_sum3A_729 : vector<512xf32>
    %max3A_747 = arith.maximumf %max3A_746, %reduce_sum3A_732 : vector<512xf32>
    %max3A_748 = arith.maximumf %max3A_747, %reduce_sum3A_735 : vector<512xf32>
    %max3A_749 = arith.maximumf %max3A_748, %reduce_sum3A_738 : vector<512xf32>
    %max3A_750 = arith.maximumf %max3A_749, %reduce_sum3A_741 : vector<512xf32>
    %sub3A_751 = arith.subf %reduce_sum3A_714, %max3A_750 : vector<512xf32>
    %exp3A_752 = math.exp %sub3A_751 : vector<512xf32>
    %sub3A_753 = arith.subf %reduce_sum3A_717, %max3A_750 : vector<512xf32>
    %exp3A_754 = math.exp %sub3A_753 : vector<512xf32>
    %sub3A_755 = arith.subf %reduce_sum3A_720, %max3A_750 : vector<512xf32>
    %exp3A_756 = math.exp %sub3A_755 : vector<512xf32>
    %sub3A_757 = arith.subf %reduce_sum3A_723, %max3A_750 : vector<512xf32>
    %exp3A_758 = math.exp %sub3A_757 : vector<512xf32>
    %sub3A_759 = arith.subf %reduce_sum3A_726, %max3A_750 : vector<512xf32>
    %exp3A_760 = math.exp %sub3A_759 : vector<512xf32>
    %sub3A_761 = arith.subf %reduce_sum3A_729, %max3A_750 : vector<512xf32>
    %exp3A_762 = math.exp %sub3A_761 : vector<512xf32>
    %sub3A_763 = arith.subf %reduce_sum3A_732, %max3A_750 : vector<512xf32>
    %exp3A_764 = math.exp %sub3A_763 : vector<512xf32>
    %sub3A_765 = arith.subf %reduce_sum3A_735, %max3A_750 : vector<512xf32>
    %exp3A_766 = math.exp %sub3A_765 : vector<512xf32>
    %sub3A_767 = arith.subf %reduce_sum3A_738, %max3A_750 : vector<512xf32>
    %exp3A_768 = math.exp %sub3A_767 : vector<512xf32>
    %sub3A_769 = arith.subf %reduce_sum3A_741, %max3A_750 : vector<512xf32>
    %exp3A_770 = math.exp %sub3A_769 : vector<512xf32>
    %add3A_771 = arith.addf %exp3A_752, %exp3A_754 : vector<512xf32>
    %add3A_772 = arith.addf %add3A_771, %exp3A_756 : vector<512xf32>
    %add3A_773 = arith.addf %add3A_772, %exp3A_758 : vector<512xf32>
    %add3A_774 = arith.addf %add3A_773, %exp3A_760 : vector<512xf32>
    %add3A_775 = arith.addf %add3A_774, %exp3A_762 : vector<512xf32>
    %add3A_776 = arith.addf %add3A_775, %exp3A_764 : vector<512xf32>
    %add3A_777 = arith.addf %add3A_776, %exp3A_766 : vector<512xf32>
    %add3A_778 = arith.addf %add3A_777, %exp3A_768 : vector<512xf32>
    %add3A_779 = arith.addf %add3A_778, %exp3A_770 : vector<512xf32>
    %div3A_780 = arith.constant 1.000000e+00 : f32
    %div3A_781 = vector.broadcast %div3A_780 : f32 to vector<512xf32>
    %div3A_782 = arith.divf %div3A_781, %add3A_779 : vector<512xf32>
    %mul3A_783 = arith.mulf %exp3A_752, %div3A_782 : vector<512xf32>
    %add3A_784 = arith.addf %add3A_693, %mul3A_783 : vector<512xf32>
    %mul3A_785 = arith.mulf %exp3A_754, %div3A_782 : vector<512xf32>
    %add3A_786 = arith.addf %add3A_695, %mul3A_785 : vector<512xf32>
    %mul3A_787 = arith.mulf %exp3A_756, %div3A_782 : vector<512xf32>
    %add3A_788 = arith.addf %add3A_697, %mul3A_787 : vector<512xf32>
    %mul3A_789 = arith.mulf %exp3A_758, %div3A_782 : vector<512xf32>
    %add3A_790 = arith.addf %add3A_699, %mul3A_789 : vector<512xf32>
    %mul3A_791 = arith.mulf %exp3A_760, %div3A_782 : vector<512xf32>
    %add3A_792 = arith.addf %add3A_701, %mul3A_791 : vector<512xf32>
    %mul3A_793 = arith.mulf %exp3A_762, %div3A_782 : vector<512xf32>
    %add3A_794 = arith.addf %add3A_703, %mul3A_793 : vector<512xf32>
    %mul3A_795 = arith.mulf %exp3A_764, %div3A_782 : vector<512xf32>
    %add3A_796 = arith.addf %add3A_705, %mul3A_795 : vector<512xf32>
    %mul3A_797 = arith.mulf %exp3A_766, %div3A_782 : vector<512xf32>
    %add3A_798 = arith.addf %add3A_707, %mul3A_797 : vector<512xf32>
    %mul3A_799 = arith.mulf %exp3A_768, %div3A_782 : vector<512xf32>
    %add3A_800 = arith.addf %add3A_709, %mul3A_799 : vector<512xf32>
    %mul3A_801 = arith.mulf %exp3A_770, %div3A_782 : vector<512xf32>
    %add3A_802 = arith.addf %add3A_711, %mul3A_801 : vector<512xf32>
    %mul3A_803 = arith.mulf %slice3A_41, %slice3A_43 : vector<256x512xf32>
    %reduce_sum3A_804 = arith.constant dense<0.000000e+00> : vector<512xf32>
    %reduce_sum3A_805 = vector.multi_reduction <add>, %mul3A_803, %reduce_sum3A_804 [0] : vector<256x512xf32> to vector<512xf32>
    %mul3A_806 = arith.mulf %slice3A_41, %slice3A_44 : vector<256x512xf32>
    %reduce_sum3A_807 = arith.constant dense<0.000000e+00> : vector<512xf32>
    %reduce_sum3A_808 = vector.multi_reduction <add>, %mul3A_806, %reduce_sum3A_807 [0] : vector<256x512xf32> to vector<512xf32>
    %mul3A_809 = arith.mulf %slice3A_41, %slice3A_45 : vector<256x512xf32>
    %reduce_sum3A_810 = arith.constant dense<0.000000e+00> : vector<512xf32>
    %reduce_sum3A_811 = vector.multi_reduction <add>, %mul3A_809, %reduce_sum3A_810 [0] : vector<256x512xf32> to vector<512xf32>
    %mul3A_812 = arith.mulf %slice3A_41, %slice3A_46 : vector<256x512xf32>
    %reduce_sum3A_813 = arith.constant dense<0.000000e+00> : vector<512xf32>
    %reduce_sum3A_814 = vector.multi_reduction <add>, %mul3A_812, %reduce_sum3A_813 [0] : vector<256x512xf32> to vector<512xf32>
    %mul3A_815 = arith.mulf %slice3A_41, %slice3A_47 : vector<256x512xf32>
    %reduce_sum3A_816 = arith.constant dense<0.000000e+00> : vector<512xf32>
    %reduce_sum3A_817 = vector.multi_reduction <add>, %mul3A_815, %reduce_sum3A_816 [0] : vector<256x512xf32> to vector<512xf32>
    %mul3A_818 = arith.mulf %slice3A_41, %slice3A_48 : vector<256x512xf32>
    %reduce_sum3A_819 = arith.constant dense<0.000000e+00> : vector<512xf32>
    %reduce_sum3A_820 = vector.multi_reduction <add>, %mul3A_818, %reduce_sum3A_819 [0] : vector<256x512xf32> to vector<512xf32>
    %mul3A_821 = arith.mulf %slice3A_41, %slice3A_49 : vector<256x512xf32>
    %reduce_sum3A_822 = arith.constant dense<0.000000e+00> : vector<512xf32>
    %reduce_sum3A_823 = vector.multi_reduction <add>, %mul3A_821, %reduce_sum3A_822 [0] : vector<256x512xf32> to vector<512xf32>
    %mul3A_824 = arith.mulf %slice3A_41, %slice3A_50 : vector<256x512xf32>
    %reduce_sum3A_825 = arith.constant dense<0.000000e+00> : vector<512xf32>
    %reduce_sum3A_826 = vector.multi_reduction <add>, %mul3A_824, %reduce_sum3A_825 [0] : vector<256x512xf32> to vector<512xf32>
    %mul3A_827 = arith.mulf %slice3A_41, %slice3A_51 : vector<256x512xf32>
    %reduce_sum3A_828 = arith.constant dense<0.000000e+00> : vector<512xf32>
    %reduce_sum3A_829 = vector.multi_reduction <add>, %mul3A_827, %reduce_sum3A_828 [0] : vector<256x512xf32> to vector<512xf32>
    %mul3A_830 = arith.mulf %slice3A_41, %slice3A_52 : vector<256x512xf32>
    %reduce_sum3A_831 = arith.constant dense<0.000000e+00> : vector<512xf32>
    %reduce_sum3A_832 = vector.multi_reduction <add>, %mul3A_830, %reduce_sum3A_831 [0] : vector<256x512xf32> to vector<512xf32>
    %max3A_833 = arith.maximumf %reduce_sum3A_805, %reduce_sum3A_808 : vector<512xf32>
    %max3A_834 = arith.maximumf %max3A_833, %reduce_sum3A_811 : vector<512xf32>
    %max3A_835 = arith.maximumf %max3A_834, %reduce_sum3A_814 : vector<512xf32>
    %max3A_836 = arith.maximumf %max3A_835, %reduce_sum3A_817 : vector<512xf32>
    %max3A_837 = arith.maximumf %max3A_836, %reduce_sum3A_820 : vector<512xf32>
    %max3A_838 = arith.maximumf %max3A_837, %reduce_sum3A_823 : vector<512xf32>
    %max3A_839 = arith.maximumf %max3A_838, %reduce_sum3A_826 : vector<512xf32>
    %max3A_840 = arith.maximumf %max3A_839, %reduce_sum3A_829 : vector<512xf32>
    %max3A_841 = arith.maximumf %max3A_840, %reduce_sum3A_832 : vector<512xf32>
    %sub3A_842 = arith.subf %reduce_sum3A_805, %max3A_841 : vector<512xf32>
    %exp3A_843 = math.exp %sub3A_842 : vector<512xf32>
    %sub3A_844 = arith.subf %reduce_sum3A_808, %max3A_841 : vector<512xf32>
    %exp3A_845 = math.exp %sub3A_844 : vector<512xf32>
    %sub3A_846 = arith.subf %reduce_sum3A_811, %max3A_841 : vector<512xf32>
    %exp3A_847 = math.exp %sub3A_846 : vector<512xf32>
    %sub3A_848 = arith.subf %reduce_sum3A_814, %max3A_841 : vector<512xf32>
    %exp3A_849 = math.exp %sub3A_848 : vector<512xf32>
    %sub3A_850 = arith.subf %reduce_sum3A_817, %max3A_841 : vector<512xf32>
    %exp3A_851 = math.exp %sub3A_850 : vector<512xf32>
    %sub3A_852 = arith.subf %reduce_sum3A_820, %max3A_841 : vector<512xf32>
    %exp3A_853 = math.exp %sub3A_852 : vector<512xf32>
    %sub3A_854 = arith.subf %reduce_sum3A_823, %max3A_841 : vector<512xf32>
    %exp3A_855 = math.exp %sub3A_854 : vector<512xf32>
    %sub3A_856 = arith.subf %reduce_sum3A_826, %max3A_841 : vector<512xf32>
    %exp3A_857 = math.exp %sub3A_856 : vector<512xf32>
    %sub3A_858 = arith.subf %reduce_sum3A_829, %max3A_841 : vector<512xf32>
    %exp3A_859 = math.exp %sub3A_858 : vector<512xf32>
    %sub3A_860 = arith.subf %reduce_sum3A_832, %max3A_841 : vector<512xf32>
    %exp3A_861 = math.exp %sub3A_860 : vector<512xf32>
    %add3A_862 = arith.addf %exp3A_843, %exp3A_845 : vector<512xf32>
    %add3A_863 = arith.addf %add3A_862, %exp3A_847 : vector<512xf32>
    %add3A_864 = arith.addf %add3A_863, %exp3A_849 : vector<512xf32>
    %add3A_865 = arith.addf %add3A_864, %exp3A_851 : vector<512xf32>
    %add3A_866 = arith.addf %add3A_865, %exp3A_853 : vector<512xf32>
    %add3A_867 = arith.addf %add3A_866, %exp3A_855 : vector<512xf32>
    %add3A_868 = arith.addf %add3A_867, %exp3A_857 : vector<512xf32>
    %add3A_869 = arith.addf %add3A_868, %exp3A_859 : vector<512xf32>
    %add3A_870 = arith.addf %add3A_869, %exp3A_861 : vector<512xf32>
    %div3A_871 = arith.constant 1.000000e+00 : f32
    %div3A_872 = vector.broadcast %div3A_871 : f32 to vector<512xf32>
    %div3A_873 = arith.divf %div3A_872, %add3A_870 : vector<512xf32>
    %mul3A_874 = arith.mulf %exp3A_843, %div3A_873 : vector<512xf32>
    %add3A_875 = arith.addf %add3A_784, %mul3A_874 : vector<512xf32>
    %mul3A_876 = arith.mulf %exp3A_845, %div3A_873 : vector<512xf32>
    %add3A_877 = arith.addf %add3A_786, %mul3A_876 : vector<512xf32>
    %mul3A_878 = arith.mulf %exp3A_847, %div3A_873 : vector<512xf32>
    %add3A_879 = arith.addf %add3A_788, %mul3A_878 : vector<512xf32>
    %mul3A_880 = arith.mulf %exp3A_849, %div3A_873 : vector<512xf32>
    %add3A_881 = arith.addf %add3A_790, %mul3A_880 : vector<512xf32>
    %mul3A_882 = arith.mulf %exp3A_851, %div3A_873 : vector<512xf32>
    %add3A_883 = arith.addf %add3A_792, %mul3A_882 : vector<512xf32>
    %mul3A_884 = arith.mulf %exp3A_853, %div3A_873 : vector<512xf32>
    %add3A_885 = arith.addf %add3A_794, %mul3A_884 : vector<512xf32>
    %mul3A_886 = arith.mulf %exp3A_855, %div3A_873 : vector<512xf32>
    %add3A_887 = arith.addf %add3A_796, %mul3A_886 : vector<512xf32>
    %mul3A_888 = arith.mulf %exp3A_857, %div3A_873 : vector<512xf32>
    %add3A_889 = arith.addf %add3A_798, %mul3A_888 : vector<512xf32>
    %mul3A_890 = arith.mulf %exp3A_859, %div3A_873 : vector<512xf32>
    %add3A_891 = arith.addf %add3A_800, %mul3A_890 : vector<512xf32>
    %mul3A_892 = arith.mulf %exp3A_861, %div3A_873 : vector<512xf32>
    %add3A_893 = arith.addf %add3A_802, %mul3A_892 : vector<512xf32>
    %mul3A_894 = arith.mulf %slice3A_42, %slice3A_43 : vector<256x512xf32>
    %reduce_sum3A_895 = arith.constant dense<0.000000e+00> : vector<512xf32>
    %reduce_sum3A_896 = vector.multi_reduction <add>, %mul3A_894, %reduce_sum3A_895 [0] : vector<256x512xf32> to vector<512xf32>
    %mul3A_897 = arith.mulf %slice3A_42, %slice3A_44 : vector<256x512xf32>
    %reduce_sum3A_898 = arith.constant dense<0.000000e+00> : vector<512xf32>
    %reduce_sum3A_899 = vector.multi_reduction <add>, %mul3A_897, %reduce_sum3A_898 [0] : vector<256x512xf32> to vector<512xf32>
    %mul3A_900 = arith.mulf %slice3A_42, %slice3A_45 : vector<256x512xf32>
    %reduce_sum3A_901 = arith.constant dense<0.000000e+00> : vector<512xf32>
    %reduce_sum3A_902 = vector.multi_reduction <add>, %mul3A_900, %reduce_sum3A_901 [0] : vector<256x512xf32> to vector<512xf32>
    %mul3A_903 = arith.mulf %slice3A_42, %slice3A_46 : vector<256x512xf32>
    %reduce_sum3A_904 = arith.constant dense<0.000000e+00> : vector<512xf32>
    %reduce_sum3A_905 = vector.multi_reduction <add>, %mul3A_903, %reduce_sum3A_904 [0] : vector<256x512xf32> to vector<512xf32>
    %mul3A_906 = arith.mulf %slice3A_42, %slice3A_47 : vector<256x512xf32>
    %reduce_sum3A_907 = arith.constant dense<0.000000e+00> : vector<512xf32>
    %reduce_sum3A_908 = vector.multi_reduction <add>, %mul3A_906, %reduce_sum3A_907 [0] : vector<256x512xf32> to vector<512xf32>
    %mul3A_909 = arith.mulf %slice3A_42, %slice3A_48 : vector<256x512xf32>
    %reduce_sum3A_910 = arith.constant dense<0.000000e+00> : vector<512xf32>
    %reduce_sum3A_911 = vector.multi_reduction <add>, %mul3A_909, %reduce_sum3A_910 [0] : vector<256x512xf32> to vector<512xf32>
    %mul3A_912 = arith.mulf %slice3A_42, %slice3A_49 : vector<256x512xf32>
    %reduce_sum3A_913 = arith.constant dense<0.000000e+00> : vector<512xf32>
    %reduce_sum3A_914 = vector.multi_reduction <add>, %mul3A_912, %reduce_sum3A_913 [0] : vector<256x512xf32> to vector<512xf32>
    %mul3A_915 = arith.mulf %slice3A_42, %slice3A_50 : vector<256x512xf32>
    %reduce_sum3A_916 = arith.constant dense<0.000000e+00> : vector<512xf32>
    %reduce_sum3A_917 = vector.multi_reduction <add>, %mul3A_915, %reduce_sum3A_916 [0] : vector<256x512xf32> to vector<512xf32>
    %mul3A_918 = arith.mulf %slice3A_42, %slice3A_51 : vector<256x512xf32>
    %reduce_sum3A_919 = arith.constant dense<0.000000e+00> : vector<512xf32>
    %reduce_sum3A_920 = vector.multi_reduction <add>, %mul3A_918, %reduce_sum3A_919 [0] : vector<256x512xf32> to vector<512xf32>
    %mul3A_921 = arith.mulf %slice3A_42, %slice3A_52 : vector<256x512xf32>
    %reduce_sum3A_922 = arith.constant dense<0.000000e+00> : vector<512xf32>
    %reduce_sum3A_923 = vector.multi_reduction <add>, %mul3A_921, %reduce_sum3A_922 [0] : vector<256x512xf32> to vector<512xf32>
    %max3A_924 = arith.maximumf %reduce_sum3A_896, %reduce_sum3A_899 : vector<512xf32>
    %max3A_925 = arith.maximumf %max3A_924, %reduce_sum3A_902 : vector<512xf32>
    %max3A_926 = arith.maximumf %max3A_925, %reduce_sum3A_905 : vector<512xf32>
    %max3A_927 = arith.maximumf %max3A_926, %reduce_sum3A_908 : vector<512xf32>
    %max3A_928 = arith.maximumf %max3A_927, %reduce_sum3A_911 : vector<512xf32>
    %max3A_929 = arith.maximumf %max3A_928, %reduce_sum3A_914 : vector<512xf32>
    %max3A_930 = arith.maximumf %max3A_929, %reduce_sum3A_917 : vector<512xf32>
    %max3A_931 = arith.maximumf %max3A_930, %reduce_sum3A_920 : vector<512xf32>
    %max3A_932 = arith.maximumf %max3A_931, %reduce_sum3A_923 : vector<512xf32>
    %sub3A_933 = arith.subf %reduce_sum3A_896, %max3A_932 : vector<512xf32>
    %exp3A_934 = math.exp %sub3A_933 : vector<512xf32>
    %sub3A_935 = arith.subf %reduce_sum3A_899, %max3A_932 : vector<512xf32>
    %exp3A_936 = math.exp %sub3A_935 : vector<512xf32>
    %sub3A_937 = arith.subf %reduce_sum3A_902, %max3A_932 : vector<512xf32>
    %exp3A_938 = math.exp %sub3A_937 : vector<512xf32>
    %sub3A_939 = arith.subf %reduce_sum3A_905, %max3A_932 : vector<512xf32>
    %exp3A_940 = math.exp %sub3A_939 : vector<512xf32>
    %sub3A_941 = arith.subf %reduce_sum3A_908, %max3A_932 : vector<512xf32>
    %exp3A_942 = math.exp %sub3A_941 : vector<512xf32>
    %sub3A_943 = arith.subf %reduce_sum3A_911, %max3A_932 : vector<512xf32>
    %exp3A_944 = math.exp %sub3A_943 : vector<512xf32>
    %sub3A_945 = arith.subf %reduce_sum3A_914, %max3A_932 : vector<512xf32>
    %exp3A_946 = math.exp %sub3A_945 : vector<512xf32>
    %sub3A_947 = arith.subf %reduce_sum3A_917, %max3A_932 : vector<512xf32>
    %exp3A_948 = math.exp %sub3A_947 : vector<512xf32>
    %sub3A_949 = arith.subf %reduce_sum3A_920, %max3A_932 : vector<512xf32>
    %exp3A_950 = math.exp %sub3A_949 : vector<512xf32>
    %sub3A_951 = arith.subf %reduce_sum3A_923, %max3A_932 : vector<512xf32>
    %exp3A_952 = math.exp %sub3A_951 : vector<512xf32>
    %add3A_953 = arith.addf %exp3A_934, %exp3A_936 : vector<512xf32>
    %add3A_954 = arith.addf %add3A_953, %exp3A_938 : vector<512xf32>
    %add3A_955 = arith.addf %add3A_954, %exp3A_940 : vector<512xf32>
    %add3A_956 = arith.addf %add3A_955, %exp3A_942 : vector<512xf32>
    %add3A_957 = arith.addf %add3A_956, %exp3A_944 : vector<512xf32>
    %add3A_958 = arith.addf %add3A_957, %exp3A_946 : vector<512xf32>
    %add3A_959 = arith.addf %add3A_958, %exp3A_948 : vector<512xf32>
    %add3A_960 = arith.addf %add3A_959, %exp3A_950 : vector<512xf32>
    %add3A_961 = arith.addf %add3A_960, %exp3A_952 : vector<512xf32>
    %div3A_962 = arith.constant 1.000000e+00 : f32
    %div3A_963 = vector.broadcast %div3A_962 : f32 to vector<512xf32>
    %div3A_964 = arith.divf %div3A_963, %add3A_961 : vector<512xf32>
    %mul3A_965 = arith.mulf %exp3A_934, %div3A_964 : vector<512xf32>
    %add3A_966 = arith.addf %add3A_875, %mul3A_965 : vector<512xf32>
    %mul3A_967 = arith.mulf %exp3A_936, %div3A_964 : vector<512xf32>
    %add3A_968 = arith.addf %add3A_877, %mul3A_967 : vector<512xf32>
    %mul3A_969 = arith.mulf %exp3A_938, %div3A_964 : vector<512xf32>
    %add3A_970 = arith.addf %add3A_879, %mul3A_969 : vector<512xf32>
    %mul3A_971 = arith.mulf %exp3A_940, %div3A_964 : vector<512xf32>
    %add3A_972 = arith.addf %add3A_881, %mul3A_971 : vector<512xf32>
    %mul3A_973 = arith.mulf %exp3A_942, %div3A_964 : vector<512xf32>
    %add3A_974 = arith.addf %add3A_883, %mul3A_973 : vector<512xf32>
    %mul3A_975 = arith.mulf %exp3A_944, %div3A_964 : vector<512xf32>
    %add3A_976 = arith.addf %add3A_885, %mul3A_975 : vector<512xf32>
    %mul3A_977 = arith.mulf %exp3A_946, %div3A_964 : vector<512xf32>
    %add3A_978 = arith.addf %add3A_887, %mul3A_977 : vector<512xf32>
    %mul3A_979 = arith.mulf %exp3A_948, %div3A_964 : vector<512xf32>
    %add3A_980 = arith.addf %add3A_889, %mul3A_979 : vector<512xf32>
    %mul3A_981 = arith.mulf %exp3A_950, %div3A_964 : vector<512xf32>
    %add3A_982 = arith.addf %add3A_891, %mul3A_981 : vector<512xf32>
    %mul3A_983 = arith.mulf %exp3A_952, %div3A_964 : vector<512xf32>
    %add3A_984 = arith.addf %add3A_893, %mul3A_983 : vector<512xf32>
    %broadcast_in_dim3A_985 = vector.shape_cast %add3A_966 : vector<512xf32> to vector<1x512xf32>
    %mul3A_986 = vector.broadcast %broadcast_in_dim3A_985 : vector<1x512xf32> to vector<256x512xf32>
    %mul3A_987 = arith.mulf %mul3A_986, %slice3A_53 : vector<256x512xf32>
    %broadcast_in_dim3A_988 = vector.shape_cast %add3A_968 : vector<512xf32> to vector<1x512xf32>
    %mul3A_989 = vector.broadcast %broadcast_in_dim3A_988 : vector<1x512xf32> to vector<256x512xf32>
    %mul3A_990 = arith.mulf %mul3A_989, %slice3A_54 : vector<256x512xf32>
    %add3A_991 = arith.addf %mul3A_987, %mul3A_990 : vector<256x512xf32>
    %broadcast_in_dim3A_992 = vector.shape_cast %add3A_970 : vector<512xf32> to vector<1x512xf32>
    %mul3A_993 = vector.broadcast %broadcast_in_dim3A_992 : vector<1x512xf32> to vector<256x512xf32>
    %mul3A_994 = arith.mulf %mul3A_993, %slice3A_55 : vector<256x512xf32>
    %add3A_995 = arith.addf %add3A_991, %mul3A_994 : vector<256x512xf32>
    %broadcast_in_dim3A_996 = vector.shape_cast %add3A_972 : vector<512xf32> to vector<1x512xf32>
    %mul3A_997 = vector.broadcast %broadcast_in_dim3A_996 : vector<1x512xf32> to vector<256x512xf32>
    %mul3A_998 = arith.mulf %mul3A_997, %slice3A_56 : vector<256x512xf32>
    %add3A_999 = arith.addf %add3A_995, %mul3A_998 : vector<256x512xf32>
    %broadcast_in_dim3A_1000 = vector.shape_cast %add3A_974 : vector<512xf32> to vector<1x512xf32>
    %mul3A_1001 = vector.broadcast %broadcast_in_dim3A_1000 : vector<1x512xf32> to vector<256x512xf32>
    %mul3A_1002 = arith.mulf %mul3A_1001, %slice3A_57 : vector<256x512xf32>
    %add3A_1003 = arith.addf %add3A_999, %mul3A_1002 : vector<256x512xf32>
    %broadcast_in_dim3A_1004 = vector.shape_cast %add3A_976 : vector<512xf32> to vector<1x512xf32>
    %mul3A_1005 = vector.broadcast %broadcast_in_dim3A_1004 : vector<1x512xf32> to vector<256x512xf32>
    %mul3A_1006 = arith.mulf %mul3A_1005, %slice3A_58 : vector<256x512xf32>
    %add3A_1007 = arith.addf %add3A_1003, %mul3A_1006 : vector<256x512xf32>
    %broadcast_in_dim3A_1008 = vector.shape_cast %add3A_978 : vector<512xf32> to vector<1x512xf32>
    %mul3A_1009 = vector.broadcast %broadcast_in_dim3A_1008 : vector<1x512xf32> to vector<256x512xf32>
    %mul3A_1010 = arith.mulf %mul3A_1009, %slice3A_59 : vector<256x512xf32>
    %add3A_1011 = arith.addf %add3A_1007, %mul3A_1010 : vector<256x512xf32>
    %broadcast_in_dim3A_1012 = vector.shape_cast %add3A_980 : vector<512xf32> to vector<1x512xf32>
    %mul3A_1013 = vector.broadcast %broadcast_in_dim3A_1012 : vector<1x512xf32> to vector<256x512xf32>
    %mul3A_1014 = arith.mulf %mul3A_1013, %slice3A_60 : vector<256x512xf32>
    %add3A_1015 = arith.addf %add3A_1011, %mul3A_1014 : vector<256x512xf32>
    %broadcast_in_dim3A_1016 = vector.shape_cast %add3A_982 : vector<512xf32> to vector<1x512xf32>
    %mul3A_1017 = vector.broadcast %broadcast_in_dim3A_1016 : vector<1x512xf32> to vector<256x512xf32>
    %mul3A_1018 = arith.mulf %mul3A_1017, %slice3A_61 : vector<256x512xf32>
    %add3A_1019 = arith.addf %add3A_1015, %mul3A_1018 : vector<256x512xf32>
    %broadcast_in_dim3A_1020 = vector.shape_cast %add3A_984 : vector<512xf32> to vector<1x512xf32>
    %mul3A_1021 = vector.broadcast %broadcast_in_dim3A_1020 : vector<1x512xf32> to vector<256x512xf32>
    %mul3A_1022 = arith.mulf %mul3A_1021, %slice3A_62 : vector<256x512xf32>
    %add3A_1023 = arith.addf %add3A_1019, %mul3A_1022 : vector<256x512xf32>
    %transpose3A_1024 = tpu.transpose %add3A_1023, [1, 0] : vector<256x512xf32> -> vector<512x256xf32>
    %swap3A = arith.constant 0 : index
    %swap3A_1025 = arith.constant 0 : index
    %swap3A_1026 = vector.load %arg8[%swap3A, %swap3A_1025] : memref<512x256xf32, #tpu.memory_space<vmem>>, vector<512x256xf32>
    tpu.vector_store %arg8[%swap3A, %swap3A_1025], %transpose3A_1024 {strides = array<i32>} : memref<512x256xf32, #tpu.memory_space<vmem>>, vector<512x256xf32>,
    return
  }
  func.func @transform_0(%arg0: i32) -> (i32, i32, i32) {
    %c0_i32 = arith.constant 0 : i32
    %c0_i32_0 = arith.constant 0 : i32
    %c0_i32_1 = arith.constant 0 : i32
    return %c0_i32, %arg0, %c0_i32_0 : i32, i32, i32
  }
  func.func @transform_1(%arg0: i32) -> (i32, i32) {
    %c0_i32 = arith.constant 0 : i32
    %c0_i32_0 = arith.constant 0 : i32
    %c0_i32_1 = arith.constant 0 : i32
    return %c0_i32, %c0_i32_0 : i32, i32
  }
  func.func @transform_2(%arg0: i32) -> (i32, i32) {
    %c0_i32 = arith.constant 0 : i32
    %c0_i32_0 = arith.constant 0 : i32
    %c0_i32_1 = arith.constant 0 : i32
    return %c0_i32, %c0_i32_0 : i32, i32
  }
  func.func @transform_3(%arg0: i32) -> (i32, i32) {
    %c0_i32 = arith.constant 0 : i32
    %c0_i32_0 = arith.constant 0 : i32
    %c0_i32_1 = arith.constant 0 : i32
    return %c0_i32, %c0_i32_0 : i32, i32
  }
  func.func @transform_4(%arg0: i32) -> (i32, i32) {
    %c0_i32 = arith.constant 0 : i32
    %c0_i32_0 = arith.constant 0 : i32
    %c0_i32_1 = arith.constant 0 : i32
    return %c0_i32, %c0_i32_0 : i32, i32
  }
  func.func @transform_5(%arg0: i32) -> (i32, i32) {
    %c0_i32 = arith.constant 0 : i32
    %c0_i32_0 = arith.constant 0 : i32
    %c0_i32_1 = arith.constant 0 : i32
    return %c0_i32, %c0_i32_0 : i32, i32
  }
  func.func @transform_6(%arg0: i32) -> (i32, i32) {
    %c0_i32 = arith.constant 0 : i32
    %c0_i32_0 = arith.constant 0 : i32
    %c0_i32_1 = arith.constant 0 : i32
    return %c0_i32, %c0_i32_0 : i32, i32
  }
  func.func @transform_7(%arg0: i32) -> (i32, i32) {
    %c0_i32 = arith.constant 0 : i32
    %c0_i32_0 = arith.constant 0 : i32
    return %arg0, %c0_i32 : i32, i32
  }
}

</mosaic_0001>

<sc_bundles>
// kernel: kernel.6.cloned.1.call-start
scs
__scs_entry_jumppad:
0x0: {  	(pc) =	sbr.rel $0x88, $3  }
0x1: {  	(tag) =	ssettag $0x0;
	lr =	simm.s32 $0x1  }
0x2: {  	[smem:$0x3F99] =	sst lr;
	_ =	strace $0xD0000000  }
0x3: {  	_ = 	snop  }
0x4: {  	_ = 	snop  }
0x5: {  	_ = 	snop  }
0x6: {  	_ = 	snop  }
0x7: {  	_ = 	snop  }
__scs_overlays_trampoline_lowered:
0x8: {  	[smem:$0x3FA8] =	sst s0  }
0x9: {  	[smem:$0x3FA9] =	sst s1  }
0xa: {  	[smem:$0x3FAA] =	sst s2  }
0xb: {  	[smem:$0x3FAB] =	sst s3  }
0xc: {  	[smem:$0x3FAC] =	sst s4  }
0xd: {  	[smem:$0x3FAD] =	sst s5  }
0xe: {  	[smem:$0x3FAE] =	sst s6  }
0xf: {  	[smem:$0x3FAF] =	sst s7  }
0x10: {  	[smem:$0x3FB0] =	sst s8  }
0x11: {  	[smem:$0x3FB1] =	sst s9;
	s0 =	simm.s32 @!p0 $0x0  }
0x12: {  	s1 =	sld [smem:$0x3F97];
	s0 =	simm.s32 @p0 $0x1  }
0x13: {  	[smem:$0x3FB2] =	sst s0;
	s0 =	simm.s32 @!p1 $0x0  }
0x14: {  	s2 =	sld [smem:$0x3F96];
	s0 =	simm.s32 @p1 $0x1  }
0x15: {  	[smem:$0x3FB3] =	sst s0;
	s0 =	simm.s32 @!p2 $0x0  }
0x16: {  	s3 =	sld [smem:$0x3FDB];
	s0 =	simm.s32 @p2 $0x1  }
0x17: {  	s4 =	simm.s32 $0x1BF5;
	[smem:$0x3FB5] =	sst s0  }
0x18: {  	s0 =	sld [smem:$0x3F98];
	_ =	swait.ge [sflag:s4], $0x0  }
0x19: {  	s7 =	sld [smem:$0x3F99]  }
0x1a: {  	s8 =	sadd.s32 $0xFFFFE003, lr  }
0x1b: {  	s9 =	sadd.s32 $0xFFFFFEF7, lr;
	s5 =	simm.s32 $0xFFFFFFFF;
	p2 =	slt.u32 s8, $0xFFFFF086  }
0x1c: {  	p1 =	slt.u32 s9, $0xF7A;
	s5 =	simm.s32 @!p2 $0x0  }
0x1d: {  	s5 =	simm.s32 @p1 $0x1;
	p0 =	seq.s32 s7, s2  }
0x1e: {  	s7 =	smul.u32 @!p0 $0xF7A, s2;
	p2 =	seq.s32 @!p0 s5, $0x0  }
0x1f: {  	s9 =	smul.u32 $0xF7A, s1;
	s8 =	simm.s32 @!p0 $0x1BF5;
	p2 =	por !p2, p0  }
0x20: {  	[sflag:s8] =	ssyncset.s32 @!p0 $0xFFFFF086;
	s6 =	sadd.s32 @!p0 s3, s7;
	s7 =	simm.s32 @!p0 $0x108  }
0x21: {  	s3 =	sadd.s32 s3, s9;
	s6 =	sadd.s32 @!p0 $0x88, s6;
	s7 =	simm.s32 @p2 $0x1082  }
0x22: {  	[simem:s7], [sflag:s8] =	dma.local @!p0 [hbm:s6], $0xF7A  }
0x23: {  	s9 =	sor.u32 $0xD0000000, s2;
	s6 =	simm.s32 $0x108;
	_ =	swait.ge @!p0 [sflag:s8], $0x0  }
0x24: {  	s3 =	sadd.s32 $0x88, s3;
	s6 =	simm.s32 @!p1 $0x1082;
	[sflag:s4] =	ssyncset.s32 $0xFFFFF086  }
0x25: {  	[simem:s6], [sflag:s4] =	dma.local [hbm:s3], $0xF7A  }
0x26: {  	[smem:$0x3F99] =	sst s1;
	(tag) =	ssettag s2;
	_ =	strace s9  }
0x27: {  	s1 =	sld [smem:$0x3FA9]  }
0x28: {  	s2 =	sld [smem:$0x3FAA]  }
0x29: {  	s4 =	sld [smem:$0x3FAC]  }
0x2a: {  	p0 =	seq.s32 s5, $0x0;
	s5 =	sld [smem:$0x3FAD]  }
0x2b: {  	s6 =	sld [smem:$0x3FAE]  }
0x2c: {  	s7 =	sld [smem:$0x3FAF]  }
0x2d: {  	s3 =	simm.s32 $0x108;
	s8 =	sld [smem:$0x3FB0]  }
0x2e: {  	s3 =	simm.s32 @!p0 $0x1082;
	s9 =	sld [smem:$0x3FB1]  }
0x2f: {  	lr =	sadd.s32 s0, s3;
	s0 =	sld [smem:$0x3FA8]  }
0x30: {  	s3 =	sld [smem:$0x3FAB]  }
0x31: {  	[smem:$0x3FB4] =	sst s10  }
0x32: {  	s10 =	sld [smem:$0x3FB2];
	_ =	sdelay $0x3  }
0x33: {  	p0 =	seq.s32 s10, $0x1;
	s10 =	sld [smem:$0x3FB4];
	_ =	sdelay $0x3  }
0x34: {  	[smem:$0x3FB4] =	sst s10  }
0x35: {  	s10 =	sld [smem:$0x3FB3];
	_ =	sdelay $0x3  }
0x36: {  	p1 =	seq.s32 s10, $0x1;
	s10 =	sld [smem:$0x3FB4];
	_ =	sdelay $0x3  }
0x37: {  	[smem:$0x3FB4] =	sst s10  }
0x38: {  	s10 =	sld [smem:$0x3FB5]  }
0x39: {  	_ = 	snop;
	(pc) =	sbr.ind lr, $3  }
0x3a: {  	_ = 	snop  }
0x3b: {  	_ = 	snop  }
0x3c: {  	p2 =	seq.s32 s10, $0x1;
	s10 =	sld [smem:$0x3FB4]  }
0x3d: {  	_ =	shalt  }
0x3e: {  	_ =	shalt  }
0x3f: {  	_ =	shalt  }
0x40: {  	_ =	shalt  }
0x41: {  	_ =	shalt  }
0x42: {  	_ =	shalt  }
0x43: {  	_ =	shalt  }
0x44: {  	_ =	shalt  }
0x45: {  	_ =	shalt  }
0x46: {  	_ =	shalt  }
0x47: {  	_ =	shalt  }
0x48: {  	_ =	shalt  }
0x49: {  	_ =	shalt  }
0x4a: {  	_ =	shalt  }
0x4b: {  	_ =	shalt  }
0x4c: {  	_ =	shalt  }
0x4d: {  	_ =	shalt  }
0x4e: {  	_ =	shalt  }
0x4f: {  	_ =	shalt  }
0x50: {  	_ =	shalt  }
0x51: {  	_ =	shalt  }
0x52: {  	_ =	shalt  }
0x53: {  	_ =	shalt  }
0x54: {  	_ =	shalt  }
0x55: {  	_ =	shalt  }
0x56: {  	_ =	shalt  }
0x57: {  	_ =	shalt  }
0x58: {  	_ =	shalt  }
0x59: {  	_ =	shalt  }
0x5a: {  	_ =	shalt  }
0x5b: {  	_ =	shalt  }
0x5c: {  	_ =	shalt  }
0x5d: {  	_ =	shalt  }
0x5e: {  	_ =	shalt  }
0x5f: {  	_ =	shalt  }
0x60: {  	_ =	shalt  }
0x61: {  	_ =	shalt  }
0x62: {  	_ =	shalt  }
0x63: {  	_ =	shalt  }
0x64: {  	_ =	shalt  }
0x65: {  	_ =	shalt  }
0x66: {  	_ =	shalt  }
0x67: {  	_ =	shalt  }
0x68: {  	_ =	shalt  }
0x69: {  	_ =	shalt  }
0x6a: {  	_ =	shalt  }
0x6b: {  	_ =	shalt  }
0x6c: {  	_ =	shalt  }
0x6d: {  	_ =	shalt  }
0x6e: {  	_ =	shalt  }
0x6f: {  	_ =	shalt  }
0x70: {  	_ =	shalt  }
0x71: {  	_ =	shalt  }
0x72: {  	_ =	shalt  }
0x73: {  	_ =	shalt  }
0x74: {  	_ =	shalt  }
0x75: {  	_ =	shalt  }
0x76: {  	_ =	shalt  }
0x77: {  	_ =	shalt  }
0x78: {  	_ =	shalt  }
0x79: {  	_ =	shalt  }
0x7a: {  	_ =	shalt  }
0x7b: {  	_ =	shalt  }
0x7c: {  	_ =	shalt  }
0x7d: {  	_ =	shalt  }
0x7e: {  	_ =	shalt  }
0x7f: {  	_ =	shalt  }
0x80: {  	_ =	shalt  }
0x81: {  	_ =	shalt  }
0x82: {  	_ =	shalt  }
0x83: {  	_ =	shalt  }
0x84: {  	_ =	shalt  }
0x85: {  	_ =	shalt  }
0x86: {  	_ =	shalt  }
0x87: {  	_ =	shalt  }
.Lfunc_end0:
.L_simem_size_0:
called_computation_lowered:
.L_overlay_start_0:
0x88: {  	s2 =	sld [smem:$0x3FD9]  }
0x89: {  	s3 =	sld [smem:$0x3FFE];
	_ =	sdelay $0x1  }
0x8a: {  	s1 =	srdreg.scid  }
0x8b: {  	s0 =	sand.u32 $0x1, s1  }
0x8c: {  	s17 =	sshll.u32 s0, $0xA;
	s2 =	sadd.s32 s3, s2  }
0x8d: {  	s2 =	sadd.s32 s2, s17  }
0x8e: {  	[smem:$0x3FC0] =	sst s2  }
0x8f: {  	_ = 	snop  }
0x90: {  	s18 =	sld [smem:$0x3FC8];
	(tm) =	ssettm $0x1  }
0x91: {  	s19 =	sld [smem:$0x3FFB];
	_ =	sdelay $0x3  }
0x92: {  	_ =	strace s19  }
0x93: {  	s2 =	sld [smem:$0x3FFC];
	_ =	sdelay $0x3  }
0x94: {  	_ =	strace s2  }
0x95: {  	s2 =	sld [smem:$0x3FFD];
	_ =	sdelay $0x3  }
0x96: {  	_ =	strace s2  }
0x97: {  	_ =	strace $0x8FFFFFFF  }
0x98: {  	s20 =	sld [smem:$0x3FDB];
	_ =	sdelay $0x1  }
0x99: {  	s4 =	simm.s32 $_scs_section_size  }
0x9a: {  	s5 =	simm.s32 $_size__tile_overlayer_lowered;
	s6 =	simm.s32 $_tile_overlayer_lowered  }
0x9b: {  	s7 =	simm.s32 $0x1BFF;
	s21 =	sshll.u32 s6, $0x1;
	s4 =	sadd.s32 s4, s20  }
0x9c: {  	s22 =	simm.s32 $0x0;
	s5 =	sshll.u32 s5, $0x1;
	s6 =	sadd.s32 s21, s4  }
0x9d: {  	[timem:s22], [sflag:s7] =	dma.local [hbm:s6], s5  }
0x9e: {  	_ =	swait.ge [sflag:s7], s5  }
0x9f: {  	s5 =	ssub.s32 $0x0, s5;
	[sflag:s7] =	ssyncset.done $0x0  }
0xa0: {  	[sflag:s7] =	ssyncadd.s32 s5;
	_ =	sdelay $0x1  }
0xa1: {  	s23 =	simm.s32 $0x1B8B  }
0xa2: {  	_ =	swait.ge [sflag:s23], $0x1  }
0xa3: {  	[sflag:s23] =	ssyncset.done $0x0  }
0xa4: {  	[sflag:s23] =	ssyncadd.s32 $0xFFFFFFFF  }
0xa5: {  	s5 =	sld [smem:$0x0]  }
0xa6: {  	s6 =	sand.u32 $0xFFFFFFFE, s1  }
0xa7: {  	p0 =	sne.s32 s1, s6  }
0xa8: {  	s6 =	sshll.u32 @p0 s6, $0xE  }
0xa9: {  	s6 =	sadd.s32 @p0 $0x11B8D, s6;
	s7 =	sshll.u32 @p0 s5, $0x11  }
0xaa: {  	s6 =	sor.u32 @p0 s7, s6  }
0xab: {  	[sflag:s6] =	ssyncadd.remote.s32 @p0 $0x1;
	_ =	sdelay $0x1  }
0xac: {  	s6 =	simm.s32 @p0 $0x1B8D  }
0xad: {  	_ =	swait.eq @p0 [sflag:s6], $0x1  }
0xae: {  	[sflag:s6] =	ssyncadd.s32 @p0 $0xFFFFFFFF  }
0xaf: {  	s7 =	sshll.u32 @!p0 s1, $0xE  }
0xb0: {  	s7 =	sor.u32 @!p0 $0x4000, s7;
	s6 =	simm.s32 @!p0 $0x1B8D  }
0xb1: {  	s5 =	sshll.u32 @!p0 s5, $0x11;
	s7 =	sadd.s32 @!p0 $0x11B8D, s7;
	_ =	swait.eq @!p0 [sflag:s6], $0x1  }
0xb2: {  	s5 =	sor.u32 @!p0 s5, s7;
	[sflag:s6] =	ssyncadd.s32 @!p0 $0xFFFFFFFF  }
0xb3: {  	s25 =	simm.s32 $0x1B8E;
	s24 =	sld [smem:$0x3FFE];
	[sflag:s5] =	ssyncadd.remote.s32 @!p0 $0x1  }
0xb4: {  	s26 =	simm.s32 $execute0_lowered;
	[smem:$0x3FD2] =	sst s25  }
0xb5: {  	s6 =	sshll.u32 s26, $0x1;
	_ =	strace $0x80000049;
	[dreg:$0x1] =	wrdreg $0xFFFFFFFF  }
0xb6: {  	s28 =	simm.s32 $_size_execute0_lowered;
	s4 =	sadd.s32 s4, s6;
	[dreg:$0x0] =	wrdreg $0x0  }
0xb7: {  	s6 =	sshll.u32 s28, $0x1;
	[dreg:$0x2] =	wrdreg s4  }
0xb8: {  	[dreg:$0x3] =	wrdreg s6  }
0xb9: {  	[dreg:$0x4] =	wrdreg $0xC0  }
0xba: {  	_ =	task [dreg:s22], $0x5FFFF  }
0xbb: {  	[dreg:$0x1] =	wrdreg $0xFFFFFFFF  }
0xbc: {  	[dreg:$0x0] =	wrdreg $0x60  }
0xbd: {  	[dreg:$0x2] =	wrdreg s18  }
0xbe: {  	[dreg:$0x3] =	wrdreg s24  }
0xbf: {  	[dreg:$0x4] =	wrdreg $0x9  }
0xc0: {  	_ =	task.clear_ibuf [dreg:s22], $0x5FFFF;
	_ =	strace $0x90000049  }
0xc1: {  	s29 =	simm.s32 $0x9;
	_ =	strace $0x8000004B  }
0xc2: {  	_ =	swait.ge [sflag:s29], $0x1  }
0xc3: {  	[sflag:s29] =	ssyncadd.s32 $0xFFFFFFFF  }
0xc4: {  	_ =	strace $0x9000004B  }
0xc5: {  	_ =	sfence  }
0xc6: {  	s30 =	sld [smem:$0x0];
	_ =	sdelay $0x2  }
0xc7: {  	s31 =	sshll.u32 s1, $0xD;
	s1 =	sshrl.u32 s1, $0x2  }
0xc8: {  	s4 =	sand.u32 $0x4000, s31;
	s1 =	sadd.s32 s1, s30  }
0xc9: {  	s0 =	sor.u32 s4, s0;
	s1 =	sshll.u32 s1, $0x11  }
0xca: {  	s0 =	sor.u32 s1, s0  }
0xcb: {  	s0 =	sadd.s32 $0x8F2B, s0  }
0xcc: {  	[sflag:s0] =	ssyncadd.remote.s32 $0x1  }
0xcd: {  	_ =	sfence.sel $0xFFFF  }
0xce: {  	[dreg:$0x0] =	wrdreg $0xFFFFFFFF;
	(pc) =	sbr.abs _section_cstart, $3  }
0xcf: {  	[dreg:$0x1] =	wrdreg $0xFFFFFFFF  }
0xd0: {  	_ =	task.clear_ibuf [dreg:s22], $0x2FFFF;
	_ =	strace $0x9FFFFFFF  }
0xd1: {  	(tm) =	ssettm $0x7FFFFFFF  }
tec
execute0_lowered:
.L_overlay_start_1:
0x0: {  	(tag) =	ssettag $0x1  }
0x1: {  	s2 =	rddreg [dreg:$0x0];
	s0 =	srdreg.scid  }
0x2: {  	s3 =	stileid.u32;
	s1 =	rddreg [dreg:$0x1];
	s30 =	simm.s32 $0x1  }
0x3: {  	s31 =	simm.s32 $0x2;
	s28 =	simm.s32 $0xA900;
	s29 =	simm.s32 $0xB100  }
0x4: {  	s10 =	simm.s32 $0xD100;
	s11 =	simm.s32 $0xD900;
	s12 =	simm.s32 $0xE100  }
0x5: {  	s0 =	sand.u32 $0x1, s0;
	s4 =	sshll.u32 s3, $0x1;
	s3 =	simm.s32 $0x0  }
0x6: {  	s6 =	sadd.s32 $0xA1600, s1;
	s1 =	sadd.s32 $0xA2000, s1;
	s4 =	sor.u32 s0, s4  }
0x7: {  	[smem:$0x7FF] =	sst s3;
	s0 =	ssub.s32 $0x2, s0;
	s5 =	smul.u32 $0x280, s4  }
0x8: {  	_ =	strace $0x8000004A;
	s4 =	smul.u32 $0x5000, s4;
	s20 =	sshrl.u32 s0, $0x1  }
0x9: {  	s0 =	ssub.s32 s0, s20;
	s20 =	simm.s32 $0x6900;
	s7 =	sshrl.u32 s5, $0x3  }
0xa: {  	s8 =	sadd.s32 $0x80, s5;
	s14 =	sadd.s32 $0x100, s5;
	s4 =	sadd.s32 s1, s4  }
0xb: {  	s19 =	sadd.s32 $0x180, s5;
	s5 =	sadd.s32 $0x200, s5;
	s7 =	sadd.s32 s6, s7  }
0xc: {  	s9 =	sshrl.u32 s8, $0x3;
	s15 =	sshrl.u32 s14, $0x3;
	[dreg:$0x5] =	wrdreg s4  }
0xd: {  	s17 =	sshll.u32 s8, $0x5;
	s21 =	sshrl.u32 s19, $0x3;
	s23 =	sshrl.u32 s5, $0x3  }
0xe: {  	s25 =	sshll.u32 s19, $0x5;
	s5 =	sshll.u32 s5, $0x5;
	s19 =	simm.s32 $0x6100  }
0xf: {  	s8 =	simm.s32 $0xC100;
	[dreg:$0x3] =	wrdreg s7;
	s13 =	sadd.s32 s6, s9  }
0x10: {  	s16 =	sadd.s32 s6, s15;
	s18 =	sadd.s32 s1, s17;
	s4 =	sadd.s32 s6, s21  }
0x11: {  	s9 =	sshll.u32 s14, $0x5;
	s24 =	sadd.s32 s6, s23;
	[dreg:$0x4] =	wrdreg s13  }
0x12: {  	s26 =	sadd.s32 s1, s25;
	s17 =	simm.s32 $0x5100;
	[dreg:$0x6] =	wrdreg s16  }
0x13: {  	s21 =	simm.s32 $0x7100;
	s23 =	simm.s32 $0x7900;
	[dreg:$0x7] =	wrdreg s18  }
0x14: {  	s6 =	simm.s32 $0x8100;
	s25 =	simm.s32 $0x9900;
	[dreg:$0x8] =	wrdreg s4  }
0x15: {  	s7 =	simm.s32 $0xB900;
	s14 =	simm.s32 $0xF100;
	[dreg:$0xa] =	wrdreg s24  }
0x16: {  	s15 =	simm.s32 $0xF900;
	s22 =	sadd.s32 s1, s9;
	[dreg:$0xb] =	wrdreg s26  }
0x17: {  	s1 =	sadd.s32 s1, s5;
	s4 =	smax.u32 s0, $0x1;
	s5 =	simm.s32 $0x3  }
0x18: {  	v2 =	vlaneseq.u32;
	s16 =	simm.s32 $0x100;
	s18 =	simm.s32 $0x5900;
	s24 =	simm.s32 $0x9100  }
0x19: {  	vm0 =	vmmov $0xffff;
	v1 =	vshrl.u32 v2, $0x3;
	s26 =	simm.s32 $0xA100;
	s9 =	simm.s32 $0xC900;
	[dreg:$0x9] =	wrdreg s22  }
0x1a: {  	v0 =	vand.u32 $0x7, v2;
	v2 =	vor.u32 $0x8, v2;
	v1 =	vmul.u32 $0x8, v1;
	s13 =	simm.s32 $0xE900;
	[dreg:$0xc] =	wrdreg s1;
	s22 =	simm.s32 $0x8900  }
.LBB2_1:
0x1b: {  	s1 =	rddreg [dreg:$0x3]  }
0x1c: {  	[tilespmem:s3], [sflag:$0x3] =	stream.linear.gather [hbm4b:s1+s3], $0x80, $0x38;
	[tilespmem:$0x10100] =	vst v63  }
0x1d: {  	_ =	swait.ge [sflag:s5], $0x80  }
0x1e: {  	[sflag:s5] =	ssyncset.done $0x0  }
0x1f: {  	[sflag:s5] =	ssyncadd.s32 $0xFFFFFF80  }
0x20: {  	v3 =	vld [tilespmem:$0x0];
	_ =	sdelay $0x4  }
0x21: {  	v4 =	vshll.u32 v3, $0x1  }
0x22: {  	v3 =	vand.u32 $0x7, v3;
	v4 =	vand.u32 $0xFFFFFFF0, v4  }
0x23: {  	v3 =	vor.u32 v3, v4  }
0x24: {  	v4 =	vperm.xlane v3, v0;
	_ =	sdelay $0x1  }
0x25: {  	v3 =	vperm.xlane v3, v2;
	v4 =	vadd.s32 v1, v4;
	_ =	sdelay $0x1  }
0x26: {  	v3 =	vadd.s32 v1, v3;
	_ =	sdelay $0x2  }
0x27: {  	[tilespmem:s16], [sflag:$0x1] =	stream.indirect_vreg.gather [hbm4b:s2+s3], $0x80, v4, vm0, $0xb8;
	[tilespmem:$0x10100] =	vst v63  }
0x28: {  	s0 =	simm.s32 $0x900  }
0x29: {  	[tilespmem:s0], [sflag:$0x1] =	stream.indirect_vreg.gather [hbm4b:s2+s3], $0x80, v3, vm0, $0xb8;
	[tilespmem:$0x10100] =	vst v63  }
0x2a: {  	v3 =	vld [tilespmem:$0x10];
	_ =	sdelay $0x4  }
0x2b: {  	v25 =	vshll.u32 v3, $0x1  }
0x2c: {  	v3 =	vand.u32 $0x7, v3;
	v4 =	vand.u32 $0xFFFFFFF0, v25  }
0x2d: {  	v3 =	vor.u32 v3, v4  }
0x2e: {  	v4 =	vperm.xlane v3, v0;
	_ =	sdelay $0x1  }
0x2f: {  	v3 =	vperm.xlane v3, v2;
	v4 =	vadd.s32 v1, v4;
	_ =	sdelay $0x1  }
0x30: {  	v3 =	vadd.s32 v1, v3;
	_ =	sdelay $0x1  }
0x31: {  	s1 =	simm.s32 $0x1100  }
0x32: {  	[tilespmem:s1], [sflag:$0x1] =	stream.indirect_vreg.gather [hbm4b:s2+s3], $0x80, v4, vm0, $0xb8;
	[tilespmem:$0x10100] =	vst v63  }
0x33: {  	s1 =	simm.s32 $0x1900  }
0x34: {  	[tilespmem:s1], [sflag:$0x1] =	stream.indirect_vreg.gather [hbm4b:s2+s3], $0x80, v3, vm0, $0xb8;
	[tilespmem:$0x10100] =	vst v63  }
0x35: {  	v3 =	vld [tilespmem:$0x20];
	_ =	sdelay $0x4  }
0x36: {  	v26 =	vshll.u32 v3, $0x1  }
0x37: {  	v3 =	vand.u32 $0x7, v3;
	v4 =	vand.u32 $0xFFFFFFF0, v26  }
0x38: {  	v3 =	vor.u32 v3, v4  }
0x39: {  	v4 =	vperm.xlane v3, v0;
	_ =	sdelay $0x1  }
0x3a: {  	v3 =	vperm.xlane v3, v2;
	v4 =	vadd.s32 v1, v4;
	_ =	sdelay $0x1  }
0x3b: {  	v3 =	vadd.s32 v1, v3;
	_ =	sdelay $0x1  }
0x3c: {  	s1 =	simm.s32 $0x2100  }
0x3d: {  	[tilespmem:s1], [sflag:$0x1] =	stream.indirect_vreg.gather [hbm4b:s2+s3], $0x80, v4, vm0, $0xb8;
	[tilespmem:$0x10100] =	vst v63  }
0x3e: {  	s1 =	simm.s32 $0x2900  }
0x3f: {  	[tilespmem:s1], [sflag:$0x1] =	stream.indirect_vreg.gather [hbm4b:s2+s3], $0x80, v3, vm0, $0xb8;
	[tilespmem:$0x10100] =	vst v63  }
0x40: {  	v3 =	vld [tilespmem:$0x30];
	_ =	sdelay $0x4  }
0x41: {  	v27 =	vshll.u32 v3, $0x1  }
0x42: {  	v3 =	vand.u32 $0x7, v3;
	v4 =	vand.u32 $0xFFFFFFF0, v27  }
0x43: {  	v3 =	vor.u32 v3, v4  }
0x44: {  	v4 =	vperm.xlane v3, v0;
	_ =	sdelay $0x1  }
0x45: {  	v3 =	vperm.xlane v3, v2;
	v4 =	vadd.s32 v1, v4;
	_ =	sdelay $0x1  }
0x46: {  	v3 =	vadd.s32 v1, v3;
	_ =	sdelay $0x1  }
0x47: {  	s1 =	simm.s32 $0x3100  }
0x48: {  	[tilespmem:s1], [sflag:$0x1] =	stream.indirect_vreg.gather [hbm4b:s2+s3], $0x80, v4, vm0, $0xb8;
	[tilespmem:$0x10100] =	vst v63  }
0x49: {  	s1 =	simm.s32 $0x3900  }
0x4a: {  	[tilespmem:s1], [sflag:$0x1] =	stream.indirect_vreg.gather [hbm4b:s2+s3], $0x80, v3, vm0, $0xb8;
	[tilespmem:$0x10100] =	vst v63  }
0x4b: {  	v3 =	vld [tilespmem:$0x40];
	_ =	sdelay $0x4  }
0x4c: {  	v28 =	vshll.u32 v3, $0x1  }
0x4d: {  	v3 =	vand.u32 $0x7, v3;
	v4 =	vand.u32 $0xFFFFFFF0, v28  }
0x4e: {  	v3 =	vor.u32 v3, v4  }
0x4f: {  	v4 =	vperm.xlane v3, v0;
	_ =	sdelay $0x1  }
0x50: {  	v3 =	vperm.xlane v3, v2;
	v4 =	vadd.s32 v1, v4;
	_ =	sdelay $0x1  }
0x51: {  	v3 =	vadd.s32 v1, v3;
	_ =	sdelay $0x1  }
0x52: {  	s1 =	simm.s32 $0x4100  }
0x53: {  	[tilespmem:s1], [sflag:$0x1] =	stream.indirect_vreg.gather [hbm4b:s2+s3], $0x80, v4, vm0, $0xb8;
	[tilespmem:$0x10100] =	vst v63  }
0x54: {  	s1 =	simm.s32 $0x4900  }
0x55: {  	[tilespmem:s1], [sflag:$0x1] =	stream.indirect_vreg.gather [hbm4b:s2+s3], $0x80, v3, vm0, $0xb8;
	[tilespmem:$0x10100] =	vst v63  }
0x56: {  	v3 =	vld [tilespmem:$0x50];
	_ =	sdelay $0x4  }
0x57: {  	v29 =	vshll.u32 v3, $0x1  }
0x58: {  	v3 =	vand.u32 $0x7, v3;
	v4 =	vand.u32 $0xFFFFFFF0, v29  }
0x59: {  	v3 =	vor.u32 v3, v4  }
0x5a: {  	v4 =	vperm.xlane v3, v0;
	_ =	sdelay $0x1  }
0x5b: {  	v3 =	vperm.xlane v3, v2;
	v4 =	vadd.s32 v1, v4;
	_ =	sdelay $0x1  }
0x5c: {  	v3 =	vadd.s32 v1, v3;
	_ =	sdelay $0x2  }
0x5d: {  	[tilespmem:s17], [sflag:$0x1] =	stream.indirect_vreg.gather [hbm4b:s2+s3], $0x80, v4, vm0, $0xb8;
	[tilespmem:$0x10100] =	vst v63  }
0x5e: {  	_ = 	snop  }
0x5f: {  	[tilespmem:s18], [sflag:$0x1] =	stream.indirect_vreg.gather [hbm4b:s2+s3], $0x80, v3, vm0, $0xb8;
	[tilespmem:$0x10100] =	vst v63  }
0x60: {  	v3 =	vld [tilespmem:$0x60];
	_ =	sdelay $0x4  }
0x61: {  	v30 =	vshll.u32 v3, $0x1  }
0x62: {  	v3 =	vand.u32 $0x7, v3;
	v4 =	vand.u32 $0xFFFFFFF0, v30  }
0x63: {  	v3 =	vor.u32 v3, v4  }
0x64: {  	v4 =	vperm.xlane v3, v0;
	_ =	sdelay $0x1  }
0x65: {  	v3 =	vperm.xlane v3, v2;
	v4 =	vadd.s32 v1, v4;
	_ =	sdelay $0x1  }
0x66: {  	v3 =	vadd.s32 v1, v3;
	_ =	sdelay $0x2  }
0x67: {  	[tilespmem:s19], [sflag:$0x1] =	stream.indirect_vreg.gather [hbm4b:s2+s3], $0x80, v4, vm0, $0xb8;
	[tilespmem:$0x10100] =	vst v63  }
0x68: {  	_ = 	snop  }
0x69: {  	[tilespmem:s20], [sflag:$0x1] =	stream.indirect_vreg.gather [hbm4b:s2+s3], $0x80, v3, vm0, $0xb8;
	[tilespmem:$0x10100] =	vst v63  }
0x6a: {  	v3 =	vld [tilespmem:$0x70];
	_ =	sdelay $0x4  }
0x6b: {  	v31 =	vshll.u32 v3, $0x1  }
0x6c: {  	v3 =	vand.u32 $0x7, v3;
	v4 =	vand.u32 $0xFFFFFFF0, v31  }
0x6d: {  	v3 =	vor.u32 v3, v4  }
0x6e: {  	v4 =	vperm.xlane v3, v0;
	_ =	sdelay $0x1  }
0x6f: {  	v3 =	vperm.xlane v3, v2;
	v4 =	vadd.s32 v1, v4;
	_ =	sdelay $0x1  }
0x70: {  	v3 =	vadd.s32 v1, v3;
	_ =	sdelay $0x2  }
0x71: {  	[tilespmem:s21], [sflag:$0x1] =	stream.indirect_vreg.gather [hbm4b:s2+s3], $0x80, v4, vm0, $0xb8;
	[tilespmem:$0x10100] =	vst v63  }
0x72: {  	_ = 	snop  }
0x73: {  	[tilespmem:s23], [sflag:$0x1] =	stream.indirect_vreg.gather [hbm4b:s2+s3], $0x80, v3, vm0, $0xb8;
	[tilespmem:$0x10100] =	vst v63  }
0x74: {  	s0 =	simm.s32 $0x80;
	s1 =	rddreg [dreg:$0x4]  }
0x75: {  	[tilespmem:s0], [sflag:$0x3] =	stream.linear.gather [hbm4b:s1+s3], $0x80, $0x38;
	[tilespmem:$0x10100] =	vst v63  }
0x76: {  	_ =	swait.ge [sflag:s5], $0x80  }
0x77: {  	[sflag:s5] =	ssyncset.done $0x0  }
0x78: {  	[sflag:s5] =	ssyncadd.s32 $0xFFFFFF80  }
0x79: {  	v3 =	vld [tilespmem:$0x80];
	_ =	sdelay $0x4  }
0x7a: {  	v32 =	vshll.u32 v3, $0x1  }
0x7b: {  	v3 =	vand.u32 $0x7, v3;
	v4 =	vand.u32 $0xFFFFFFF0, v32  }
0x7c: {  	v3 =	vor.u32 v3, v4  }
0x7d: {  	v4 =	vperm.xlane v3, v0;
	_ =	sdelay $0x1  }
0x7e: {  	v3 =	vperm.xlane v3, v2;
	v4 =	vadd.s32 v1, v4;
	_ =	sdelay $0x1  }
0x7f: {  	v3 =	vadd.s32 v1, v3;
	_ =	sdelay $0x2  }
0x80: {  	[tilespmem:s6], [sflag:$0x2] =	stream.indirect_vreg.gather [hbm4b:s2+s3], $0x80, v4, vm0, $0xb8;
	[tilespmem:$0x10100] =	vst v63  }
0x81: {  	_ = 	snop  }
0x82: {  	[tilespmem:s22], [sflag:$0x2] =	stream.indirect_vreg.gather [hbm4b:s2+s3], $0x80, v3, vm0, $0xb8;
	[tilespmem:$0x10100] =	vst v63  }
0x83: {  	v3 =	vld [tilespmem:$0x90];
	_ =	sdelay $0x4  }
0x84: {  	v33 =	vshll.u32 v3, $0x1  }
0x85: {  	v3 =	vand.u32 $0x7, v3;
	v4 =	vand.u32 $0xFFFFFFF0, v33  }
0x86: {  	v3 =	vor.u32 v3, v4  }
0x87: {  	v4 =	vperm.xlane v3, v0;
	_ =	sdelay $0x1  }
0x88: {  	v3 =	vperm.xlane v3, v2;
	v4 =	vadd.s32 v1, v4;
	_ =	sdelay $0x1  }
0x89: {  	v3 =	vadd.s32 v1, v3;
	_ =	sdelay $0x2  }
0x8a: {  	[tilespmem:s24], [sflag:$0x2] =	stream.indirect_vreg.gather [hbm4b:s2+s3], $0x80, v4, vm0, $0xb8;
	[tilespmem:$0x10100] =	vst v63  }
0x8b: {  	_ = 	snop  }
0x8c: {  	[tilespmem:s25], [sflag:$0x2] =	stream.indirect_vreg.gather [hbm4b:s2+s3], $0x80, v3, vm0, $0xb8;
	[tilespmem:$0x10100] =	vst v63  }
0x8d: {  	v3 =	vld [tilespmem:$0xA0];
	_ =	sdelay $0x4  }
0x8e: {  	v34 =	vshll.u32 v3, $0x1  }
0x8f: {  	v3 =	vand.u32 $0x7, v3;
	v4 =	vand.u32 $0xFFFFFFF0, v34  }
0x90: {  	v3 =	vor.u32 v3, v4  }
0x91: {  	v4 =	vperm.xlane v3, v0;
	_ =	sdelay $0x1  }
0x92: {  	v3 =	vperm.xlane v3, v2;
	v4 =	vadd.s32 v1, v4;
	_ =	sdelay $0x1  }
0x93: {  	v3 =	vadd.s32 v1, v3;
	_ =	sdelay $0x2  }
0x94: {  	[tilespmem:s26], [sflag:$0x2] =	stream.indirect_vreg.gather [hbm4b:s2+s3], $0x80, v4, vm0, $0xb8;
	[tilespmem:$0x10100] =	vst v63  }
0x95: {  	_ = 	snop  }
0x96: {  	[tilespmem:s28], [sflag:$0x2] =	stream.indirect_vreg.gather [hbm4b:s2+s3], $0x80, v3, vm0, $0xb8;
	[tilespmem:$0x10100] =	vst v63  }
0x97: {  	v3 =	vld [tilespmem:$0xB0];
	_ =	sdelay $0x4  }
0x98: {  	v35 =	vshll.u32 v3, $0x1  }
0x99: {  	v3 =	vand.u32 $0x7, v3;
	v4 =	vand.u32 $0xFFFFFFF0, v35  }
0x9a: {  	v3 =	vor.u32 v3, v4  }
0x9b: {  	v4 =	vperm.xlane v3, v0;
	_ =	sdelay $0x1  }
0x9c: {  	v3 =	vperm.xlane v3, v2;
	v4 =	vadd.s32 v1, v4;
	_ =	sdelay $0x1  }
0x9d: {  	v3 =	vadd.s32 v1, v3;
	_ =	sdelay $0x2  }
0x9e: {  	[tilespmem:s29], [sflag:$0x2] =	stream.indirect_vreg.gather [hbm4b:s2+s3], $0x80, v4, vm0, $0xb8;
	[tilespmem:$0x10100] =	vst v63  }
0x9f: {  	_ = 	snop  }
0xa0: {  	[tilespmem:s7], [sflag:$0x2] =	stream.indirect_vreg.gather [hbm4b:s2+s3], $0x80, v3, vm0, $0xb8;
	[tilespmem:$0x10100] =	vst v63  }
0xa1: {  	v3 =	vld [tilespmem:$0xC0];
	_ =	sdelay $0x4  }
0xa2: {  	v36 =	vshll.u32 v3, $0x1  }
0xa3: {  	v3 =	vand.u32 $0x7, v3;
	v4 =	vand.u32 $0xFFFFFFF0, v36  }
0xa4: {  	v3 =	vor.u32 v3, v4  }
0xa5: {  	v4 =	vperm.xlane v3, v0;
	_ =	sdelay $0x1  }
0xa6: {  	v3 =	vperm.xlane v3, v2;
	v4 =	vadd.s32 v1, v4;
	_ =	sdelay $0x1  }
0xa7: {  	v3 =	vadd.s32 v1, v3;
	_ =	sdelay $0x2  }
0xa8: {  	[tilespmem:s8], [sflag:$0x2] =	stream.indirect_vreg.gather [hbm4b:s2+s3], $0x80, v4, vm0, $0xb8;
	[tilespmem:$0x10100] =	vst v63  }
0xa9: {  	_ = 	snop  }
0xaa: {  	[tilespmem:s9], [sflag:$0x2] =	stream.indirect_vreg.gather [hbm4b:s2+s3], $0x80, v3, vm0, $0xb8;
	[tilespmem:$0x10100] =	vst v63  }
0xab: {  	v3 =	vld [tilespmem:$0xD0];
	_ =	sdelay $0x4  }
0xac: {  	v37 =	vshll.u32 v3, $0x1  }
0xad: {  	v3 =	vand.u32 $0x7, v3;
	v4 =	vand.u32 $0xFFFFFFF0, v37  }
0xae: {  	v3 =	vor.u32 v3, v4  }
0xaf: {  	v4 =	vperm.xlane v3, v0;
	_ =	sdelay $0x1  }
0xb0: {  	v3 =	vperm.xlane v3, v2;
	v4 =	vadd.s32 v1, v4;
	_ =	sdelay $0x1  }
0xb1: {  	v3 =	vadd.s32 v1, v3;
	_ =	sdelay $0x2  }
0xb2: {  	[tilespmem:s10], [sflag:$0x2] =	stream.indirect_vreg.gather [hbm4b:s2+s3], $0x80, v4, vm0, $0xb8;
	[tilespmem:$0x10100] =	vst v63  }
0xb3: {  	_ = 	snop  }
0xb4: {  	[tilespmem:s11], [sflag:$0x2] =	stream.indirect_vreg.gather [hbm4b:s2+s3], $0x80, v3, vm0, $0xb8;
	[tilespmem:$0x10100] =	vst v63  }
0xb5: {  	v3 =	vld [tilespmem:$0xE0];
	_ =	sdelay $0x4  }
0xb6: {  	v38 =	vshll.u32 v3, $0x1  }
0xb7: {  	v3 =	vand.u32 $0x7, v3;
	v4 =	vand.u32 $0xFFFFFFF0, v38  }
0xb8: {  	v3 =	vor.u32 v3, v4  }
0xb9: {  	v4 =	vperm.xlane v3, v0;
	_ =	sdelay $0x1  }
0xba: {  	v3 =	vperm.xlane v3, v2;
	v4 =	vadd.s32 v1, v4;
	_ =	sdelay $0x1  }
0xbb: {  	v3 =	vadd.s32 v1, v3;
	_ =	sdelay $0x2  }
0xbc: {  	[tilespmem:s12], [sflag:$0x2] =	stream.indirect_vreg.gather [hbm4b:s2+s3], $0x80, v4, vm0, $0xb8;
	[tilespmem:$0x10100] =	vst v63  }
0xbd: {  	_ = 	snop  }
0xbe: {  	[tilespmem:s13], [sflag:$0x2] =	stream.indirect_vreg.gather [hbm4b:s2+s3], $0x80, v3, vm0, $0xb8;
	[tilespmem:$0x10100] =	vst v63  }
0xbf: {  	v3 =	vld [tilespmem:$0xF0];
	_ =	sdelay $0x4  }
0xc0: {  	v39 =	vshll.u32 v3, $0x1  }
0xc1: {  	v3 =	vand.u32 $0x7, v3;
	v4 =	vand.u32 $0xFFFFFFF0, v39  }
0xc2: {  	v3 =	vor.u32 v3, v4  }
0xc3: {  	v4 =	vperm.xlane v3, v0;
	_ =	sdelay $0x1  }
0xc4: {  	v3 =	vperm.xlane v3, v2;
	v4 =	vadd.s32 v1, v4;
	_ =	sdelay $0x1  }
0xc5: {  	v3 =	vadd.s32 v1, v3;
	_ =	sdelay $0x2  }
0xc6: {  	[tilespmem:s14], [sflag:$0x2] =	stream.indirect_vreg.gather [hbm4b:s2+s3], $0x80, v4, vm0, $0xb8;
	[tilespmem:$0x10100] =	vst v63  }
0xc7: {  	_ = 	snop  }
0xc8: {  	[tilespmem:s15], [sflag:$0x2] =	stream.indirect_vreg.gather [hbm4b:s2+s3], $0x80, v3, vm0, $0xb8;
	[tilespmem:$0x10100] =	vst v63  }
0xc9: {  	_ =	swait.ge [sflag:s30], $0x8000  }
0xca: {  	[sflag:s30] =	ssyncset.done $0x0  }
0xcb: {  	s1 =	rddreg [dreg:$0x5];
	[sflag:s30] =	ssyncadd.s32 $0xFFFF8000  }
0xcc: {  	[hbm4b:s1+s3] =	stream.linear.scatter [tilespmem:s16], [sflag:$0x3], $0x8000, $0x38;
	[tilespmem:$0x10100] =	vst v63  }
0xcd: {  	_ =	swait.ge [sflag:s5], $0x8000  }
0xce: {  	[sflag:s5] =	ssyncset.done $0x0  }
0xcf: {  	s1 =	rddreg [dreg:$0x6];
	[sflag:s5] =	ssyncadd.s32 $0xFFFF8000  }
0xd0: {  	[tilespmem:s3], [sflag:$0x3] =	stream.linear.gather [hbm4b:s1+s3], $0x80, $0x38;
	[tilespmem:$0x10100] =	vst v63  }
0xd1: {  	_ =	swait.ge [sflag:s5], $0x80  }
0xd2: {  	[sflag:s5] =	ssyncset.done $0x0  }
0xd3: {  	[sflag:s5] =	ssyncadd.s32 $0xFFFFFF80  }
0xd4: {  	v3 =	vld [tilespmem:$0x0];
	_ =	sdelay $0x4  }
0xd5: {  	v40 =	vshll.u32 v3, $0x1  }
0xd6: {  	v3 =	vand.u32 $0x7, v3;
	v4 =	vand.u32 $0xFFFFFFF0, v40  }
0xd7: {  	v3 =	vor.u32 v3, v4  }
0xd8: {  	v4 =	vperm.xlane v3, v0;
	_ =	sdelay $0x1  }
0xd9: {  	v3 =	vperm.xlane v3, v2;
	v4 =	vadd.s32 v1, v4;
	_ =	sdelay $0x1  }
0xda: {  	v3 =	vadd.s32 v1, v3;
	_ =	sdelay $0x2  }
0xdb: {  	[tilespmem:s16], [sflag:$0x1] =	stream.indirect_vreg.gather [hbm4b:s2+s3], $0x80, v4, vm0, $0xb8;
	[tilespmem:$0x10100] =	vst v63  }
0xdc: {  	s1 =	simm.s32 $0x900  }
0xdd: {  	[tilespmem:s1], [sflag:$0x1] =	stream.indirect_vreg.gather [hbm4b:s2+s3], $0x80, v3, vm0, $0xb8;
	[tilespmem:$0x10100] =	vst v63  }
0xde: {  	v3 =	vld [tilespmem:$0x10];
	_ =	sdelay $0x4  }
0xdf: {  	v41 =	vshll.u32 v3, $0x1  }
0xe0: {  	v3 =	vand.u32 $0x7, v3;
	v4 =	vand.u32 $0xFFFFFFF0, v41  }
0xe1: {  	v3 =	vor.u32 v3, v4  }
0xe2: {  	v4 =	vperm.xlane v3, v0;
	_ =	sdelay $0x1  }
0xe3: {  	v3 =	vperm.xlane v3, v2;
	v4 =	vadd.s32 v1, v4;
	_ =	sdelay $0x1  }
0xe4: {  	v3 =	vadd.s32 v1, v3;
	_ =	sdelay $0x1  }
0xe5: {  	s1 =	simm.s32 $0x1100  }
0xe6: {  	[tilespmem:s1], [sflag:$0x1] =	stream.indirect_vreg.gather [hbm4b:s2+s3], $0x80, v4, vm0, $0xb8;
	[tilespmem:$0x10100] =	vst v63  }
0xe7: {  	s1 =	simm.s32 $0x1900  }
0xe8: {  	[tilespmem:s1], [sflag:$0x1] =	stream.indirect_vreg.gather [hbm4b:s2+s3], $0x80, v3, vm0, $0xb8;
	[tilespmem:$0x10100] =	vst v63  }
0xe9: {  	v3 =	vld [tilespmem:$0x20];
	_ =	sdelay $0x4  }
0xea: {  	v42 =	vshll.u32 v3, $0x1  }
0xeb: {  	v3 =	vand.u32 $0x7, v3;
	v4 =	vand.u32 $0xFFFFFFF0, v42  }
0xec: {  	v3 =	vor.u32 v3, v4  }
0xed: {  	v4 =	vperm.xlane v3, v0;
	_ =	sdelay $0x1  }
0xee: {  	v3 =	vperm.xlane v3, v2;
	v4 =	vadd.s32 v1, v4;
	_ =	sdelay $0x1  }
0xef: {  	v3 =	vadd.s32 v1, v3;
	_ =	sdelay $0x1  }
0xf0: {  	s1 =	simm.s32 $0x2100  }
0xf1: {  	[tilespmem:s1], [sflag:$0x1] =	stream.indirect_vreg.gather [hbm4b:s2+s3], $0x80, v4, vm0, $0xb8;
	[tilespmem:$0x10100] =	vst v63  }
0xf2: {  	s1 =	simm.s32 $0x2900  }
0xf3: {  	[tilespmem:s1], [sflag:$0x1] =	stream.indirect_vreg.gather [hbm4b:s2+s3], $0x80, v3, vm0, $0xb8;
	[tilespmem:$0x10100] =	vst v63  }
0xf4: {  	v3 =	vld [tilespmem:$0x30];
	_ =	sdelay $0x4  }
0xf5: {  	v43 =	vshll.u32 v3, $0x1  }
0xf6: {  	v3 =	vand.u32 $0x7, v3;
	v4 =	vand.u32 $0xFFFFFFF0, v43  }
0xf7: {  	v3 =	vor.u32 v3, v4  }
0xf8: {  	v4 =	vperm.xlane v3, v0;
	_ =	sdelay $0x1  }
0xf9: {  	v3 =	vperm.xlane v3, v2;
	v4 =	vadd.s32 v1, v4;
	_ =	sdelay $0x1  }
0xfa: {  	v3 =	vadd.s32 v1, v3;
	_ =	sdelay $0x1  }
0xfb: {  	s1 =	simm.s32 $0x3100  }
0xfc: {  	[tilespmem:s1], [sflag:$0x1] =	stream.indirect_vreg.gather [hbm4b:s2+s3], $0x80, v4, vm0, $0xb8;
	[tilespmem:$0x10100] =	vst v63  }
0xfd: {  	s1 =	simm.s32 $0x3900  }
0xfe: {  	[tilespmem:s1], [sflag:$0x1] =	stream.indirect_vreg.gather [hbm4b:s2+s3], $0x80, v3, vm0, $0xb8;
	[tilespmem:$0x10100] =	vst v63  }
0xff: {  	v3 =	vld [tilespmem:$0x40];
	_ =	sdelay $0x4  }
0x100: {  	v44 =	vshll.u32 v3, $0x1  }
0x101: {  	v3 =	vand.u32 $0x7, v3;
	v4 =	vand.u32 $0xFFFFFFF0, v44  }
0x102: {  	v3 =	vor.u32 v3, v4  }
0x103: {  	v4 =	vperm.xlane v3, v0;
	_ =	sdelay $0x1  }
0x104: {  	v3 =	vperm.xlane v3, v2;
	v4 =	vadd.s32 v1, v4;
	_ =	sdelay $0x1  }
0x105: {  	v3 =	vadd.s32 v1, v3;
	_ =	sdelay $0x1  }
0x106: {  	s1 =	simm.s32 $0x4100  }
0x107: {  	[tilespmem:s1], [sflag:$0x1] =	stream.indirect_vreg.gather [hbm4b:s2+s3], $0x80, v4, vm0, $0xb8;
	[tilespmem:$0x10100] =	vst v63  }
0x108: {  	s1 =	simm.s32 $0x4900  }
0x109: {  	[tilespmem:s1], [sflag:$0x1] =	stream.indirect_vreg.gather [hbm4b:s2+s3], $0x80, v3, vm0, $0xb8;
	[tilespmem:$0x10100] =	vst v63  }
0x10a: {  	v3 =	vld [tilespmem:$0x50];
	_ =	sdelay $0x4  }
0x10b: {  	v45 =	vshll.u32 v3, $0x1  }
0x10c: {  	v3 =	vand.u32 $0x7, v3;
	v4 =	vand.u32 $0xFFFFFFF0, v45  }
0x10d: {  	v3 =	vor.u32 v3, v4  }
0x10e: {  	v4 =	vperm.xlane v3, v0;
	_ =	sdelay $0x1  }
0x10f: {  	v3 =	vperm.xlane v3, v2;
	v4 =	vadd.s32 v1, v4;
	_ =	sdelay $0x1  }
0x110: {  	v3 =	vadd.s32 v1, v3;
	_ =	sdelay $0x2  }
0x111: {  	[tilespmem:s17], [sflag:$0x1] =	stream.indirect_vreg.gather [hbm4b:s2+s3], $0x80, v4, vm0, $0xb8;
	[tilespmem:$0x10100] =	vst v63  }
0x112: {  	_ = 	snop  }
0x113: {  	[tilespmem:s18], [sflag:$0x1] =	stream.indirect_vreg.gather [hbm4b:s2+s3], $0x80, v3, vm0, $0xb8;
	[tilespmem:$0x10100] =	vst v63  }
0x114: {  	v3 =	vld [tilespmem:$0x60];
	_ =	sdelay $0x4  }
0x115: {  	v46 =	vshll.u32 v3, $0x1  }
0x116: {  	v3 =	vand.u32 $0x7, v3;
	v4 =	vand.u32 $0xFFFFFFF0, v46  }
0x117: {  	v3 =	vor.u32 v3, v4  }
0x118: {  	v4 =	vperm.xlane v3, v0;
	_ =	sdelay $0x1  }
0x119: {  	v3 =	vperm.xlane v3, v2;
	v4 =	vadd.s32 v1, v4;
	_ =	sdelay $0x1  }
0x11a: {  	v3 =	vadd.s32 v1, v3;
	_ =	sdelay $0x2  }
0x11b: {  	[tilespmem:s19], [sflag:$0x1] =	stream.indirect_vreg.gather [hbm4b:s2+s3], $0x80, v4, vm0, $0xb8;
	[tilespmem:$0x10100] =	vst v63  }
0x11c: {  	_ = 	snop  }
0x11d: {  	[tilespmem:s20], [sflag:$0x1] =	stream.indirect_vreg.gather [hbm4b:s2+s3], $0x80, v3, vm0, $0xb8;
	[tilespmem:$0x10100] =	vst v63  }
0x11e: {  	v3 =	vld [tilespmem:$0x70];
	_ =	sdelay $0x4  }
0x11f: {  	v47 =	vshll.u32 v3, $0x1  }
0x120: {  	v3 =	vand.u32 $0x7, v3;
	v4 =	vand.u32 $0xFFFFFFF0, v47  }
0x121: {  	v3 =	vor.u32 v3, v4  }
0x122: {  	v4 =	vperm.xlane v3, v0;
	_ =	sdelay $0x1  }
0x123: {  	v3 =	vperm.xlane v3, v2;
	v4 =	vadd.s32 v1, v4;
	_ =	sdelay $0x1  }
0x124: {  	v3 =	vadd.s32 v1, v3;
	_ =	sdelay $0x2  }
0x125: {  	[tilespmem:s21], [sflag:$0x1] =	stream.indirect_vreg.gather [hbm4b:s2+s3], $0x80, v4, vm0, $0xb8;
	[tilespmem:$0x10100] =	vst v63  }
0x126: {  	_ = 	snop  }
0x127: {  	[tilespmem:s23], [sflag:$0x1] =	stream.indirect_vreg.gather [hbm4b:s2+s3], $0x80, v3, vm0, $0xb8;
	[tilespmem:$0x10100] =	vst v63  }
0x128: {  	_ =	swait.ge [sflag:s31], $0x8000  }
0x129: {  	[sflag:s31] =	ssyncset.done $0x0  }
0x12a: {  	s1 =	rddreg [dreg:$0x7];
	[sflag:s31] =	ssyncadd.s32 $0xFFFF8000  }
0x12b: {  	[hbm4b:s1+s3] =	stream.linear.scatter [tilespmem:s6], [sflag:$0x3], $0x8000, $0x38;
	[tilespmem:$0x10100] =	vst v63  }
0x12c: {  	_ =	swait.ge [sflag:s5], $0x8000  }
0x12d: {  	[sflag:s5] =	ssyncset.done $0x0  }
0x12e: {  	s1 =	rddreg [dreg:$0x8];
	[sflag:s5] =	ssyncadd.s32 $0xFFFF8000  }
0x12f: {  	[tilespmem:s0], [sflag:$0x3] =	stream.linear.gather [hbm4b:s1+s3], $0x80, $0x38;
	[tilespmem:$0x10100] =	vst v63  }
0x130: {  	_ =	swait.ge [sflag:s5], $0x80  }
0x131: {  	[sflag:s5] =	ssyncset.done $0x0  }
0x132: {  	[sflag:s5] =	ssyncadd.s32 $0xFFFFFF80  }
0x133: {  	v3 =	vld [tilespmem:$0x80];
	_ =	sdelay $0x4  }
0x134: {  	v48 =	vshll.u32 v3, $0x1  }
0x135: {  	v3 =	vand.u32 $0x7, v3;
	v4 =	vand.u32 $0xFFFFFFF0, v48  }
0x136: {  	v3 =	vor.u32 v3, v4  }
0x137: {  	v4 =	vperm.xlane v3, v0;
	_ =	sdelay $0x1  }
0x138: {  	v3 =	vperm.xlane v3, v2;
	v4 =	vadd.s32 v1, v4;
	_ =	sdelay $0x1  }
0x139: {  	v3 =	vadd.s32 v1, v3;
	_ =	sdelay $0x2  }
0x13a: {  	[tilespmem:s6], [sflag:$0x2] =	stream.indirect_vreg.gather [hbm4b:s2+s3], $0x80, v4, vm0, $0xb8;
	[tilespmem:$0x10100] =	vst v63  }
0x13b: {  	_ = 	snop  }
0x13c: {  	[tilespmem:s22], [sflag:$0x2] =	stream.indirect_vreg.gather [hbm4b:s2+s3], $0x80, v3, vm0, $0xb8;
	[tilespmem:$0x10100] =	vst v63  }
0x13d: {  	v3 =	vld [tilespmem:$0x90];
	_ =	sdelay $0x4  }
0x13e: {  	v49 =	vshll.u32 v3, $0x1  }
0x13f: {  	v3 =	vand.u32 $0x7, v3;
	v4 =	vand.u32 $0xFFFFFFF0, v49  }
0x140: {  	v3 =	vor.u32 v3, v4  }
0x141: {  	v4 =	vperm.xlane v3, v0;
	_ =	sdelay $0x1  }
0x142: {  	v3 =	vperm.xlane v3, v2;
	v4 =	vadd.s32 v1, v4;
	_ =	sdelay $0x1  }
0x143: {  	v3 =	vadd.s32 v1, v3;
	_ =	sdelay $0x2  }
0x144: {  	[tilespmem:s24], [sflag:$0x2] =	stream.indirect_vreg.gather [hbm4b:s2+s3], $0x80, v4, vm0, $0xb8;
	[tilespmem:$0x10100] =	vst v63  }
0x145: {  	_ = 	snop  }
0x146: {  	[tilespmem:s25], [sflag:$0x2] =	stream.indirect_vreg.gather [hbm4b:s2+s3], $0x80, v3, vm0, $0xb8;
	[tilespmem:$0x10100] =	vst v63  }
0x147: {  	v3 =	vld [tilespmem:$0xA0];
	_ =	sdelay $0x4  }
0x148: {  	v50 =	vshll.u32 v3, $0x1  }
0x149: {  	v3 =	vand.u32 $0x7, v3;
	v4 =	vand.u32 $0xFFFFFFF0, v50  }
0x14a: {  	v3 =	vor.u32 v3, v4  }
0x14b: {  	v4 =	vperm.xlane v3, v0;
	_ =	sdelay $0x1  }
0x14c: {  	v3 =	vperm.xlane v3, v2;
	v4 =	vadd.s32 v1, v4;
	_ =	sdelay $0x1  }
0x14d: {  	v3 =	vadd.s32 v1, v3;
	_ =	sdelay $0x2  }
0x14e: {  	[tilespmem:s26], [sflag:$0x2] =	stream.indirect_vreg.gather [hbm4b:s2+s3], $0x80, v4, vm0, $0xb8;
	[tilespmem:$0x10100] =	vst v63  }
0x14f: {  	_ = 	snop  }
0x150: {  	[tilespmem:s28], [sflag:$0x2] =	stream.indirect_vreg.gather [hbm4b:s2+s3], $0x80, v3, vm0, $0xb8;
	[tilespmem:$0x10100] =	vst v63  }
0x151: {  	v3 =	vld [tilespmem:$0xB0];
	_ =	sdelay $0x4  }
0x152: {  	v51 =	vshll.u32 v3, $0x1  }
0x153: {  	v3 =	vand.u32 $0x7, v3;
	v4 =	vand.u32 $0xFFFFFFF0, v51  }
0x154: {  	v3 =	vor.u32 v3, v4  }
0x155: {  	v4 =	vperm.xlane v3, v0;
	_ =	sdelay $0x1  }
0x156: {  	v3 =	vperm.xlane v3, v2;
	v4 =	vadd.s32 v1, v4;
	_ =	sdelay $0x1  }
0x157: {  	v3 =	vadd.s32 v1, v3;
	_ =	sdelay $0x2  }
0x158: {  	[tilespmem:s29], [sflag:$0x2] =	stream.indirect_vreg.gather [hbm4b:s2+s3], $0x80, v4, vm0, $0xb8;
	[tilespmem:$0x10100] =	vst v63  }
0x159: {  	_ = 	snop  }
0x15a: {  	[tilespmem:s7], [sflag:$0x2] =	stream.indirect_vreg.gather [hbm4b:s2+s3], $0x80, v3, vm0, $0xb8;
	[tilespmem:$0x10100] =	vst v63  }
0x15b: {  	v3 =	vld [tilespmem:$0xC0];
	_ =	sdelay $0x4  }
0x15c: {  	v52 =	vshll.u32 v3, $0x1  }
0x15d: {  	v3 =	vand.u32 $0x7, v3;
	v4 =	vand.u32 $0xFFFFFFF0, v52  }
0x15e: {  	v3 =	vor.u32 v3, v4  }
0x15f: {  	v4 =	vperm.xlane v3, v0;
	_ =	sdelay $0x1  }
0x160: {  	v3 =	vperm.xlane v3, v2;
	v4 =	vadd.s32 v1, v4;
	_ =	sdelay $0x1  }
0x161: {  	v3 =	vadd.s32 v1, v3;
	_ =	sdelay $0x2  }
0x162: {  	[tilespmem:s8], [sflag:$0x2] =	stream.indirect_vreg.gather [hbm4b:s2+s3], $0x80, v4, vm0, $0xb8;
	[tilespmem:$0x10100] =	vst v63  }
0x163: {  	_ = 	snop  }
0x164: {  	[tilespmem:s9], [sflag:$0x2] =	stream.indirect_vreg.gather [hbm4b:s2+s3], $0x80, v3, vm0, $0xb8;
	[tilespmem:$0x10100] =	vst v63  }
0x165: {  	v3 =	vld [tilespmem:$0xD0];
	_ =	sdelay $0x4  }
0x166: {  	v53 =	vshll.u32 v3, $0x1  }
0x167: {  	v3 =	vand.u32 $0x7, v3;
	v4 =	vand.u32 $0xFFFFFFF0, v53  }
0x168: {  	v3 =	vor.u32 v3, v4  }
0x169: {  	v4 =	vperm.xlane v3, v0;
	_ =	sdelay $0x1  }
0x16a: {  	v3 =	vperm.xlane v3, v2;
	v4 =	vadd.s32 v1, v4;
	_ =	sdelay $0x1  }
0x16b: {  	v3 =	vadd.s32 v1, v3;
	_ =	sdelay $0x2  }
0x16c: {  	[tilespmem:s10], [sflag:$0x2] =	stream.indirect_vreg.gather [hbm4b:s2+s3], $0x80, v4, vm0, $0xb8;
	[tilespmem:$0x10100] =	vst v63  }
0x16d: {  	_ = 	snop  }
0x16e: {  	[tilespmem:s11], [sflag:$0x2] =	stream.indirect_vreg.gather [hbm4b:s2+s3], $0x80, v3, vm0, $0xb8;
	[tilespmem:$0x10100] =	vst v63  }
0x16f: {  	v3 =	vld [tilespmem:$0xE0];
	_ =	sdelay $0x4  }
0x170: {  	v54 =	vshll.u32 v3, $0x1  }
0x171: {  	v3 =	vand.u32 $0x7, v3;
	v4 =	vand.u32 $0xFFFFFFF0, v54  }
0x172: {  	v3 =	vor.u32 v3, v4  }
0x173: {  	v4 =	vperm.xlane v3, v0;
	_ =	sdelay $0x1  }
0x174: {  	v3 =	vperm.xlane v3, v2;
	v4 =	vadd.s32 v1, v4;
	_ =	sdelay $0x1  }
0x175: {  	v3 =	vadd.s32 v1, v3;
	_ =	sdelay $0x2  }
0x176: {  	[tilespmem:s12], [sflag:$0x2] =	stream.indirect_vreg.gather [hbm4b:s2+s3], $0x80, v4, vm0, $0xb8;
	[tilespmem:$0x10100] =	vst v63  }
0x177: {  	_ = 	snop  }
0x178: {  	[tilespmem:s13], [sflag:$0x2] =	stream.indirect_vreg.gather [hbm4b:s2+s3], $0x80, v3, vm0, $0xb8;
	[tilespmem:$0x10100] =	vst v63  }
0x179: {  	v3 =	vld [tilespmem:$0xF0];
	_ =	sdelay $0x4  }
0x17a: {  	v55 =	vshll.u32 v3, $0x1  }
0x17b: {  	v3 =	vand.u32 $0x7, v3;
	v4 =	vand.u32 $0xFFFFFFF0, v55  }
0x17c: {  	v3 =	vor.u32 v3, v4  }
0x17d: {  	v4 =	vperm.xlane v3, v0;
	_ =	sdelay $0x1  }
0x17e: {  	v3 =	vperm.xlane v3, v2;
	v4 =	vadd.s32 v1, v4;
	_ =	sdelay $0x1  }
0x17f: {  	v3 =	vadd.s32 v1, v3;
	_ =	sdelay $0x2  }
0x180: {  	[tilespmem:s14], [sflag:$0x2] =	stream.indirect_vreg.gather [hbm4b:s2+s3], $0x80, v4, vm0, $0xb8;
	[tilespmem:$0x10100] =	vst v63  }
0x181: {  	_ = 	snop  }
0x182: {  	[tilespmem:s15], [sflag:$0x2] =	stream.indirect_vreg.gather [hbm4b:s2+s3], $0x80, v3, vm0, $0xb8;
	[tilespmem:$0x10100] =	vst v63  }
0x183: {  	_ =	swait.ge [sflag:s30], $0x8000  }
0x184: {  	[sflag:s30] =	ssyncset.done $0x0  }
0x185: {  	s0 =	rddreg [dreg:$0x9];
	[sflag:s30] =	ssyncadd.s32 $0xFFFF8000  }
0x186: {  	[hbm4b:s0+s3] =	stream.linear.scatter [tilespmem:s16], [sflag:$0x3], $0x8000, $0x38;
	[tilespmem:$0x10100] =	vst v63  }
0x187: {  	_ =	swait.ge [sflag:s5], $0x8000  }
0x188: {  	[sflag:s5] =	ssyncset.done $0x0  }
0x189: {  	s0 =	rddreg [dreg:$0xa];
	[sflag:s5] =	ssyncadd.s32 $0xFFFF8000  }
0x18a: {  	[tilespmem:s3], [sflag:$0x3] =	stream.linear.gather [hbm4b:s0+s3], $0x80, $0x38;
	[tilespmem:$0x10100] =	vst v63  }
0x18b: {  	_ =	swait.ge [sflag:s5], $0x80  }
0x18c: {  	[sflag:s5] =	ssyncset.done $0x0  }
0x18d: {  	[sflag:s5] =	ssyncadd.s32 $0xFFFFFF80  }
0x18e: {  	v3 =	vld [tilespmem:$0x0];
	_ =	sdelay $0x4  }
0x18f: {  	v56 =	vshll.u32 v3, $0x1  }
0x190: {  	v3 =	vand.u32 $0x7, v3;
	v4 =	vand.u32 $0xFFFFFFF0, v56  }
0x191: {  	v3 =	vor.u32 v3, v4  }
0x192: {  	v4 =	vperm.xlane v3, v0;
	_ =	sdelay $0x1  }
0x193: {  	v3 =	vperm.xlane v3, v2;
	v4 =	vadd.s32 v1, v4;
	_ =	sdelay $0x1  }
0x194: {  	v3 =	vadd.s32 v1, v3;
	_ =	sdelay $0x2  }
0x195: {  	[tilespmem:s16], [sflag:$0x1] =	stream.indirect_vreg.gather [hbm4b:s2+s3], $0x80, v4, vm0, $0xb8;
	[tilespmem:$0x10100] =	vst v63  }
0x196: {  	s1 =	simm.s32 $0x900  }
0x197: {  	[tilespmem:s1], [sflag:$0x1] =	stream.indirect_vreg.gather [hbm4b:s2+s3], $0x80, v3, vm0, $0xb8;
	[tilespmem:$0x10100] =	vst v63  }
0x198: {  	v3 =	vld [tilespmem:$0x10];
	_ =	sdelay $0x4  }
0x199: {  	v57 =	vshll.u32 v3, $0x1  }
0x19a: {  	v3 =	vand.u32 $0x7, v3;
	v4 =	vand.u32 $0xFFFFFFF0, v57  }
0x19b: {  	v3 =	vor.u32 v3, v4  }
0x19c: {  	v4 =	vperm.xlane v3, v0;
	_ =	sdelay $0x1  }
0x19d: {  	v3 =	vperm.xlane v3, v2;
	v4 =	vadd.s32 v1, v4;
	_ =	sdelay $0x1  }
0x19e: {  	v3 =	vadd.s32 v1, v3;
	_ =	sdelay $0x1  }
0x19f: {  	s1 =	simm.s32 $0x1100  }
0x1a0: {  	[tilespmem:s1], [sflag:$0x1] =	stream.indirect_vreg.gather [hbm4b:s2+s3], $0x80, v4, vm0, $0xb8;
	[tilespmem:$0x10100] =	vst v63  }
0x1a1: {  	s1 =	simm.s32 $0x1900  }
0x1a2: {  	[tilespmem:s1], [sflag:$0x1] =	stream.indirect_vreg.gather [hbm4b:s2+s3], $0x80, v3, vm0, $0xb8;
	[tilespmem:$0x10100] =	vst v63  }
0x1a3: {  	v3 =	vld [tilespmem:$0x20];
	_ =	sdelay $0x4  }
0x1a4: {  	v58 =	vshll.u32 v3, $0x1  }
0x1a5: {  	v3 =	vand.u32 $0x7, v3;
	v4 =	vand.u32 $0xFFFFFFF0, v58  }
0x1a6: {  	v3 =	vor.u32 v3, v4  }
0x1a7: {  	v4 =	vperm.xlane v3, v0;
	_ =	sdelay $0x1  }
0x1a8: {  	v3 =	vperm.xlane v3, v2;
	v4 =	vadd.s32 v1, v4;
	_ =	sdelay $0x1  }
0x1a9: {  	v3 =	vadd.s32 v1, v3;
	_ =	sdelay $0x1  }
0x1aa: {  	s1 =	simm.s32 $0x2100  }
0x1ab: {  	[tilespmem:s1], [sflag:$0x1] =	stream.indirect_vreg.gather [hbm4b:s2+s3], $0x80, v4, vm0, $0xb8;
	[tilespmem:$0x10100] =	vst v63  }
0x1ac: {  	s1 =	simm.s32 $0x2900  }
0x1ad: {  	[tilespmem:s1], [sflag:$0x1] =	stream.indirect_vreg.gather [hbm4b:s2+s3], $0x80, v3, vm0, $0xb8;
	[tilespmem:$0x10100] =	vst v63  }
0x1ae: {  	v3 =	vld [tilespmem:$0x30];
	_ =	sdelay $0x4  }
0x1af: {  	v59 =	vshll.u32 v3, $0x1  }
0x1b0: {  	v3 =	vand.u32 $0x7, v3;
	v4 =	vand.u32 $0xFFFFFFF0, v59  }
0x1b1: {  	v3 =	vor.u32 v3, v4  }
0x1b2: {  	v4 =	vperm.xlane v3, v0;
	_ =	sdelay $0x1  }
0x1b3: {  	v3 =	vperm.xlane v3, v2;
	v4 =	vadd.s32 v1, v4;
	_ =	sdelay $0x1  }
0x1b4: {  	v3 =	vadd.s32 v1, v3;
	_ =	sdelay $0x1  }
0x1b5: {  	s1 =	simm.s32 $0x3100  }
0x1b6: {  	[tilespmem:s1], [sflag:$0x1] =	stream.indirect_vreg.gather [hbm4b:s2+s3], $0x80, v4, vm0, $0xb8;
	[tilespmem:$0x10100] =	vst v63  }
0x1b7: {  	s1 =	simm.s32 $0x3900  }
0x1b8: {  	[tilespmem:s1], [sflag:$0x1] =	stream.indirect_vreg.gather [hbm4b:s2+s3], $0x80, v3, vm0, $0xb8;
	[tilespmem:$0x10100] =	vst v63  }
0x1b9: {  	v3 =	vld [tilespmem:$0x40];
	_ =	sdelay $0x4  }
0x1ba: {  	v60 =	vshll.u32 v3, $0x1  }
0x1bb: {  	v3 =	vand.u32 $0x7, v3;
	v4 =	vand.u32 $0xFFFFFFF0, v60  }
0x1bc: {  	v3 =	vor.u32 v3, v4  }
0x1bd: {  	v4 =	vperm.xlane v3, v0;
	_ =	sdelay $0x1  }
0x1be: {  	v3 =	vperm.xlane v3, v2;
	v4 =	vadd.s32 v1, v4;
	_ =	sdelay $0x1  }
0x1bf: {  	v3 =	vadd.s32 v1, v3;
	_ =	sdelay $0x1  }
0x1c0: {  	s1 =	simm.s32 $0x4100  }
0x1c1: {  	[tilespmem:s1], [sflag:$0x1] =	stream.indirect_vreg.gather [hbm4b:s2+s3], $0x80, v4, vm0, $0xb8;
	[tilespmem:$0x10100] =	vst v63  }
0x1c2: {  	s1 =	simm.s32 $0x4900  }
0x1c3: {  	[tilespmem:s1], [sflag:$0x1] =	stream.indirect_vreg.gather [hbm4b:s2+s3], $0x80, v3, vm0, $0xb8;
	[tilespmem:$0x10100] =	vst v63  }
0x1c4: {  	v3 =	vld [tilespmem:$0x50];
	_ =	sdelay $0x4  }
0x1c5: {  	v61 =	vshll.u32 v3, $0x1  }
0x1c6: {  	v3 =	vand.u32 $0x7, v3;
	v4 =	vand.u32 $0xFFFFFFF0, v61  }
0x1c7: {  	v3 =	vor.u32 v3, v4  }
0x1c8: {  	v4 =	vperm.xlane v3, v0;
	_ =	sdelay $0x1  }
0x1c9: {  	v3 =	vperm.xlane v3, v2;
	v4 =	vadd.s32 v1, v4;
	_ =	sdelay $0x1  }
0x1ca: {  	v3 =	vadd.s32 v1, v3;
	_ =	sdelay $0x2  }
0x1cb: {  	[tilespmem:s17], [sflag:$0x1] =	stream.indirect_vreg.gather [hbm4b:s2+s3], $0x80, v4, vm0, $0xb8;
	[tilespmem:$0x10100] =	vst v63  }
0x1cc: {  	_ = 	snop  }
0x1cd: {  	[tilespmem:s18], [sflag:$0x1] =	stream.indirect_vreg.gather [hbm4b:s2+s3], $0x80, v3, vm0, $0xb8;
	[tilespmem:$0x10100] =	vst v63  }
0x1ce: {  	v3 =	vld [tilespmem:$0x60];
	_ =	sdelay $0x4  }
0x1cf: {  	v62 =	vshll.u32 v3, $0x1  }
0x1d0: {  	v3 =	vand.u32 $0x7, v3;
	v4 =	vand.u32 $0xFFFFFFF0, v62  }
0x1d1: {  	v3 =	vor.u32 v3, v4  }
0x1d2: {  	v4 =	vperm.xlane v3, v0;
	_ =	sdelay $0x1  }
0x1d3: {  	v3 =	vperm.xlane v3, v2;
	v4 =	vadd.s32 v1, v4;
	_ =	sdelay $0x1  }
0x1d4: {  	v3 =	vadd.s32 v1, v3;
	_ =	sdelay $0x2  }
0x1d5: {  	[tilespmem:s19], [sflag:$0x1] =	stream.indirect_vreg.gather [hbm4b:s2+s3], $0x80, v4, vm0, $0xb8;
	[tilespmem:$0x10100] =	vst v63  }
0x1d6: {  	_ = 	snop  }
0x1d7: {  	[tilespmem:s20], [sflag:$0x1] =	stream.indirect_vreg.gather [hbm4b:s2+s3], $0x80, v3, vm0, $0xb8;
	[tilespmem:$0x10100] =	vst v63  }
0x1d8: {  	v3 =	vld [tilespmem:$0x70];
	_ =	sdelay $0x4  }
0x1d9: {  	v63 =	vshll.u32 v3, $0x1  }
0x1da: {  	v3 =	vand.u32 $0x7, v3;
	v4 =	vand.u32 $0xFFFFFFF0, v63  }
0x1db: {  	v3 =	vor.u32 v3, v4  }
0x1dc: {  	v4 =	vperm.xlane v3, v0;
	_ =	sdelay $0x1  }
0x1dd: {  	v3 =	vperm.xlane v3, v2;
	v4 =	vadd.s32 v1, v4;
	_ =	sdelay $0x1  }
0x1de: {  	v3 =	vadd.s32 v1, v3;
	_ =	sdelay $0x2  }
0x1df: {  	[tilespmem:s21], [sflag:$0x1] =	stream.indirect_vreg.gather [hbm4b:s2+s3], $0x80, v4, vm0, $0xb8;
	[tilespmem:$0x10100] =	vst v63  }
0x1e0: {  	_ = 	snop  }
0x1e1: {  	[tilespmem:s23], [sflag:$0x1] =	stream.indirect_vreg.gather [hbm4b:s2+s3], $0x80, v3, vm0, $0xb8;
	[tilespmem:$0x10100] =	vst v63  }
0x1e2: {  	_ =	swait.ge [sflag:s31], $0x8000  }
0x1e3: {  	[sflag:s31] =	ssyncset.done $0x0  }
0x1e4: {  	s0 =	rddreg [dreg:$0xb];
	[sflag:s31] =	ssyncadd.s32 $0xFFFF8000  }
0x1e5: {  	[hbm4b:s0+s3] =	stream.linear.scatter [tilespmem:s6], [sflag:$0x3], $0x8000, $0x38;
	[tilespmem:$0x10100] =	vst v63  }
0x1e6: {  	_ =	swait.ge [sflag:s5], $0x8000  }
0x1e7: {  	[sflag:s5] =	ssyncset.done $0x0  }
0x1e8: {  	[sflag:s5] =	ssyncadd.s32 $0xFFFF8000  }
0x1e9: {  	_ =	swait.ge [sflag:s30], $0x8000  }
0x1ea: {  	p0 =	sne.s32 s4, $0x1;
	[sflag:s30] =	ssyncset.done $0x0  }
.Ltmp0:
0x1eb: {  	s0 =	rddreg [dreg:$0xc];
	[sflag:s30] =	ssyncadd.s32 $0xFFFF8000;
	(pc) =	sbr.rel @p0 .LBB2_1-.Ltmp0, $4  }
0x1ec: {  	[hbm4b:s0+s3] =	stream.linear.scatter [tilespmem:s16], [sflag:$0x3], $0x8000, $0x38;
	[tilespmem:$0x10100] =	vst v63  }
0x1ed: {  	_ =	swait.ge [sflag:s5], $0x8000  }
0x1ee: {  	[sflag:s5] =	ssyncset.done $0x0  }
0x1ef: {  	s4 =	sadd.s32 $0xFFFFFFFF, s4;
	[sflag:s5] =	ssyncadd.s32 $0xFFFF8000  }
0x1f0: {  	_ =	sfence.sel $0x180000  }
0x1f1: {  	[bflag:$0x0] =	sbarrier.arrive $0xFFFF  }
0x1f2: {  	_ =	strace $0x9000004A  }
0x1f3: {  	s0 =	stileid.u32;
	[bflag:$0x2] =	sbarrier.arrive $0xFFFF  }
0x1f4: {  	p0 =	sne.s32 s0, $0x0;
	s0 =	rddreg [dreg:$0x2]  }
0x1f5: {  	s0 =	sadd.s32 @!p0 $0x100000, s0  }
0x1f6: {  	[sflag:s0] =	ssyncadd.tile.s32 @!p0 $0x1;
	_ =	shalt  }
.Lfunc_end2:
_tile_overlayer_lowered:
.L_overlay_start_2:
0x1f7: {  	(tag) =	ssettag $0x2  }
0x1f8: {  	s0 =	rddreg [dreg:$0x0];
	s2 =	stileid.u32  }
0x1f9: {  	s1 =	rddreg [dreg:$0x1];
	p0 =	sne.s32 s2, $0x0  }
0x1fa: {  	s3 =	rddreg [dreg:$0x2];
	[bflag:$0x3] =	sbarrier.arrive $0xFFFF;
	s2 =	simm.s32 @!p0 $0x1C03  }
0x1fb: {  	[timem:s3], [sflag:s2] =	dma.local @!p0 [hbm:s0], s1  }
0x1fc: {  	s0 =	simm.s32 @!p0 $0x3  }
0x1fd: {  	_ =	swait.ge @!p0 [sflag:s0], s1  }
0x1fe: {  	s1 =	ssub.s32 @!p0 $0x0, s1;
	[sflag:s0] =	ssyncset.done @!p0 $0x0  }
0x1ff: {  	[sflag:s0] =	ssyncadd.s32 @!p0 s1  }
0x200: {  	[bflag:$0x3] =	sbarrier.arrive $0xFFFF  }
0x201: {  	_ =	shalt  }

// kernel: kernel.9.cloned.1.call-start
scs
__scs_entry_jumppad:
0x0: {  	(pc) =	sbr.rel $0x88, $3  }
0x1: {  	(tag) =	ssettag $0x0;
	lr =	simm.s32 $0x1  }
0x2: {  	[smem:$0x3F99] =	sst lr;
	_ =	strace $0xD0000000  }
0x3: {  	_ = 	snop  }
0x4: {  	_ = 	snop  }
0x5: {  	_ = 	snop  }
0x6: {  	_ = 	snop  }
0x7: {  	_ = 	snop  }
__scs_overlays_trampoline_lowered:
0x8: {  	[smem:$0x3FA8] =	sst s0  }
0x9: {  	[smem:$0x3FA9] =	sst s1  }
0xa: {  	[smem:$0x3FAA] =	sst s2  }
0xb: {  	[smem:$0x3FAB] =	sst s3  }
0xc: {  	[smem:$0x3FAC] =	sst s4  }
0xd: {  	[smem:$0x3FAD] =	sst s5  }
0xe: {  	[smem:$0x3FAE] =	sst s6  }
0xf: {  	[smem:$0x3FAF] =	sst s7  }
0x10: {  	[smem:$0x3FB0] =	sst s8  }
0x11: {  	[smem:$0x3FB1] =	sst s9;
	s0 =	simm.s32 @!p0 $0x0  }
0x12: {  	s1 =	sld [smem:$0x3F97];
	s0 =	simm.s32 @p0 $0x1  }
0x13: {  	[smem:$0x3FB2] =	sst s0;
	s0 =	simm.s32 @!p1 $0x0  }
0x14: {  	s2 =	sld [smem:$0x3F96];
	s0 =	simm.s32 @p1 $0x1  }
0x15: {  	[smem:$0x3FB3] =	sst s0;
	s0 =	simm.s32 @!p2 $0x0  }
0x16: {  	s3 =	sld [smem:$0x3FDB];
	s0 =	simm.s32 @p2 $0x1  }
0x17: {  	s4 =	simm.s32 $0x1BF5;
	[smem:$0x3FB5] =	sst s0  }
0x18: {  	s0 =	sld [smem:$0x3F98];
	_ =	swait.ge [sflag:s4], $0x0  }
0x19: {  	s7 =	sld [smem:$0x3F99]  }
0x1a: {  	s8 =	sadd.s32 $0xFFFFE003, lr  }
0x1b: {  	s9 =	sadd.s32 $0xFFFFFEF7, lr;
	s5 =	simm.s32 $0xFFFFFFFF;
	p2 =	slt.u32 s8, $0xFFFFF086  }
0x1c: {  	p1 =	slt.u32 s9, $0xF7A;
	s5 =	simm.s32 @!p2 $0x0  }
0x1d: {  	s5 =	simm.s32 @p1 $0x1;
	p0 =	seq.s32 s7, s2  }
0x1e: {  	s7 =	smul.u32 @!p0 $0xF7A, s2;
	p2 =	seq.s32 @!p0 s5, $0x0  }
0x1f: {  	s9 =	smul.u32 $0xF7A, s1;
	s8 =	simm.s32 @!p0 $0x1BF5;
	p2 =	por !p2, p0  }
0x20: {  	[sflag:s8] =	ssyncset.s32 @!p0 $0xFFFFF086;
	s6 =	sadd.s32 @!p0 s3, s7;
	s7 =	simm.s32 @!p0 $0x108  }
0x21: {  	s3 =	sadd.s32 s3, s9;
	s6 =	sadd.s32 @!p0 $0x88, s6;
	s7 =	simm.s32 @p2 $0x1082  }
0x22: {  	[simem:s7], [sflag:s8] =	dma.local @!p0 [hbm:s6], $0xF7A  }
0x23: {  	s9 =	sor.u32 $0xD0000000, s2;
	s6 =	simm.s32 $0x108;
	_ =	swait.ge @!p0 [sflag:s8], $0x0  }
0x24: {  	s3 =	sadd.s32 $0x88, s3;
	s6 =	simm.s32 @!p1 $0x1082;
	[sflag:s4] =	ssyncset.s32 $0xFFFFF086  }
0x25: {  	[simem:s6], [sflag:s4] =	dma.local [hbm:s3], $0xF7A  }
0x26: {  	[smem:$0x3F99] =	sst s1;
	(tag) =	ssettag s2;
	_ =	strace s9  }
0x27: {  	s1 =	sld [smem:$0x3FA9]  }
0x28: {  	s2 =	sld [smem:$0x3FAA]  }
0x29: {  	s4 =	sld [smem:$0x3FAC]  }
0x2a: {  	p0 =	seq.s32 s5, $0x0;
	s5 =	sld [smem:$0x3FAD]  }
0x2b: {  	s6 =	sld [smem:$0x3FAE]  }
0x2c: {  	s7 =	sld [smem:$0x3FAF]  }
0x2d: {  	s3 =	simm.s32 $0x108;
	s8 =	sld [smem:$0x3FB0]  }
0x2e: {  	s3 =	simm.s32 @!p0 $0x1082;
	s9 =	sld [smem:$0x3FB1]  }
0x2f: {  	lr =	sadd.s32 s0, s3;
	s0 =	sld [smem:$0x3FA8]  }
0x30: {  	s3 =	sld [smem:$0x3FAB]  }
0x31: {  	[smem:$0x3FB4] =	sst s10  }
0x32: {  	s10 =	sld [smem:$0x3FB2];
	_ =	sdelay $0x3  }
0x33: {  	p0 =	seq.s32 s10, $0x1;
	s10 =	sld [smem:$0x3FB4];
	_ =	sdelay $0x3  }
0x34: {  	[smem:$0x3FB4] =	sst s10  }
0x35: {  	s10 =	sld [smem:$0x3FB3];
	_ =	sdelay $0x3  }
0x36: {  	p1 =	seq.s32 s10, $0x1;
	s10 =	sld [smem:$0x3FB4];
	_ =	sdelay $0x3  }
0x37: {  	[smem:$0x3FB4] =	sst s10  }
0x38: {  	s10 =	sld [smem:$0x3FB5]  }
0x39: {  	_ = 	snop;
	(pc) =	sbr.ind lr, $3  }
0x3a: {  	_ = 	snop  }
0x3b: {  	_ = 	snop  }
0x3c: {  	p2 =	seq.s32 s10, $0x1;
	s10 =	sld [smem:$0x3FB4]  }
0x3d: {  	_ =	shalt  }
0x3e: {  	_ =	shalt  }
0x3f: {  	_ =	shalt  }
0x40: {  	_ =	shalt  }
0x41: {  	_ =	shalt  }
0x42: {  	_ =	shalt  }
0x43: {  	_ =	shalt  }
0x44: {  	_ =	shalt  }
0x45: {  	_ =	shalt  }
0x46: {  	_ =	shalt  }
0x47: {  	_ =	shalt  }
0x48: {  	_ =	shalt  }
0x49: {  	_ =	shalt  }
0x4a: {  	_ =	shalt  }
0x4b: {  	_ =	shalt  }
0x4c: {  	_ =	shalt  }
0x4d: {  	_ =	shalt  }
0x4e: {  	_ =	shalt  }
0x4f: {  	_ =	shalt  }
0x50: {  	_ =	shalt  }
0x51: {  	_ =	shalt  }
0x52: {  	_ =	shalt  }
0x53: {  	_ =	shalt  }
0x54: {  	_ =	shalt  }
0x55: {  	_ =	shalt  }
0x56: {  	_ =	shalt  }
0x57: {  	_ =	shalt  }
0x58: {  	_ =	shalt  }
0x59: {  	_ =	shalt  }
0x5a: {  	_ =	shalt  }
0x5b: {  	_ =	shalt  }
0x5c: {  	_ =	shalt  }
0x5d: {  	_ =	shalt  }
0x5e: {  	_ =	shalt  }
0x5f: {  	_ =	shalt  }
0x60: {  	_ =	shalt  }
0x61: {  	_ =	shalt  }
0x62: {  	_ =	shalt  }
0x63: {  	_ =	shalt  }
0x64: {  	_ =	shalt  }
0x65: {  	_ =	shalt  }
0x66: {  	_ =	shalt  }
0x67: {  	_ =	shalt  }
0x68: {  	_ =	shalt  }
0x69: {  	_ =	shalt  }
0x6a: {  	_ =	shalt  }
0x6b: {  	_ =	shalt  }
0x6c: {  	_ =	shalt  }
0x6d: {  	_ =	shalt  }
0x6e: {  	_ =	shalt  }
0x6f: {  	_ =	shalt  }
0x70: {  	_ =	shalt  }
0x71: {  	_ =	shalt  }
0x72: {  	_ =	shalt  }
0x73: {  	_ =	shalt  }
0x74: {  	_ =	shalt  }
0x75: {  	_ =	shalt  }
0x76: {  	_ =	shalt  }
0x77: {  	_ =	shalt  }
0x78: {  	_ =	shalt  }
0x79: {  	_ =	shalt  }
0x7a: {  	_ =	shalt  }
0x7b: {  	_ =	shalt  }
0x7c: {  	_ =	shalt  }
0x7d: {  	_ =	shalt  }
0x7e: {  	_ =	shalt  }
0x7f: {  	_ =	shalt  }
0x80: {  	_ =	shalt  }
0x81: {  	_ =	shalt  }
0x82: {  	_ =	shalt  }
0x83: {  	_ =	shalt  }
0x84: {  	_ =	shalt  }
0x85: {  	_ =	shalt  }
0x86: {  	_ =	shalt  }
0x87: {  	_ =	shalt  }
.Lfunc_end0:
.L_simem_size_0:
called_computation.1_lowered:
.L_overlay_start_0:
0x88: {  	s2 =	sld [smem:$0x3FD9]  }
0x89: {  	s3 =	sld [smem:$0x3FFE];
	_ =	sdelay $0x1  }
0x8a: {  	s1 =	srdreg.scid  }
0x8b: {  	s0 =	sand.u32 $0x1, s1  }
0x8c: {  	s17 =	sshll.u32 s0, $0xA;
	s2 =	sadd.s32 s3, s2  }
0x8d: {  	s2 =	sadd.s32 s2, s17  }
0x8e: {  	[smem:$0x3FC0] =	sst s2  }
0x8f: {  	_ = 	snop  }
0x90: {  	s2 =	sld [smem:$0x3FC8]  }
0x91: {  	s18 =	sld [smem:$0x3FD0];
	(tm) =	ssettm $0x1  }
0x92: {  	s4 =	sld [smem:$0x3FFB];
	_ =	sdelay $0x3  }
0x93: {  	_ =	strace s4  }
0x94: {  	s4 =	sld [smem:$0x3FFC];
	_ =	sdelay $0x3  }
0x95: {  	_ =	strace s4  }
0x96: {  	s4 =	sld [smem:$0x3FFD];
	_ =	sdelay $0x3  }
0x97: {  	_ =	strace s4  }
0x98: {  	_ =	strace $0x8FFFFFFF  }
0x99: {  	s19 =	sld [smem:$0x3FDB];
	_ =	sdelay $0x1  }
0x9a: {  	s5 =	simm.s32 $_scs_section_size  }
0x9b: {  	s6 =	simm.s32 $_size__tile_overlayer_lowered;
	s7 =	simm.s32 $_tile_overlayer_lowered  }
0x9c: {  	s22 =	simm.s32 $0x1BFF;
	s21 =	sshll.u32 s7, $0x1;
	s4 =	sadd.s32 s5, s19  }
0x9d: {  	s8 =	simm.s32 $0x0;
	s20 =	sshll.u32 s6, $0x1;
	s6 =	sadd.s32 s21, s4  }
0x9e: {  	[timem:s8], [sflag:s22] =	dma.local [hbm:s6], s20  }
0x9f: {  	_ =	swait.ge [sflag:s22], s20  }
0xa0: {  	s5 =	ssub.s32 $0x0, s20;
	[sflag:s22] =	ssyncset.done $0x0  }
0xa1: {  	[sflag:s22] =	ssyncadd.s32 s5;
	_ =	sdelay $0x1  }
0xa2: {  	s23 =	simm.s32 $0x1B8B  }
0xa3: {  	_ =	swait.ge [sflag:s23], $0x1  }
0xa4: {  	[sflag:s23] =	ssyncset.done $0x0  }
0xa5: {  	s25 =	simm.s32 $0x1B8E;
	s24 =	sld [smem:$0x3FFE];
	[sflag:s23] =	ssyncadd.s32 $0xFFFFFFFF  }
0xa6: {  	s26 =	simm.s32 $execute0_lowered;
	[smem:$0x3FD2] =	sst s25  }
0xa7: {  	s6 =	sshll.u32 s26, $0x1;
	_ =	strace $0x80000046;
	[dreg:$0x1] =	wrdreg $0xFFFFFFFF  }
0xa8: {  	s28 =	simm.s32 $_size_execute0_lowered;
	s4 =	sadd.s32 s4, s6;
	[dreg:$0x0] =	wrdreg $0x0  }
0xa9: {  	s6 =	sshll.u32 s28, $0x1;
	[dreg:$0x2] =	wrdreg s4  }
0xaa: {  	[dreg:$0x3] =	wrdreg s6  }
0xab: {  	[dreg:$0x4] =	wrdreg $0xC0  }
0xac: {  	_ =	task [dreg:s8], $0x5FFFF  }
0xad: {  	[dreg:$0x1] =	wrdreg $0xFFFFFFFF  }
0xae: {  	[dreg:$0x0] =	wrdreg $0x60  }
0xaf: {  	[dreg:$0x2] =	wrdreg s2  }
0xb0: {  	[dreg:$0x3] =	wrdreg s18  }
0xb1: {  	[dreg:$0x4] =	wrdreg s24  }
0xb2: {  	[dreg:$0x5] =	wrdreg $0xA  }
0xb3: {  	_ =	task.clear_ibuf [dreg:s8], $0x6FFFF;
	_ =	strace $0x90000046  }
0xb4: {  	s29 =	simm.s32 $0xA;
	_ =	strace $0x80000048  }
0xb5: {  	_ =	swait.ge [sflag:s29], $0x1  }
0xb6: {  	[sflag:s29] =	ssyncadd.s32 $0xFFFFFFFF  }
0xb7: {  	_ =	strace $0x90000048  }
0xb8: {  	_ =	sfence  }
0xb9: {  	s30 =	sld [smem:$0x0];
	_ =	sdelay $0x2  }
0xba: {  	s31 =	sshll.u32 s1, $0xD;
	s1 =	sshrl.u32 s1, $0x2  }
0xbb: {  	s3 =	sand.u32 $0x4000, s31;
	s1 =	sadd.s32 s1, s30  }
0xbc: {  	s0 =	sor.u32 s3, s0;
	s1 =	sshll.u32 s1, $0x11  }
0xbd: {  	s0 =	sor.u32 s1, s0  }
0xbe: {  	s0 =	sadd.s32 $0x8F2B, s0  }
0xbf: {  	[sflag:s0] =	ssyncadd.remote.s32 $0x1  }
0xc0: {  	_ =	sfence.sel $0xFFFF  }
0xc1: {  	[dreg:$0x0] =	wrdreg $0xFFFFFFFF;
	(pc) =	sbr.abs _section_cstart, $3  }
0xc2: {  	[dreg:$0x1] =	wrdreg $0xFFFFFFFF  }
0xc3: {  	_ =	task.clear_ibuf [dreg:s8], $0x2FFFF;
	_ =	strace $0x9FFFFFFF  }
0xc4: {  	(tm) =	ssettm $0x7FFFFFFF  }
0xc5: {  	_ =	shalt  }
tec
execute0_lowered:
.L_overlay_start_1:
0x0: {  	(tag) =	ssettag $0x1  }
0x1: {  	s1 =	rddreg [dreg:$0x0]  }
0x2: {  	s0 =	rddreg [dreg:$0x1];
	s2 =	srdreg.scid  }
0x3: {  	s3 =	stileid.u32;
	s4 =	rddreg [dreg:$0x2]  }
0x4: {  	s30 =	simm.s32 $0x1;
	s31 =	simm.s32 $0x2;
	s28 =	simm.s32 $0xA900  }
0x5: {  	s29 =	simm.s32 $0xB100;
	s10 =	simm.s32 $0xD100;
	s11 =	simm.s32 $0xD900  }
0x6: {  	s2 =	sand.u32 $0x1, s2;
	s5 =	sshll.u32 s3, $0x1;
	s3 =	simm.s32 $0x0  }
0x7: {  	s4 =	sadd.s32 $0x1600, s4;
	s5 =	sor.u32 s2, s5;
	s2 =	ssub.s32 $0x2, s2  }
0x8: {  	[smem:$0x7FF] =	sst s3;
	s6 =	smul.u32 $0x280, s5;
	s19 =	sshrl.u32 s2, $0x1  }
0x9: {  	_ =	strace $0x80000047;
	s5 =	smul.u32 $0x5000, s5;
	s2 =	ssub.s32 s2, s19  }
0xa: {  	s19 =	simm.s32 $0x6100;
	s7 =	sshrl.u32 s6, $0x3;
	s8 =	sadd.s32 $0x80, s6  }
0xb: {  	s13 =	sadd.s32 $0x100, s6;
	s5 =	sadd.s32 s4, s5;
	s18 =	sadd.s32 $0x180, s6  }
0xc: {  	s6 =	sadd.s32 $0x200, s6;
	s7 =	sadd.s32 s0, s7;
	s9 =	sshrl.u32 s8, $0x3  }
0xd: {  	s14 =	sshrl.u32 s13, $0x3;
	[dreg:$0x6] =	wrdreg s5;
	s16 =	sshll.u32 s8, $0x5  }
0xe: {  	s20 =	sshrl.u32 s18, $0x3;
	s22 =	sshrl.u32 s6, $0x3;
	s23 =	sshll.u32 s18, $0x5  }
0xf: {  	s25 =	sshll.u32 s6, $0x5;
	s18 =	simm.s32 $0x5900;
	s6 =	simm.s32 $0x8100  }
0x10: {  	s8 =	simm.s32 $0xC100;
	[dreg:$0x4] =	wrdreg s7;
	s12 =	sadd.s32 s0, s9  }
0x11: {  	s15 =	sadd.s32 s0, s14;
	s17 =	sadd.s32 s4, s16;
	s5 =	sadd.s32 s0, s20  }
0x12: {  	s9 =	sshll.u32 s13, $0x5;
	s0 =	sadd.s32 s0, s22;
	[dreg:$0x5] =	wrdreg s12  }
0x13: {  	s24 =	sadd.s32 s4, s23;
	s26 =	sadd.s32 s4, s25;
	[dreg:$0x7] =	wrdreg s15  }
0x14: {  	s16 =	simm.s32 $0x100;
	s20 =	simm.s32 $0x6900;
	[dreg:$0x8] =	wrdreg s17  }
0x15: {  	s23 =	simm.s32 $0x7900;
	s22 =	simm.s32 $0x8900;
	[dreg:$0x9] =	wrdreg s5  }
0x16: {  	s25 =	simm.s32 $0x9900;
	s7 =	simm.s32 $0xB900;
	[dreg:$0xb] =	wrdreg s0  }
0x17: {  	s13 =	simm.s32 $0xE900;
	s14 =	simm.s32 $0xF100;
	[dreg:$0xc] =	wrdreg s24  }
0x18: {  	s21 =	sadd.s32 s4, s9;
	[dreg:$0xd] =	wrdreg s26;
	s4 =	smax.u32 s2, $0x1  }
0x19: {  	v2 =	vlaneseq.u32;
	s5 =	simm.s32 $0x3;
	s17 =	simm.s32 $0x5100;
	s24 =	simm.s32 $0x9100  }
0x1a: {  	vm0 =	vmmov $0xffff;
	v1 =	vshrl.u32 v2, $0x3;
	s26 =	simm.s32 $0xA100;
	s9 =	simm.s32 $0xC900;
	s12 =	simm.s32 $0xE100  }
0x1b: {  	v0 =	vand.u32 $0x7, v2;
	v2 =	vor.u32 $0x8, v2;
	v1 =	vmul.u32 $0x8, v1;
	s15 =	simm.s32 $0xF900;
	[dreg:$0xa] =	wrdreg s21;
	s21 =	simm.s32 $0x7100  }
.LBB2_1:
0x1c: {  	s2 =	rddreg [dreg:$0x4]  }
0x1d: {  	[tilespmem:s3], [sflag:$0x3] =	stream.linear.gather [hbm4b:s2+s3], $0x80, $0x38;
	[tilespmem:$0x10100] =	vst v63  }
0x1e: {  	_ =	swait.ge [sflag:s5], $0x80  }
0x1f: {  	[sflag:s5] =	ssyncset.done $0x0  }
0x20: {  	[sflag:s5] =	ssyncadd.s32 $0xFFFFFF80  }
0x21: {  	v3 =	vld [tilespmem:$0x0];
	_ =	sdelay $0x4  }
0x22: {  	v4 =	vshll.u32 v3, $0x1  }
0x23: {  	v3 =	vand.u32 $0x7, v3;
	v4 =	vand.u32 $0xFFFFFFF0, v4  }
0x24: {  	v3 =	vor.u32 v3, v4  }
0x25: {  	v4 =	vperm.xlane v3, v0;
	_ =	sdelay $0x1  }
0x26: {  	v3 =	vperm.xlane v3, v2;
	v4 =	vadd.s32 v1, v4;
	_ =	sdelay $0x1  }
0x27: {  	v3 =	vadd.s32 v1, v3;
	_ =	sdelay $0x2  }
0x28: {  	[tilespmem:s16], [sflag:$0x1] =	stream.indirect_vreg.gather [hbm4b:s1+s3], $0x80, v4, vm0, $0xb8;
	[tilespmem:$0x10100] =	vst v63  }
0x29: {  	s0 =	simm.s32 $0x900  }
0x2a: {  	[tilespmem:s0], [sflag:$0x1] =	stream.indirect_vreg.gather [hbm4b:s1+s3], $0x80, v3, vm0, $0xb8;
	[tilespmem:$0x10100] =	vst v63  }
0x2b: {  	v3 =	vld [tilespmem:$0x10];
	_ =	sdelay $0x4  }
0x2c: {  	v25 =	vshll.u32 v3, $0x1  }
0x2d: {  	v3 =	vand.u32 $0x7, v3;
	v4 =	vand.u32 $0xFFFFFFF0, v25  }
0x2e: {  	v3 =	vor.u32 v3, v4  }
0x2f: {  	v4 =	vperm.xlane v3, v0;
	_ =	sdelay $0x1  }
0x30: {  	v3 =	vperm.xlane v3, v2;
	v4 =	vadd.s32 v1, v4;
	_ =	sdelay $0x1  }
0x31: {  	v3 =	vadd.s32 v1, v3;
	_ =	sdelay $0x1  }
0x32: {  	s2 =	simm.s32 $0x1100  }
0x33: {  	[tilespmem:s2], [sflag:$0x1] =	stream.indirect_vreg.gather [hbm4b:s1+s3], $0x80, v4, vm0, $0xb8;
	[tilespmem:$0x10100] =	vst v63  }
0x34: {  	s2 =	simm.s32 $0x1900  }
0x35: {  	[tilespmem:s2], [sflag:$0x1] =	stream.indirect_vreg.gather [hbm4b:s1+s3], $0x80, v3, vm0, $0xb8;
	[tilespmem:$0x10100] =	vst v63  }
0x36: {  	v3 =	vld [tilespmem:$0x20];
	_ =	sdelay $0x4  }
0x37: {  	v26 =	vshll.u32 v3, $0x1  }
0x38: {  	v3 =	vand.u32 $0x7, v3;
	v4 =	vand.u32 $0xFFFFFFF0, v26  }
0x39: {  	v3 =	vor.u32 v3, v4  }
0x3a: {  	v4 =	vperm.xlane v3, v0;
	_ =	sdelay $0x1  }
0x3b: {  	v3 =	vperm.xlane v3, v2;
	v4 =	vadd.s32 v1, v4;
	_ =	sdelay $0x1  }
0x3c: {  	v3 =	vadd.s32 v1, v3;
	_ =	sdelay $0x1  }
0x3d: {  	s2 =	simm.s32 $0x2100  }
0x3e: {  	[tilespmem:s2], [sflag:$0x1] =	stream.indirect_vreg.gather [hbm4b:s1+s3], $0x80, v4, vm0, $0xb8;
	[tilespmem:$0x10100] =	vst v63  }
0x3f: {  	s2 =	simm.s32 $0x2900  }
0x40: {  	[tilespmem:s2], [sflag:$0x1] =	stream.indirect_vreg.gather [hbm4b:s1+s3], $0x80, v3, vm0, $0xb8;
	[tilespmem:$0x10100] =	vst v63  }
0x41: {  	v3 =	vld [tilespmem:$0x30];
	_ =	sdelay $0x4  }
0x42: {  	v27 =	vshll.u32 v3, $0x1  }
0x43: {  	v3 =	vand.u32 $0x7, v3;
	v4 =	vand.u32 $0xFFFFFFF0, v27  }
0x44: {  	v3 =	vor.u32 v3, v4  }
0x45: {  	v4 =	vperm.xlane v3, v0;
	_ =	sdelay $0x1  }
0x46: {  	v3 =	vperm.xlane v3, v2;
	v4 =	vadd.s32 v1, v4;
	_ =	sdelay $0x1  }
0x47: {  	v3 =	vadd.s32 v1, v3;
	_ =	sdelay $0x1  }
0x48: {  	s2 =	simm.s32 $0x3100  }
0x49: {  	[tilespmem:s2], [sflag:$0x1] =	stream.indirect_vreg.gather [hbm4b:s1+s3], $0x80, v4, vm0, $0xb8;
	[tilespmem:$0x10100] =	vst v63  }
0x4a: {  	s2 =	simm.s32 $0x3900  }
0x4b: {  	[tilespmem:s2], [sflag:$0x1] =	stream.indirect_vreg.gather [hbm4b:s1+s3], $0x80, v3, vm0, $0xb8;
	[tilespmem:$0x10100] =	vst v63  }
0x4c: {  	v3 =	vld [tilespmem:$0x40];
	_ =	sdelay $0x4  }
0x4d: {  	v28 =	vshll.u32 v3, $0x1  }
0x4e: {  	v3 =	vand.u32 $0x7, v3;
	v4 =	vand.u32 $0xFFFFFFF0, v28  }
0x4f: {  	v3 =	vor.u32 v3, v4  }
0x50: {  	v4 =	vperm.xlane v3, v0;
	_ =	sdelay $0x1  }
0x51: {  	v3 =	vperm.xlane v3, v2;
	v4 =	vadd.s32 v1, v4;
	_ =	sdelay $0x1  }
0x52: {  	v3 =	vadd.s32 v1, v3;
	_ =	sdelay $0x1  }
0x53: {  	s2 =	simm.s32 $0x4100  }
0x54: {  	[tilespmem:s2], [sflag:$0x1] =	stream.indirect_vreg.gather [hbm4b:s1+s3], $0x80, v4, vm0, $0xb8;
	[tilespmem:$0x10100] =	vst v63  }
0x55: {  	s2 =	simm.s32 $0x4900  }
0x56: {  	[tilespmem:s2], [sflag:$0x1] =	stream.indirect_vreg.gather [hbm4b:s1+s3], $0x80, v3, vm0, $0xb8;
	[tilespmem:$0x10100] =	vst v63  }
0x57: {  	v3 =	vld [tilespmem:$0x50];
	_ =	sdelay $0x4  }
0x58: {  	v29 =	vshll.u32 v3, $0x1  }
0x59: {  	v3 =	vand.u32 $0x7, v3;
	v4 =	vand.u32 $0xFFFFFFF0, v29  }
0x5a: {  	v3 =	vor.u32 v3, v4  }
0x5b: {  	v4 =	vperm.xlane v3, v0;
	_ =	sdelay $0x1  }
0x5c: {  	v3 =	vperm.xlane v3, v2;
	v4 =	vadd.s32 v1, v4;
	_ =	sdelay $0x1  }
0x5d: {  	v3 =	vadd.s32 v1, v3;
	_ =	sdelay $0x2  }
0x5e: {  	[tilespmem:s17], [sflag:$0x1] =	stream.indirect_vreg.gather [hbm4b:s1+s3], $0x80, v4, vm0, $0xb8;
	[tilespmem:$0x10100] =	vst v63  }
0x5f: {  	_ = 	snop  }
0x60: {  	[tilespmem:s18], [sflag:$0x1] =	stream.indirect_vreg.gather [hbm4b:s1+s3], $0x80, v3, vm0, $0xb8;
	[tilespmem:$0x10100] =	vst v63  }
0x61: {  	v3 =	vld [tilespmem:$0x60];
	_ =	sdelay $0x4  }
0x62: {  	v30 =	vshll.u32 v3, $0x1  }
0x63: {  	v3 =	vand.u32 $0x7, v3;
	v4 =	vand.u32 $0xFFFFFFF0, v30  }
0x64: {  	v3 =	vor.u32 v3, v4  }
0x65: {  	v4 =	vperm.xlane v3, v0;
	_ =	sdelay $0x1  }
0x66: {  	v3 =	vperm.xlane v3, v2;
	v4 =	vadd.s32 v1, v4;
	_ =	sdelay $0x1  }
0x67: {  	v3 =	vadd.s32 v1, v3;
	_ =	sdelay $0x2  }
0x68: {  	[tilespmem:s19], [sflag:$0x1] =	stream.indirect_vreg.gather [hbm4b:s1+s3], $0x80, v4, vm0, $0xb8;
	[tilespmem:$0x10100] =	vst v63  }
0x69: {  	_ = 	snop  }
0x6a: {  	[tilespmem:s20], [sflag:$0x1] =	stream.indirect_vreg.gather [hbm4b:s1+s3], $0x80, v3, vm0, $0xb8;
	[tilespmem:$0x10100] =	vst v63  }
0x6b: {  	v3 =	vld [tilespmem:$0x70];
	_ =	sdelay $0x4  }
0x6c: {  	v31 =	vshll.u32 v3, $0x1  }
0x6d: {  	v3 =	vand.u32 $0x7, v3;
	v4 =	vand.u32 $0xFFFFFFF0, v31  }
0x6e: {  	v3 =	vor.u32 v3, v4  }
0x6f: {  	v4 =	vperm.xlane v3, v0;
	_ =	sdelay $0x1  }
0x70: {  	v3 =	vperm.xlane v3, v2;
	v4 =	vadd.s32 v1, v4;
	_ =	sdelay $0x1  }
0x71: {  	v3 =	vadd.s32 v1, v3;
	_ =	sdelay $0x2  }
0x72: {  	[tilespmem:s21], [sflag:$0x1] =	stream.indirect_vreg.gather [hbm4b:s1+s3], $0x80, v4, vm0, $0xb8;
	[tilespmem:$0x10100] =	vst v63  }
0x73: {  	_ = 	snop  }
0x74: {  	[tilespmem:s23], [sflag:$0x1] =	stream.indirect_vreg.gather [hbm4b:s1+s3], $0x80, v3, vm0, $0xb8;
	[tilespmem:$0x10100] =	vst v63  }
0x75: {  	s0 =	simm.s32 $0x80;
	s2 =	rddreg [dreg:$0x5]  }
0x76: {  	[tilespmem:s0], [sflag:$0x3] =	stream.linear.gather [hbm4b:s2+s3], $0x80, $0x38;
	[tilespmem:$0x10100] =	vst v63  }
0x77: {  	_ =	swait.ge [sflag:s5], $0x80  }
0x78: {  	[sflag:s5] =	ssyncset.done $0x0  }
0x79: {  	[sflag:s5] =	ssyncadd.s32 $0xFFFFFF80  }
0x7a: {  	v3 =	vld [tilespmem:$0x80];
	_ =	sdelay $0x4  }
0x7b: {  	v32 =	vshll.u32 v3, $0x1  }
0x7c: {  	v3 =	vand.u32 $0x7, v3;
	v4 =	vand.u32 $0xFFFFFFF0, v32  }
0x7d: {  	v3 =	vor.u32 v3, v4  }
0x7e: {  	v4 =	vperm.xlane v3, v0;
	_ =	sdelay $0x1  }
0x7f: {  	v3 =	vperm.xlane v3, v2;
	v4 =	vadd.s32 v1, v4;
	_ =	sdelay $0x1  }
0x80: {  	v3 =	vadd.s32 v1, v3;
	_ =	sdelay $0x2  }
0x81: {  	[tilespmem:s6], [sflag:$0x2] =	stream.indirect_vreg.gather [hbm4b:s1+s3], $0x80, v4, vm0, $0xb8;
	[tilespmem:$0x10100] =	vst v63  }
0x82: {  	_ = 	snop  }
0x83: {  	[tilespmem:s22], [sflag:$0x2] =	stream.indirect_vreg.gather [hbm4b:s1+s3], $0x80, v3, vm0, $0xb8;
	[tilespmem:$0x10100] =	vst v63  }
0x84: {  	v3 =	vld [tilespmem:$0x90];
	_ =	sdelay $0x4  }
0x85: {  	v33 =	vshll.u32 v3, $0x1  }
0x86: {  	v3 =	vand.u32 $0x7, v3;
	v4 =	vand.u32 $0xFFFFFFF0, v33  }
0x87: {  	v3 =	vor.u32 v3, v4  }
0x88: {  	v4 =	vperm.xlane v3, v0;
	_ =	sdelay $0x1  }
0x89: {  	v3 =	vperm.xlane v3, v2;
	v4 =	vadd.s32 v1, v4;
	_ =	sdelay $0x1  }
0x8a: {  	v3 =	vadd.s32 v1, v3;
	_ =	sdelay $0x2  }
0x8b: {  	[tilespmem:s24], [sflag:$0x2] =	stream.indirect_vreg.gather [hbm4b:s1+s3], $0x80, v4, vm0, $0xb8;
	[tilespmem:$0x10100] =	vst v63  }
0x8c: {  	_ = 	snop  }
0x8d: {  	[tilespmem:s25], [sflag:$0x2] =	stream.indirect_vreg.gather [hbm4b:s1+s3], $0x80, v3, vm0, $0xb8;
	[tilespmem:$0x10100] =	vst v63  }
0x8e: {  	v3 =	vld [tilespmem:$0xA0];
	_ =	sdelay $0x4  }
0x8f: {  	v34 =	vshll.u32 v3, $0x1  }
0x90: {  	v3 =	vand.u32 $0x7, v3;
	v4 =	vand.u32 $0xFFFFFFF0, v34  }
0x91: {  	v3 =	vor.u32 v3, v4  }
0x92: {  	v4 =	vperm.xlane v3, v0;
	_ =	sdelay $0x1  }
0x93: {  	v3 =	vperm.xlane v3, v2;
	v4 =	vadd.s32 v1, v4;
	_ =	sdelay $0x1  }
0x94: {  	v3 =	vadd.s32 v1, v3;
	_ =	sdelay $0x2  }
0x95: {  	[tilespmem:s26], [sflag:$0x2] =	stream.indirect_vreg.gather [hbm4b:s1+s3], $0x80, v4, vm0, $0xb8;
	[tilespmem:$0x10100] =	vst v63  }
0x96: {  	_ = 	snop  }
0x97: {  	[tilespmem:s28], [sflag:$0x2] =	stream.indirect_vreg.gather [hbm4b:s1+s3], $0x80, v3, vm0, $0xb8;
	[tilespmem:$0x10100] =	vst v63  }
0x98: {  	v3 =	vld [tilespmem:$0xB0];
	_ =	sdelay $0x4  }
0x99: {  	v35 =	vshll.u32 v3, $0x1  }
0x9a: {  	v3 =	vand.u32 $0x7, v3;
	v4 =	vand.u32 $0xFFFFFFF0, v35  }
0x9b: {  	v3 =	vor.u32 v3, v4  }
0x9c: {  	v4 =	vperm.xlane v3, v0;
	_ =	sdelay $0x1  }
0x9d: {  	v3 =	vperm.xlane v3, v2;
	v4 =	vadd.s32 v1, v4;
	_ =	sdelay $0x1  }
0x9e: {  	v3 =	vadd.s32 v1, v3;
	_ =	sdelay $0x2  }
0x9f: {  	[tilespmem:s29], [sflag:$0x2] =	stream.indirect_vreg.gather [hbm4b:s1+s3], $0x80, v4, vm0, $0xb8;
	[tilespmem:$0x10100] =	vst v63  }
0xa0: {  	_ = 	snop  }
0xa1: {  	[tilespmem:s7], [sflag:$0x2] =	stream.indirect_vreg.gather [hbm4b:s1+s3], $0x80, v3, vm0, $0xb8;
	[tilespmem:$0x10100] =	vst v63  }
0xa2: {  	v3 =	vld [tilespmem:$0xC0];
	_ =	sdelay $0x4  }
0xa3: {  	v36 =	vshll.u32 v3, $0x1  }
0xa4: {  	v3 =	vand.u32 $0x7, v3;
	v4 =	vand.u32 $0xFFFFFFF0, v36  }
0xa5: {  	v3 =	vor.u32 v3, v4  }
0xa6: {  	v4 =	vperm.xlane v3, v0;
	_ =	sdelay $0x1  }
0xa7: {  	v3 =	vperm.xlane v3, v2;
	v4 =	vadd.s32 v1, v4;
	_ =	sdelay $0x1  }
0xa8: {  	v3 =	vadd.s32 v1, v3;
	_ =	sdelay $0x2  }
0xa9: {  	[tilespmem:s8], [sflag:$0x2] =	stream.indirect_vreg.gather [hbm4b:s1+s3], $0x80, v4, vm0, $0xb8;
	[tilespmem:$0x10100] =	vst v63  }
0xaa: {  	_ = 	snop  }
0xab: {  	[tilespmem:s9], [sflag:$0x2] =	stream.indirect_vreg.gather [hbm4b:s1+s3], $0x80, v3, vm0, $0xb8;
	[tilespmem:$0x10100] =	vst v63  }
0xac: {  	v3 =	vld [tilespmem:$0xD0];
	_ =	sdelay $0x4  }
0xad: {  	v37 =	vshll.u32 v3, $0x1  }
0xae: {  	v3 =	vand.u32 $0x7, v3;
	v4 =	vand.u32 $0xFFFFFFF0, v37  }
0xaf: {  	v3 =	vor.u32 v3, v4  }
0xb0: {  	v4 =	vperm.xlane v3, v0;
	_ =	sdelay $0x1  }
0xb1: {  	v3 =	vperm.xlane v3, v2;
	v4 =	vadd.s32 v1, v4;
	_ =	sdelay $0x1  }
0xb2: {  	v3 =	vadd.s32 v1, v3;
	_ =	sdelay $0x2  }
0xb3: {  	[tilespmem:s10], [sflag:$0x2] =	stream.indirect_vreg.gather [hbm4b:s1+s3], $0x80, v4, vm0, $0xb8;
	[tilespmem:$0x10100] =	vst v63  }
0xb4: {  	_ = 	snop  }
0xb5: {  	[tilespmem:s11], [sflag:$0x2] =	stream.indirect_vreg.gather [hbm4b:s1+s3], $0x80, v3, vm0, $0xb8;
	[tilespmem:$0x10100] =	vst v63  }
0xb6: {  	v3 =	vld [tilespmem:$0xE0];
	_ =	sdelay $0x4  }
0xb7: {  	v38 =	vshll.u32 v3, $0x1  }
0xb8: {  	v3 =	vand.u32 $0x7, v3;
	v4 =	vand.u32 $0xFFFFFFF0, v38  }
0xb9: {  	v3 =	vor.u32 v3, v4  }
0xba: {  	v4 =	vperm.xlane v3, v0;
	_ =	sdelay $0x1  }
0xbb: {  	v3 =	vperm.xlane v3, v2;
	v4 =	vadd.s32 v1, v4;
	_ =	sdelay $0x1  }
0xbc: {  	v3 =	vadd.s32 v1, v3;
	_ =	sdelay $0x2  }
0xbd: {  	[tilespmem:s12], [sflag:$0x2] =	stream.indirect_vreg.gather [hbm4b:s1+s3], $0x80, v4, vm0, $0xb8;
	[tilespmem:$0x10100] =	vst v63  }
0xbe: {  	_ = 	snop  }
0xbf: {  	[tilespmem:s13], [sflag:$0x2] =	stream.indirect_vreg.gather [hbm4b:s1+s3], $0x80, v3, vm0, $0xb8;
	[tilespmem:$0x10100] =	vst v63  }
0xc0: {  	v3 =	vld [tilespmem:$0xF0];
	_ =	sdelay $0x4  }
0xc1: {  	v39 =	vshll.u32 v3, $0x1  }
0xc2: {  	v3 =	vand.u32 $0x7, v3;
	v4 =	vand.u32 $0xFFFFFFF0, v39  }
0xc3: {  	v3 =	vor.u32 v3, v4  }
0xc4: {  	v4 =	vperm.xlane v3, v0;
	_ =	sdelay $0x1  }
0xc5: {  	v3 =	vperm.xlane v3, v2;
	v4 =	vadd.s32 v1, v4;
	_ =	sdelay $0x1  }
0xc6: {  	v3 =	vadd.s32 v1, v3;
	_ =	sdelay $0x2  }
0xc7: {  	[tilespmem:s14], [sflag:$0x2] =	stream.indirect_vreg.gather [hbm4b:s1+s3], $0x80, v4, vm0, $0xb8;
	[tilespmem:$0x10100] =	vst v63  }
0xc8: {  	_ = 	snop  }
0xc9: {  	[tilespmem:s15], [sflag:$0x2] =	stream.indirect_vreg.gather [hbm4b:s1+s3], $0x80, v3, vm0, $0xb8;
	[tilespmem:$0x10100] =	vst v63  }
0xca: {  	_ =	swait.ge [sflag:s30], $0x8000  }
0xcb: {  	[sflag:s30] =	ssyncset.done $0x0  }
0xcc: {  	s2 =	rddreg [dreg:$0x6];
	[sflag:s30] =	ssyncadd.s32 $0xFFFF8000  }
0xcd: {  	[hbm4b:s2+s3] =	stream.linear.scatter [tilespmem:s16], [sflag:$0x3], $0x8000, $0x38;
	[tilespmem:$0x10100] =	vst v63  }
0xce: {  	_ =	swait.ge [sflag:s5], $0x8000  }
0xcf: {  	[sflag:s5] =	ssyncset.done $0x0  }
0xd0: {  	s2 =	rddreg [dreg:$0x7];
	[sflag:s5] =	ssyncadd.s32 $0xFFFF8000  }
0xd1: {  	[tilespmem:s3], [sflag:$0x3] =	stream.linear.gather [hbm4b:s2+s3], $0x80, $0x38;
	[tilespmem:$0x10100] =	vst v63  }
0xd2: {  	_ =	swait.ge [sflag:s5], $0x80  }
0xd3: {  	[sflag:s5] =	ssyncset.done $0x0  }
0xd4: {  	[sflag:s5] =	ssyncadd.s32 $0xFFFFFF80  }
0xd5: {  	v3 =	vld [tilespmem:$0x0];
	_ =	sdelay $0x4  }
0xd6: {  	v40 =	vshll.u32 v3, $0x1  }
0xd7: {  	v3 =	vand.u32 $0x7, v3;
	v4 =	vand.u32 $0xFFFFFFF0, v40  }
0xd8: {  	v3 =	vor.u32 v3, v4  }
0xd9: {  	v4 =	vperm.xlane v3, v0;
	_ =	sdelay $0x1  }
0xda: {  	v3 =	vperm.xlane v3, v2;
	v4 =	vadd.s32 v1, v4;
	_ =	sdelay $0x1  }
0xdb: {  	v3 =	vadd.s32 v1, v3;
	_ =	sdelay $0x2  }
0xdc: {  	[tilespmem:s16], [sflag:$0x1] =	stream.indirect_vreg.gather [hbm4b:s1+s3], $0x80, v4, vm0, $0xb8;
	[tilespmem:$0x10100] =	vst v63  }
0xdd: {  	s2 =	simm.s32 $0x900  }
0xde: {  	[tilespmem:s2], [sflag:$0x1] =	stream.indirect_vreg.gather [hbm4b:s1+s3], $0x80, v3, vm0, $0xb8;
	[tilespmem:$0x10100] =	vst v63  }
0xdf: {  	v3 =	vld [tilespmem:$0x10];
	_ =	sdelay $0x4  }
0xe0: {  	v41 =	vshll.u32 v3, $0x1  }
0xe1: {  	v3 =	vand.u32 $0x7, v3;
	v4 =	vand.u32 $0xFFFFFFF0, v41  }
0xe2: {  	v3 =	vor.u32 v3, v4  }
0xe3: {  	v4 =	vperm.xlane v3, v0;
	_ =	sdelay $0x1  }
0xe4: {  	v3 =	vperm.xlane v3, v2;
	v4 =	vadd.s32 v1, v4;
	_ =	sdelay $0x1  }
0xe5: {  	v3 =	vadd.s32 v1, v3;
	_ =	sdelay $0x1  }
0xe6: {  	s2 =	simm.s32 $0x1100  }
0xe7: {  	[tilespmem:s2], [sflag:$0x1] =	stream.indirect_vreg.gather [hbm4b:s1+s3], $0x80, v4, vm0, $0xb8;
	[tilespmem:$0x10100] =	vst v63  }
0xe8: {  	s2 =	simm.s32 $0x1900  }
0xe9: {  	[tilespmem:s2], [sflag:$0x1] =	stream.indirect_vreg.gather [hbm4b:s1+s3], $0x80, v3, vm0, $0xb8;
	[tilespmem:$0x10100] =	vst v63  }
0xea: {  	v3 =	vld [tilespmem:$0x20];
	_ =	sdelay $0x4  }
0xeb: {  	v42 =	vshll.u32 v3, $0x1  }
0xec: {  	v3 =	vand.u32 $0x7, v3;
	v4 =	vand.u32 $0xFFFFFFF0, v42  }
0xed: {  	v3 =	vor.u32 v3, v4  }
0xee: {  	v4 =	vperm.xlane v3, v0;
	_ =	sdelay $0x1  }
0xef: {  	v3 =	vperm.xlane v3, v2;
	v4 =	vadd.s32 v1, v4;
	_ =	sdelay $0x1  }
0xf0: {  	v3 =	vadd.s32 v1, v3;
	_ =	sdelay $0x1  }
0xf1: {  	s2 =	simm.s32 $0x2100  }
0xf2: {  	[tilespmem:s2], [sflag:$0x1] =	stream.indirect_vreg.gather [hbm4b:s1+s3], $0x80, v4, vm0, $0xb8;
	[tilespmem:$0x10100] =	vst v63  }
0xf3: {  	s2 =	simm.s32 $0x2900  }
0xf4: {  	[tilespmem:s2], [sflag:$0x1] =	stream.indirect_vreg.gather [hbm4b:s1+s3], $0x80, v3, vm0, $0xb8;
	[tilespmem:$0x10100] =	vst v63  }
0xf5: {  	v3 =	vld [tilespmem:$0x30];
	_ =	sdelay $0x4  }
0xf6: {  	v43 =	vshll.u32 v3, $0x1  }
0xf7: {  	v3 =	vand.u32 $0x7, v3;
	v4 =	vand.u32 $0xFFFFFFF0, v43  }
0xf8: {  	v3 =	vor.u32 v3, v4  }
0xf9: {  	v4 =	vperm.xlane v3, v0;
	_ =	sdelay $0x1  }
0xfa: {  	v3 =	vperm.xlane v3, v2;
	v4 =	vadd.s32 v1, v4;
	_ =	sdelay $0x1  }
0xfb: {  	v3 =	vadd.s32 v1, v3;
	_ =	sdelay $0x1  }
0xfc: {  	s2 =	simm.s32 $0x3100  }
0xfd: {  	[tilespmem:s2], [sflag:$0x1] =	stream.indirect_vreg.gather [hbm4b:s1+s3], $0x80, v4, vm0, $0xb8;
	[tilespmem:$0x10100] =	vst v63  }
0xfe: {  	s2 =	simm.s32 $0x3900  }
0xff: {  	[tilespmem:s2], [sflag:$0x1] =	stream.indirect_vreg.gather [hbm4b:s1+s3], $0x80, v3, vm0, $0xb8;
	[tilespmem:$0x10100] =	vst v63  }
0x100: {  	v3 =	vld [tilespmem:$0x40];
	_ =	sdelay $0x4  }
0x101: {  	v44 =	vshll.u32 v3, $0x1  }
0x102: {  	v3 =	vand.u32 $0x7, v3;
	v4 =	vand.u32 $0xFFFFFFF0, v44  }
0x103: {  	v3 =	vor.u32 v3, v4  }
0x104: {  	v4 =	vperm.xlane v3, v0;
	_ =	sdelay $0x1  }
0x105: {  	v3 =	vperm.xlane v3, v2;
	v4 =	vadd.s32 v1, v4;
	_ =	sdelay $0x1  }
0x106: {  	v3 =	vadd.s32 v1, v3;
	_ =	sdelay $0x1  }
0x107: {  	s2 =	simm.s32 $0x4100  }
0x108: {  	[tilespmem:s2], [sflag:$0x1] =	stream.indirect_vreg.gather [hbm4b:s1+s3], $0x80, v4, vm0, $0xb8;
	[tilespmem:$0x10100] =	vst v63  }
0x109: {  	s2 =	simm.s32 $0x4900  }
0x10a: {  	[tilespmem:s2], [sflag:$0x1] =	stream.indirect_vreg.gather [hbm4b:s1+s3], $0x80, v3, vm0, $0xb8;
	[tilespmem:$0x10100] =	vst v63  }
0x10b: {  	v3 =	vld [tilespmem:$0x50];
	_ =	sdelay $0x4  }
0x10c: {  	v45 =	vshll.u32 v3, $0x1  }
0x10d: {  	v3 =	vand.u32 $0x7, v3;
	v4 =	vand.u32 $0xFFFFFFF0, v45  }
0x10e: {  	v3 =	vor.u32 v3, v4  }
0x10f: {  	v4 =	vperm.xlane v3, v0;
	_ =	sdelay $0x1  }
0x110: {  	v3 =	vperm.xlane v3, v2;
	v4 =	vadd.s32 v1, v4;
	_ =	sdelay $0x1  }
0x111: {  	v3 =	vadd.s32 v1, v3;
	_ =	sdelay $0x2  }
0x112: {  	[tilespmem:s17], [sflag:$0x1] =	stream.indirect_vreg.gather [hbm4b:s1+s3], $0x80, v4, vm0, $0xb8;
	[tilespmem:$0x10100] =	vst v63  }
0x113: {  	_ = 	snop  }
0x114: {  	[tilespmem:s18], [sflag:$0x1] =	stream.indirect_vreg.gather [hbm4b:s1+s3], $0x80, v3, vm0, $0xb8;
	[tilespmem:$0x10100] =	vst v63  }
0x115: {  	v3 =	vld [tilespmem:$0x60];
	_ =	sdelay $0x4  }
0x116: {  	v46 =	vshll.u32 v3, $0x1  }
0x117: {  	v3 =	vand.u32 $0x7, v3;
	v4 =	vand.u32 $0xFFFFFFF0, v46  }
0x118: {  	v3 =	vor.u32 v3, v4  }
0x119: {  	v4 =	vperm.xlane v3, v0;
	_ =	sdelay $0x1  }
0x11a: {  	v3 =	vperm.xlane v3, v2;
	v4 =	vadd.s32 v1, v4;
	_ =	sdelay $0x1  }
0x11b: {  	v3 =	vadd.s32 v1, v3;
	_ =	sdelay $0x2  }
0x11c: {  	[tilespmem:s19], [sflag:$0x1] =	stream.indirect_vreg.gather [hbm4b:s1+s3], $0x80, v4, vm0, $0xb8;
	[tilespmem:$0x10100] =	vst v63  }
0x11d: {  	_ = 	snop  }
0x11e: {  	[tilespmem:s20], [sflag:$0x1] =	stream.indirect_vreg.gather [hbm4b:s1+s3], $0x80, v3, vm0, $0xb8;
	[tilespmem:$0x10100] =	vst v63  }
0x11f: {  	v3 =	vld [tilespmem:$0x70];
	_ =	sdelay $0x4  }
0x120: {  	v47 =	vshll.u32 v3, $0x1  }
0x121: {  	v3 =	vand.u32 $0x7, v3;
	v4 =	vand.u32 $0xFFFFFFF0, v47  }
0x122: {  	v3 =	vor.u32 v3, v4  }
0x123: {  	v4 =	vperm.xlane v3, v0;
	_ =	sdelay $0x1  }
0x124: {  	v3 =	vperm.xlane v3, v2;
	v4 =	vadd.s32 v1, v4;
	_ =	sdelay $0x1  }
0x125: {  	v3 =	vadd.s32 v1, v3;
	_ =	sdelay $0x2  }
0x126: {  	[tilespmem:s21], [sflag:$0x1] =	stream.indirect_vreg.gather [hbm4b:s1+s3], $0x80, v4, vm0, $0xb8;
	[tilespmem:$0x10100] =	vst v63  }
0x127: {  	_ = 	snop  }
0x128: {  	[tilespmem:s23], [sflag:$0x1] =	stream.indirect_vreg.gather [hbm4b:s1+s3], $0x80, v3, vm0, $0xb8;
	[tilespmem:$0x10100] =	vst v63  }
0x129: {  	_ =	swait.ge [sflag:s31], $0x8000  }
0x12a: {  	[sflag:s31] =	ssyncset.done $0x0  }
0x12b: {  	s2 =	rddreg [dreg:$0x8];
	[sflag:s31] =	ssyncadd.s32 $0xFFFF8000  }
0x12c: {  	[hbm4b:s2+s3] =	stream.linear.scatter [tilespmem:s6], [sflag:$0x3], $0x8000, $0x38;
	[tilespmem:$0x10100] =	vst v63  }
0x12d: {  	_ =	swait.ge [sflag:s5], $0x8000  }
0x12e: {  	[sflag:s5] =	ssyncset.done $0x0  }
0x12f: {  	s2 =	rddreg [dreg:$0x9];
	[sflag:s5] =	ssyncadd.s32 $0xFFFF8000  }
0x130: {  	[tilespmem:s0], [sflag:$0x3] =	stream.linear.gather [hbm4b:s2+s3], $0x80, $0x38;
	[tilespmem:$0x10100] =	vst v63  }
0x131: {  	_ =	swait.ge [sflag:s5], $0x80  }
0x132: {  	[sflag:s5] =	ssyncset.done $0x0  }
0x133: {  	[sflag:s5] =	ssyncadd.s32 $0xFFFFFF80  }
0x134: {  	v3 =	vld [tilespmem:$0x80];
	_ =	sdelay $0x4  }
0x135: {  	v48 =	vshll.u32 v3, $0x1  }
0x136: {  	v3 =	vand.u32 $0x7, v3;
	v4 =	vand.u32 $0xFFFFFFF0, v48  }
0x137: {  	v3 =	vor.u32 v3, v4  }
0x138: {  	v4 =	vperm.xlane v3, v0;
	_ =	sdelay $0x1  }
0x139: {  	v3 =	vperm.xlane v3, v2;
	v4 =	vadd.s32 v1, v4;
	_ =	sdelay $0x1  }
0x13a: {  	v3 =	vadd.s32 v1, v3;
	_ =	sdelay $0x2  }
0x13b: {  	[tilespmem:s6], [sflag:$0x2] =	stream.indirect_vreg.gather [hbm4b:s1+s3], $0x80, v4, vm0, $0xb8;
	[tilespmem:$0x10100] =	vst v63  }
0x13c: {  	_ = 	snop  }
0x13d: {  	[tilespmem:s22], [sflag:$0x2] =	stream.indirect_vreg.gather [hbm4b:s1+s3], $0x80, v3, vm0, $0xb8;
	[tilespmem:$0x10100] =	vst v63  }
0x13e: {  	v3 =	vld [tilespmem:$0x90];
	_ =	sdelay $0x4  }
0x13f: {  	v49 =	vshll.u32 v3, $0x1  }
0x140: {  	v3 =	vand.u32 $0x7, v3;
	v4 =	vand.u32 $0xFFFFFFF0, v49  }
0x141: {  	v3 =	vor.u32 v3, v4  }
0x142: {  	v4 =	vperm.xlane v3, v0;
	_ =	sdelay $0x1  }
0x143: {  	v3 =	vperm.xlane v3, v2;
	v4 =	vadd.s32 v1, v4;
	_ =	sdelay $0x1  }
0x144: {  	v3 =	vadd.s32 v1, v3;
	_ =	sdelay $0x2  }
0x145: {  	[tilespmem:s24], [sflag:$0x2] =	stream.indirect_vreg.gather [hbm4b:s1+s3], $0x80, v4, vm0, $0xb8;
	[tilespmem:$0x10100] =	vst v63  }
0x146: {  	_ = 	snop  }
0x147: {  	[tilespmem:s25], [sflag:$0x2] =	stream.indirect_vreg.gather [hbm4b:s1+s3], $0x80, v3, vm0, $0xb8;
	[tilespmem:$0x10100] =	vst v63  }
0x148: {  	v3 =	vld [tilespmem:$0xA0];
	_ =	sdelay $0x4  }
0x149: {  	v50 =	vshll.u32 v3, $0x1  }
0x14a: {  	v3 =	vand.u32 $0x7, v3;
	v4 =	vand.u32 $0xFFFFFFF0, v50  }
0x14b: {  	v3 =	vor.u32 v3, v4  }
0x14c: {  	v4 =	vperm.xlane v3, v0;
	_ =	sdelay $0x1  }
0x14d: {  	v3 =	vperm.xlane v3, v2;
	v4 =	vadd.s32 v1, v4;
	_ =	sdelay $0x1  }
0x14e: {  	v3 =	vadd.s32 v1, v3;
	_ =	sdelay $0x2  }
0x14f: {  	[tilespmem:s26], [sflag:$0x2] =	stream.indirect_vreg.gather [hbm4b:s1+s3], $0x80, v4, vm0, $0xb8;
	[tilespmem:$0x10100] =	vst v63  }
0x150: {  	_ = 	snop  }
0x151: {  	[tilespmem:s28], [sflag:$0x2] =	stream.indirect_vreg.gather [hbm4b:s1+s3], $0x80, v3, vm0, $0xb8;
	[tilespmem:$0x10100] =	vst v63  }
0x152: {  	v3 =	vld [tilespmem:$0xB0];
	_ =	sdelay $0x4  }
0x153: {  	v51 =	vshll.u32 v3, $0x1  }
0x154: {  	v3 =	vand.u32 $0x7, v3;
	v4 =	vand.u32 $0xFFFFFFF0, v51  }
0x155: {  	v3 =	vor.u32 v3, v4  }
0x156: {  	v4 =	vperm.xlane v3, v0;
	_ =	sdelay $0x1  }
0x157: {  	v3 =	vperm.xlane v3, v2;
	v4 =	vadd.s32 v1, v4;
	_ =	sdelay $0x1  }
0x158: {  	v3 =	vadd.s32 v1, v3;
	_ =	sdelay $0x2  }
0x159: {  	[tilespmem:s29], [sflag:$0x2] =	stream.indirect_vreg.gather [hbm4b:s1+s3], $0x80, v4, vm0, $0xb8;
	[tilespmem:$0x10100] =	vst v63  }
0x15a: {  	_ = 	snop  }
0x15b: {  	[tilespmem:s7], [sflag:$0x2] =	stream.indirect_vreg.gather [hbm4b:s1+s3], $0x80, v3, vm0, $0xb8;
	[tilespmem:$0x10100] =	vst v63  }
0x15c: {  	v3 =	vld [tilespmem:$0xC0];
	_ =	sdelay $0x4  }
0x15d: {  	v52 =	vshll.u32 v3, $0x1  }
0x15e: {  	v3 =	vand.u32 $0x7, v3;
	v4 =	vand.u32 $0xFFFFFFF0, v52  }
0x15f: {  	v3 =	vor.u32 v3, v4  }
0x160: {  	v4 =	vperm.xlane v3, v0;
	_ =	sdelay $0x1  }
0x161: {  	v3 =	vperm.xlane v3, v2;
	v4 =	vadd.s32 v1, v4;
	_ =	sdelay $0x1  }
0x162: {  	v3 =	vadd.s32 v1, v3;
	_ =	sdelay $0x2  }
0x163: {  	[tilespmem:s8], [sflag:$0x2] =	stream.indirect_vreg.gather [hbm4b:s1+s3], $0x80, v4, vm0, $0xb8;
	[tilespmem:$0x10100] =	vst v63  }
0x164: {  	_ = 	snop  }
0x165: {  	[tilespmem:s9], [sflag:$0x2] =	stream.indirect_vreg.gather [hbm4b:s1+s3], $0x80, v3, vm0, $0xb8;
	[tilespmem:$0x10100] =	vst v63  }
0x166: {  	v3 =	vld [tilespmem:$0xD0];
	_ =	sdelay $0x4  }
0x167: {  	v53 =	vshll.u32 v3, $0x1  }
0x168: {  	v3 =	vand.u32 $0x7, v3;
	v4 =	vand.u32 $0xFFFFFFF0, v53  }
0x169: {  	v3 =	vor.u32 v3, v4  }
0x16a: {  	v4 =	vperm.xlane v3, v0;
	_ =	sdelay $0x1  }
0x16b: {  	v3 =	vperm.xlane v3, v2;
	v4 =	vadd.s32 v1, v4;
	_ =	sdelay $0x1  }
0x16c: {  	v3 =	vadd.s32 v1, v3;
	_ =	sdelay $0x2  }
0x16d: {  	[tilespmem:s10], [sflag:$0x2] =	stream.indirect_vreg.gather [hbm4b:s1+s3], $0x80, v4, vm0, $0xb8;
	[tilespmem:$0x10100] =	vst v63  }
0x16e: {  	_ = 	snop  }
0x16f: {  	[tilespmem:s11], [sflag:$0x2] =	stream.indirect_vreg.gather [hbm4b:s1+s3], $0x80, v3, vm0, $0xb8;
	[tilespmem:$0x10100] =	vst v63  }
0x170: {  	v3 =	vld [tilespmem:$0xE0];
	_ =	sdelay $0x4  }
0x171: {  	v54 =	vshll.u32 v3, $0x1  }
0x172: {  	v3 =	vand.u32 $0x7, v3;
	v4 =	vand.u32 $0xFFFFFFF0, v54  }
0x173: {  	v3 =	vor.u32 v3, v4  }
0x174: {  	v4 =	vperm.xlane v3, v0;
	_ =	sdelay $0x1  }
0x175: {  	v3 =	vperm.xlane v3, v2;
	v4 =	vadd.s32 v1, v4;
	_ =	sdelay $0x1  }
0x176: {  	v3 =	vadd.s32 v1, v3;
	_ =	sdelay $0x2  }
0x177: {  	[tilespmem:s12], [sflag:$0x2] =	stream.indirect_vreg.gather [hbm4b:s1+s3], $0x80, v4, vm0, $0xb8;
	[tilespmem:$0x10100] =	vst v63  }
0x178: {  	_ = 	snop  }
0x179: {  	[tilespmem:s13], [sflag:$0x2] =	stream.indirect_vreg.gather [hbm4b:s1+s3], $0x80, v3, vm0, $0xb8;
	[tilespmem:$0x10100] =	vst v63  }
0x17a: {  	v3 =	vld [tilespmem:$0xF0];
	_ =	sdelay $0x4  }
0x17b: {  	v55 =	vshll.u32 v3, $0x1  }
0x17c: {  	v3 =	vand.u32 $0x7, v3;
	v4 =	vand.u32 $0xFFFFFFF0, v55  }
0x17d: {  	v3 =	vor.u32 v3, v4  }
0x17e: {  	v4 =	vperm.xlane v3, v0;
	_ =	sdelay $0x1  }
0x17f: {  	v3 =	vperm.xlane v3, v2;
	v4 =	vadd.s32 v1, v4;
	_ =	sdelay $0x1  }
0x180: {  	v3 =	vadd.s32 v1, v3;
	_ =	sdelay $0x2  }
0x181: {  	[tilespmem:s14], [sflag:$0x2] =	stream.indirect_vreg.gather [hbm4b:s1+s3], $0x80, v4, vm0, $0xb8;
	[tilespmem:$0x10100] =	vst v63  }
0x182: {  	_ = 	snop  }
0x183: {  	[tilespmem:s15], [sflag:$0x2] =	stream.indirect_vreg.gather [hbm4b:s1+s3], $0x80, v3, vm0, $0xb8;
	[tilespmem:$0x10100] =	vst v63  }
0x184: {  	_ =	swait.ge [sflag:s30], $0x8000  }
0x185: {  	[sflag:s30] =	ssyncset.done $0x0  }
0x186: {  	s0 =	rddreg [dreg:$0xa];
	[sflag:s30] =	ssyncadd.s32 $0xFFFF8000  }
0x187: {  	[hbm4b:s0+s3] =	stream.linear.scatter [tilespmem:s16], [sflag:$0x3], $0x8000, $0x38;
	[tilespmem:$0x10100] =	vst v63  }
0x188: {  	_ =	swait.ge [sflag:s5], $0x8000  }
0x189: {  	[sflag:s5] =	ssyncset.done $0x0  }
0x18a: {  	s0 =	rddreg [dreg:$0xb];
	[sflag:s5] =	ssyncadd.s32 $0xFFFF8000  }
0x18b: {  	[tilespmem:s3], [sflag:$0x3] =	stream.linear.gather [hbm4b:s0+s3], $0x80, $0x38;
	[tilespmem:$0x10100] =	vst v63  }
0x18c: {  	_ =	swait.ge [sflag:s5], $0x80  }
0x18d: {  	[sflag:s5] =	ssyncset.done $0x0  }
0x18e: {  	[sflag:s5] =	ssyncadd.s32 $0xFFFFFF80  }
0x18f: {  	v3 =	vld [tilespmem:$0x0];
	_ =	sdelay $0x4  }
0x190: {  	v56 =	vshll.u32 v3, $0x1  }
0x191: {  	v3 =	vand.u32 $0x7, v3;
	v4 =	vand.u32 $0xFFFFFFF0, v56  }
0x192: {  	v3 =	vor.u32 v3, v4  }
0x193: {  	v4 =	vperm.xlane v3, v0;
	_ =	sdelay $0x1  }
0x194: {  	v3 =	vperm.xlane v3, v2;
	v4 =	vadd.s32 v1, v4;
	_ =	sdelay $0x1  }
0x195: {  	v3 =	vadd.s32 v1, v3;
	_ =	sdelay $0x2  }
0x196: {  	[tilespmem:s16], [sflag:$0x1] =	stream.indirect_vreg.gather [hbm4b:s1+s3], $0x80, v4, vm0, $0xb8;
	[tilespmem:$0x10100] =	vst v63  }
0x197: {  	s2 =	simm.s32 $0x900  }
0x198: {  	[tilespmem:s2], [sflag:$0x1] =	stream.indirect_vreg.gather [hbm4b:s1+s3], $0x80, v3, vm0, $0xb8;
	[tilespmem:$0x10100] =	vst v63  }
0x199: {  	v3 =	vld [tilespmem:$0x10];
	_ =	sdelay $0x4  }
0x19a: {  	v57 =	vshll.u32 v3, $0x1  }
0x19b: {  	v3 =	vand.u32 $0x7, v3;
	v4 =	vand.u32 $0xFFFFFFF0, v57  }
0x19c: {  	v3 =	vor.u32 v3, v4  }
0x19d: {  	v4 =	vperm.xlane v3, v0;
	_ =	sdelay $0x1  }
0x19e: {  	v3 =	vperm.xlane v3, v2;
	v4 =	vadd.s32 v1, v4;
	_ =	sdelay $0x1  }
0x19f: {  	v3 =	vadd.s32 v1, v3;
	_ =	sdelay $0x1  }
0x1a0: {  	s2 =	simm.s32 $0x1100  }
0x1a1: {  	[tilespmem:s2], [sflag:$0x1] =	stream.indirect_vreg.gather [hbm4b:s1+s3], $0x80, v4, vm0, $0xb8;
	[tilespmem:$0x10100] =	vst v63  }
0x1a2: {  	s2 =	simm.s32 $0x1900  }
0x1a3: {  	[tilespmem:s2], [sflag:$0x1] =	stream.indirect_vreg.gather [hbm4b:s1+s3], $0x80, v3, vm0, $0xb8;
	[tilespmem:$0x10100] =	vst v63  }
0x1a4: {  	v3 =	vld [tilespmem:$0x20];
	_ =	sdelay $0x4  }
0x1a5: {  	v58 =	vshll.u32 v3, $0x1  }
0x1a6: {  	v3 =	vand.u32 $0x7, v3;
	v4 =	vand.u32 $0xFFFFFFF0, v58  }
0x1a7: {  	v3 =	vor.u32 v3, v4  }
0x1a8: {  	v4 =	vperm.xlane v3, v0;
	_ =	sdelay $0x1  }
0x1a9: {  	v3 =	vperm.xlane v3, v2;
	v4 =	vadd.s32 v1, v4;
	_ =	sdelay $0x1  }
0x1aa: {  	v3 =	vadd.s32 v1, v3;
	_ =	sdelay $0x1  }
0x1ab: {  	s2 =	simm.s32 $0x2100  }
0x1ac: {  	[tilespmem:s2], [sflag:$0x1] =	stream.indirect_vreg.gather [hbm4b:s1+s3], $0x80, v4, vm0, $0xb8;
	[tilespmem:$0x10100] =	vst v63  }
0x1ad: {  	s2 =	simm.s32 $0x2900  }
0x1ae: {  	[tilespmem:s2], [sflag:$0x1] =	stream.indirect_vreg.gather [hbm4b:s1+s3], $0x80, v3, vm0, $0xb8;
	[tilespmem:$0x10100] =	vst v63  }
0x1af: {  	v3 =	vld [tilespmem:$0x30];
	_ =	sdelay $0x4  }
0x1b0: {  	v59 =	vshll.u32 v3, $0x1  }
0x1b1: {  	v3 =	vand.u32 $0x7, v3;
	v4 =	vand.u32 $0xFFFFFFF0, v59  }
0x1b2: {  	v3 =	vor.u32 v3, v4  }
0x1b3: {  	v4 =	vperm.xlane v3, v0;
	_ =	sdelay $0x1  }
0x1b4: {  	v3 =	vperm.xlane v3, v2;
	v4 =	vadd.s32 v1, v4;
	_ =	sdelay $0x1  }
0x1b5: {  	v3 =	vadd.s32 v1, v3;
	_ =	sdelay $0x1  }
0x1b6: {  	s2 =	simm.s32 $0x3100  }
0x1b7: {  	[tilespmem:s2], [sflag:$0x1] =	stream.indirect_vreg.gather [hbm4b:s1+s3], $0x80, v4, vm0, $0xb8;
	[tilespmem:$0x10100] =	vst v63  }
0x1b8: {  	s2 =	simm.s32 $0x3900  }
0x1b9: {  	[tilespmem:s2], [sflag:$0x1] =	stream.indirect_vreg.gather [hbm4b:s1+s3], $0x80, v3, vm0, $0xb8;
	[tilespmem:$0x10100] =	vst v63  }
0x1ba: {  	v3 =	vld [tilespmem:$0x40];
	_ =	sdelay $0x4  }
0x1bb: {  	v60 =	vshll.u32 v3, $0x1  }
0x1bc: {  	v3 =	vand.u32 $0x7, v3;
	v4 =	vand.u32 $0xFFFFFFF0, v60  }
0x1bd: {  	v3 =	vor.u32 v3, v4  }
0x1be: {  	v4 =	vperm.xlane v3, v0;
	_ =	sdelay $0x1  }
0x1bf: {  	v3 =	vperm.xlane v3, v2;
	v4 =	vadd.s32 v1, v4;
	_ =	sdelay $0x1  }
0x1c0: {  	v3 =	vadd.s32 v1, v3;
	_ =	sdelay $0x1  }
0x1c1: {  	s2 =	simm.s32 $0x4100  }
0x1c2: {  	[tilespmem:s2], [sflag:$0x1] =	stream.indirect_vreg.gather [hbm4b:s1+s3], $0x80, v4, vm0, $0xb8;
	[tilespmem:$0x10100] =	vst v63  }
0x1c3: {  	s2 =	simm.s32 $0x4900  }
0x1c4: {  	[tilespmem:s2], [sflag:$0x1] =	stream.indirect_vreg.gather [hbm4b:s1+s3], $0x80, v3, vm0, $0xb8;
	[tilespmem:$0x10100] =	vst v63  }
0x1c5: {  	v3 =	vld [tilespmem:$0x50];
	_ =	sdelay $0x4  }
0x1c6: {  	v61 =	vshll.u32 v3, $0x1  }
0x1c7: {  	v3 =	vand.u32 $0x7, v3;
	v4 =	vand.u32 $0xFFFFFFF0, v61  }
0x1c8: {  	v3 =	vor.u32 v3, v4  }
0x1c9: {  	v4 =	vperm.xlane v3, v0;
	_ =	sdelay $0x1  }
0x1ca: {  	v3 =	vperm.xlane v3, v2;
	v4 =	vadd.s32 v1, v4;
	_ =	sdelay $0x1  }
0x1cb: {  	v3 =	vadd.s32 v1, v3;
	_ =	sdelay $0x2  }
0x1cc: {  	[tilespmem:s17], [sflag:$0x1] =	stream.indirect_vreg.gather [hbm4b:s1+s3], $0x80, v4, vm0, $0xb8;
	[tilespmem:$0x10100] =	vst v63  }
0x1cd: {  	_ = 	snop  }
0x1ce: {  	[tilespmem:s18], [sflag:$0x1] =	stream.indirect_vreg.gather [hbm4b:s1+s3], $0x80, v3, vm0, $0xb8;
	[tilespmem:$0x10100] =	vst v63  }
0x1cf: {  	v3 =	vld [tilespmem:$0x60];
	_ =	sdelay $0x4  }
0x1d0: {  	v62 =	vshll.u32 v3, $0x1  }
0x1d1: {  	v3 =	vand.u32 $0x7, v3;
	v4 =	vand.u32 $0xFFFFFFF0, v62  }
0x1d2: {  	v3 =	vor.u32 v3, v4  }
0x1d3: {  	v4 =	vperm.xlane v3, v0;
	_ =	sdelay $0x1  }
0x1d4: {  	v3 =	vperm.xlane v3, v2;
	v4 =	vadd.s32 v1, v4;
	_ =	sdelay $0x1  }
0x1d5: {  	v3 =	vadd.s32 v1, v3;
	_ =	sdelay $0x2  }
0x1d6: {  	[tilespmem:s19], [sflag:$0x1] =	stream.indirect_vreg.gather [hbm4b:s1+s3], $0x80, v4, vm0, $0xb8;
	[tilespmem:$0x10100] =	vst v63  }
0x1d7: {  	_ = 	snop  }
0x1d8: {  	[tilespmem:s20], [sflag:$0x1] =	stream.indirect_vreg.gather [hbm4b:s1+s3], $0x80, v3, vm0, $0xb8;
	[tilespmem:$0x10100] =	vst v63  }
0x1d9: {  	v3 =	vld [tilespmem:$0x70];
	_ =	sdelay $0x4  }
0x1da: {  	v63 =	vshll.u32 v3, $0x1  }
0x1db: {  	v3 =	vand.u32 $0x7, v3;
	v4 =	vand.u32 $0xFFFFFFF0, v63  }
0x1dc: {  	v3 =	vor.u32 v3, v4  }
0x1dd: {  	v4 =	vperm.xlane v3, v0;
	_ =	sdelay $0x1  }
0x1de: {  	v3 =	vperm.xlane v3, v2;
	v4 =	vadd.s32 v1, v4;
	_ =	sdelay $0x1  }
0x1df: {  	v3 =	vadd.s32 v1, v3;
	_ =	sdelay $0x2  }
0x1e0: {  	[tilespmem:s21], [sflag:$0x1] =	stream.indirect_vreg.gather [hbm4b:s1+s3], $0x80, v4, vm0, $0xb8;
	[tilespmem:$0x10100] =	vst v63  }
0x1e1: {  	_ = 	snop  }
0x1e2: {  	[tilespmem:s23], [sflag:$0x1] =	stream.indirect_vreg.gather [hbm4b:s1+s3], $0x80, v3, vm0, $0xb8;
	[tilespmem:$0x10100] =	vst v63  }
0x1e3: {  	_ =	swait.ge [sflag:s31], $0x8000  }
0x1e4: {  	[sflag:s31] =	ssyncset.done $0x0  }
0x1e5: {  	s0 =	rddreg [dreg:$0xc];
	[sflag:s31] =	ssyncadd.s32 $0xFFFF8000  }
0x1e6: {  	[hbm4b:s0+s3] =	stream.linear.scatter [tilespmem:s6], [sflag:$0x3], $0x8000, $0x38;
	[tilespmem:$0x10100] =	vst v63  }
0x1e7: {  	_ =	swait.ge [sflag:s5], $0x8000  }
0x1e8: {  	[sflag:s5] =	ssyncset.done $0x0  }
0x1e9: {  	[sflag:s5] =	ssyncadd.s32 $0xFFFF8000  }
0x1ea: {  	_ =	swait.ge [sflag:s30], $0x8000  }
0x1eb: {  	p0 =	sne.s32 s4, $0x1;
	[sflag:s30] =	ssyncset.done $0x0  }
.Ltmp0:
0x1ec: {  	s0 =	rddreg [dreg:$0xd];
	[sflag:s30] =	ssyncadd.s32 $0xFFFF8000;
	(pc) =	sbr.rel @p0 .LBB2_1-.Ltmp0, $4  }
0x1ed: {  	[hbm4b:s0+s3] =	stream.linear.scatter [tilespmem:s16], [sflag:$0x3], $0x8000, $0x38;
	[tilespmem:$0x10100] =	vst v63  }
0x1ee: {  	_ =	swait.ge [sflag:s5], $0x8000  }
0x1ef: {  	[sflag:s5] =	ssyncset.done $0x0  }
0x1f0: {  	s4 =	sadd.s32 $0xFFFFFFFF, s4;
	[sflag:s5] =	ssyncadd.s32 $0xFFFF8000  }
0x1f1: {  	_ =	sfence.sel $0x180000  }
0x1f2: {  	[bflag:$0x0] =	sbarrier.arrive $0xFFFF  }
0x1f3: {  	_ =	strace $0x90000047  }
0x1f4: {  	s0 =	stileid.u32;
	[bflag:$0x2] =	sbarrier.arrive $0xFFFF  }
0x1f5: {  	p0 =	sne.s32 s0, $0x0;
	s0 =	rddreg [dreg:$0x3]  }
0x1f6: {  	s0 =	sadd.s32 @!p0 $0x100000, s0  }
0x1f7: {  	[sflag:s0] =	ssyncadd.tile.s32 @!p0 $0x1;
	_ =	shalt  }
.Lfunc_end2:
_tile_overlayer_lowered:
.L_overlay_start_2:
0x1f8: {  	(tag) =	ssettag $0x2  }
0x1f9: {  	s0 =	rddreg [dreg:$0x0];
	s2 =	stileid.u32  }
0x1fa: {  	s1 =	rddreg [dreg:$0x1];
	p0 =	sne.s32 s2, $0x0  }
0x1fb: {  	s3 =	rddreg [dreg:$0x2];
	[bflag:$0x3] =	sbarrier.arrive $0xFFFF;
	s2 =	simm.s32 @!p0 $0x1C03  }
0x1fc: {  	[timem:s3], [sflag:s2] =	dma.local @!p0 [hbm:s0], s1  }
0x1fd: {  	s0 =	simm.s32 @!p0 $0x3  }
0x1fe: {  	_ =	swait.ge @!p0 [sflag:s0], s1  }
0x1ff: {  	s1 =	ssub.s32 @!p0 $0x0, s1;
	[sflag:s0] =	ssyncset.done @!p0 $0x0  }
0x200: {  	[sflag:s0] =	ssyncadd.s32 @!p0 s1  }
0x201: {  	[bflag:$0x3] =	sbarrier.arrive $0xFFFF  }
0x202: {  	_ =	shalt  }

</sc_bundles>
